<compile_context>
chip_gen: v7x
topology: tpu7x:2x2x1
jax: 0.10.2.dev20260603
libtpu: 0.0.44.dev20260713+nightly
codegen_flags: <defaults>
</compile_context>

<pallas_src>
import functools

import jax
import jax.numpy as jnp
from jax import lax
from jax.experimental import pallas as pl
from jax.experimental.pallas import tpu as pltpu
from jax.experimental.pallas import tpu_sc as plsc

NC = 2
NS = 16
CH = 128


def _sc_mesh():
    return plsc.VectorSubcoreMesh(core_axis_name="c", subcore_axis_name="s")




@functools.lru_cache(maxsize=None)
def _make_deg_kernel(NP: int, n_chunks: int, D: int):
    rows = NP // NS

    @functools.partial(
        pl.kernel,
        out_type=jax.ShapeDtypeStruct((2, NP, D), jnp.float32),
        mesh=_sc_mesh(),
        scratch_types=[
            pltpu.VMEM((n_chunks, CH), jnp.int32),
            pltpu.VMEM((CH, D), jnp.float32),
            pltpu.VMEM_SHARED((NP, D), jnp.float32),
            pltpu.SemaphoreType.DMA,
        ],
    )
    def deg_kernel(edges_h, zeros_h, ones_h, out_h, idx_v, val_v, acc_sh, sem):
        c = lax.axis_index("c")
        s = lax.axis_index("s")
        pltpu.sync_copy(zeros_h, val_v)
        off = 0
        while off < rows:
            n = min(CH, rows - off)
            pltpu.sync_copy(val_v.at[pl.ds(0, n)],
                            acc_sh.at[pl.ds(s * rows + off, n)])
            off += n
        pltpu.sync_copy(edges_h.at[c, s], idx_v)
        pltpu.sync_copy(ones_h, val_v)
        plsc.subcore_barrier()

        K = 4

        for j in range(K):
            pltpu.async_copy(val_v, acc_sh.at[idx_v.at[j]], sem, add=True)

        def body(j, carry):
            pltpu.make_async_copy(
                val_v, acc_sh.at[idx_v.at[0]], sem).wait()
            pltpu.async_copy(val_v, acc_sh.at[idx_v.at[j + K]], sem, add=True)
            return carry

        lax.fori_loop(0, n_chunks - K, body, 0)
        for j in range(K):
            pltpu.make_async_copy(
                val_v, acc_sh.at[idx_v.at[0]], sem).wait()
        plsc.subcore_barrier()
        pltpu.sync_copy(acc_sh.at[pl.ds(s * rows, rows)],
                        out_h.at[c, pl.ds(s * rows, rows)])

    return deg_kernel


@functools.lru_cache(maxsize=None)
def _make_agg_kernel(NP: int, n_chunks: int, D: int):
    rows = NP // NS
    IB = min(n_chunks, 40)
    blocks = []
    st = 0
    while st < n_chunks:
        blocks.append((st, min(IB, n_chunks - st)))
        st += IB

    @functools.partial(
        pl.kernel,
        out_type=jax.ShapeDtypeStruct((2, NP, D), jnp.float32),
        mesh=_sc_mesh(),
        scratch_types=[
            pltpu.VMEM((IB, CH), jnp.int32),
            pltpu.VMEM((IB, CH), jnp.int32),
            pltpu.VMEM((CH, D), jnp.float32),
            pltpu.VMEM((CH, D), jnp.float32),
            pltpu.VMEM_SHARED((NP, D), jnp.float32),
            pltpu.SemaphoreType.DMA,
            pltpu.SemaphoreType.DMA,
            pltpu.SemaphoreType.DMA,
            pltpu.SemaphoreType.DMA,
        ],
    )
    def agg_kernel(table_h, src_h, dst_h, zeros_h, out_h,
                   si_v, di_v, b0_v, b1_v, acc_sh, gs0, gs1, ss0, ss1):
        c = lax.axis_index("c")
        s = lax.axis_index("s")
        wid = c * NS + s
        pltpu.sync_copy(zeros_h, b0_v)
        off = 0
        while off < rows:
            n = min(CH, rows - off)
            pltpu.sync_copy(b0_v.at[pl.ds(0, n)],
                            acc_sh.at[pl.ds(s * rows + off, n)])
            off += n
        plsc.subcore_barrier()

        bufs = (b0_v, b1_v)
        gsems = (gs0, gs1)
        ssems = (ss0, ss1)

        H = CH // 2

        def fire_g(b, ch):
            pltpu.async_copy(table_h.at[si_v.at[ch, pl.ds(0, H)]],
                             bufs[b].at[pl.ds(0, H)], gsems[b])
            pltpu.async_copy(table_h.at[si_v.at[ch, pl.ds(H, H)]],
                             bufs[b].at[pl.ds(H, H)], gsems[b])

        def wait_g(b):
            for _ in range(2):
                pltpu.make_async_copy(
                    table_h.at[si_v.at[0, pl.ds(0, H)]],
                    bufs[b].at[pl.ds(0, H)], gsems[b]).wait()

        def wait_s(b):
            pltpu.make_async_copy(
                bufs[b], acc_sh.at[di_v.at[b]], ssems[b]).wait()

        for st_, nb in blocks:
            pltpu.sync_copy(src_h.at[wid, pl.ds(st_, nb)], si_v.at[pl.ds(0, nb)])
            pltpu.sync_copy(dst_h.at[wid, pl.ds(st_, nb)], di_v.at[pl.ds(0, nb)])
            for b in range(2):
                fire_g(b, b)

            def body(j, carry):
                ch0 = j * 2
                for b in range(2):
                    wait_g(b)
                    pltpu.async_copy(
                        bufs[b], acc_sh.at[di_v.at[ch0 + b]], ssems[b],
                        add=True)
                for b in range(2):
                    wait_s(b)
                    fire_g(b, ch0 + b + 2)
                return carry

            lax.fori_loop(0, nb // 2 - 1, body, 0)
            for b in range(2):
                wait_g(b)
                pltpu.async_copy(
                    bufs[b], acc_sh.at[di_v.at[nb - 2 + b]], ssems[b],
                    add=True)
            for b in range(2):
                wait_s(b)
        plsc.subcore_barrier()
        pltpu.sync_copy(acc_sh.at[pl.ds(s * rows, rows)],
                        out_h.at[c, pl.ds(s * rows, rows)])

    return agg_kernel




def _leaky(h):
    return jnp.where(h >= 0, h, 0.01 * h)


def _norm1(d):
    return jnp.where(d > 0, lax.rsqrt(jnp.maximum(d, 1e-12)), 0.0)


def _xs_body(x_ref, degs_ref, o_ref, n_ref):
    degs = degs_ref[...]
    ns = _norm1(degs[0][:, 0:1])
    nd = _norm1(degs[1][:, 0:1])
    o_ref[...] = x_ref[...] * ns
    n_ref[0] = jnp.broadcast_to(ns, n_ref.shape[1:])
    n_ref[1] = jnp.broadcast_to(nd, n_ref.shape[1:])


def _m1_body(agg_ref, n_ref, w_ref, b_ref, o_ref):
    a = agg_ref[0] + agg_ref[1]
    ns = n_ref[0][:, 0:1]
    nd = n_ref[1][:, 0:1]
    h = jnp.dot(a * nd, w_ref[...], preferred_element_type=jnp.float32)
    o_ref[...] = _leaky(h + b_ref[...]) * ns


def _m2_body(agg_ref, n_ref, w_ref, b_ref, wl_ref, bl_ref, o_ref):
    a = agg_ref[0] + agg_ref[1]
    nd = n_ref[1][:, 0:1]
    h = _leaky(jnp.dot(a * nd, w_ref[...],
                       preferred_element_type=jnp.float32) + b_ref[...])
    o_ref[...] = jnp.dot(h, wl_ref[...],
                         preferred_element_type=jnp.float32) + bl_ref[...]


@functools.lru_cache(maxsize=None)
def _make_tc_kernels(NP: int, D: int):
    R = NP // 16
    grid = (NP // R,)
    row_spec = pl.BlockSpec((R, D), lambda i: (i, 0))
    degs_spec = pl.BlockSpec((2, R, D), lambda i: (0, i, 0))
    agg_spec = pl.BlockSpec((2, R, D), lambda i: (0, i, 0))
    nrm_spec = pl.BlockSpec((2, R, 8), lambda i: (0, i, 0))
    w_spec = pl.BlockSpec((D, D), lambda i: (0, 0))
    b_spec = pl.BlockSpec((1, D), lambda i: (0, 0))
    out = jax.ShapeDtypeStruct((NP, D), jnp.float32)
    nrm_out = jax.ShapeDtypeStruct((2, NP, 8), jnp.float32)

    xs_call = pl.pallas_call(
        _xs_body, grid=grid, in_specs=[row_spec, degs_spec],
        out_specs=[row_spec, nrm_spec], out_shape=[out, nrm_out])
    m1_call = pl.pallas_call(
        _m1_body, grid=grid,
        in_specs=[agg_spec, nrm_spec, w_spec, b_spec],
        out_specs=row_spec, out_shape=out)
    m2_call = pl.pallas_call(
        _m2_body, grid=grid,
        in_specs=[agg_spec, nrm_spec, w_spec, b_spec, w_spec, b_spec],
        out_specs=row_spec, out_shape=out)
    return xs_call, m1_call, m2_call




def kernel(x, edge_index, W1, b1, W2, b2, Wl, bl):
    N, D = x.shape
    E = edge_index.shape[1]
    C = Wl.shape[1]

    NP = ((N + 1 + 255) // 256) * 256
    EPAD = ((E + 2 * NC * NS * CH - 1) // (2 * NC * NS * CH)) * (2 * NC * NS * CH)
    n_agg = EPAD // (NC * NS * CH)

    npad = EPAD - E
    tr = N + (jnp.arange(npad, dtype=jnp.int32) % (NP - N))
    e_pad = jnp.concatenate([edge_index, jnp.stack([tr, tr])], axis=1)
    n_deg = EPAD // (NS * CH)
    e_deg = e_pad.reshape(2, NS, n_deg, CH)
    src_agg = e_pad[0].reshape(NC * NS, n_agg, CH)
    dst_agg = e_pad[1].reshape(NC * NS, n_agg, CH)

    xp = jnp.zeros((NP, D), jnp.float32).at[:N].set(x)
    ones_c = jnp.ones((CH, D), jnp.float32)
    zeros_c = jnp.zeros((CH, D), jnp.float32)
    b1p = b1.reshape(1, D)
    b2p = b2.reshape(1, D)
    Wlp = jnp.zeros((D, D), jnp.float32).at[:, :C].set(Wl)
    blp = jnp.zeros((1, D), jnp.float32).at[0, :C].set(bl)

    deg_k = _make_deg_kernel(NP, n_deg, D)
    agg_k = _make_agg_kernel(NP, n_agg, D)
    xs_call, m1_call, m2_call = _make_tc_kernels(NP, D)

    degs = deg_k(e_deg, zeros_c, ones_c)
    xs, nrms = xs_call(xp, degs)
    agg1 = agg_k(xs, src_agg, dst_agg, zeros_c)
    h1s = m1_call(agg1, nrms, W1, b1p)
    agg2 = agg_k(h1s, src_agg, dst_agg, zeros_c)
    outp = m2_call(agg2, nrms, W2, b2p, Wlp, blp)
    return outp[:N, :C]

# --- scband reference (transcript-rebuilt; emitter-appended) ---
"""Pipeline reference for scband-gcn-26087631356715 (READ-ONLY COPY).

The authoritative reference and input builder live on the scoring server;
editing this copy changes nothing except your own understanding.
"""

import jax, jax.numpy as jnp
import numpy as np

N = 10000
E = 320000
D = 128
C = 2


def setup_inputs(seed: int = 0):
    key = jax.random.key(seed)
    ks = jax.random.split(key, 8)
    x = jax.random.normal(ks[0], (N, D), dtype=jnp.float32)
    edge_index = jax.random.randint(ks[1], (2, E), 0, N, dtype=jnp.int32)
    s = 1.0 / np.sqrt(D)
    W1 = jax.random.normal(ks[2], (D, D), dtype=jnp.float32) * s
    b1 = jnp.zeros((D,), dtype=jnp.float32)
    W2 = jax.random.normal(ks[3], (D, D), dtype=jnp.float32) * s
    b2 = jnp.zeros((D,), dtype=jnp.float32)
    Wl = jax.random.normal(ks[4], (D, C), dtype=jnp.float32) * s
    bl = jnp.zeros((C,), dtype=jnp.float32)
    return {"x": x, "edge_index": edge_index, "W1": W1, "b1": b1, "W2": W2, "b2": b2, "Wl": Wl, "bl": bl}


def _leaky_relu(x):
    return jnp.where(x >= 0, x, 0.01 * x)


def _graph_conv(x, edge_index, W, b):
    # DGL GraphConv with norm='both': h = D_dst^{-1/2} A D_src^{-1/2} x W + b
    src = edge_index[0]
    dst = edge_index[1]
    n = x.shape[0]
    ones = jnp.ones((src.shape[0],), dtype=x.dtype)
    deg_out = jnp.zeros((n,), dtype=x.dtype).at[src].add(ones)
    deg_in = jnp.zeros((n,), dtype=x.dtype).at[dst].add(ones)
    norm_src = jnp.where(deg_out > 0, jax.lax.rsqrt(jnp.maximum(deg_out, 1e-12)), 0.0)
    norm_dst = jnp.where(deg_in > 0, jax.lax.rsqrt(jnp.maximum(deg_in, 1e-12)), 0.0)
    h = x * norm_src[:, None]
    msg = jnp.take(h, src, axis=0)
    agg = jnp.zeros_like(h).at[dst].add(msg)
    agg = agg * norm_dst[:, None]
    return agg @ W + b


def reference(x, edge_index, W1, b1, W2, b2, Wl, bl):
    h = _leaky_relu(_graph_conv(x, edge_index, W1, b1))
    h = _leaky_relu(_graph_conv(h, edge_index, W2, b2))
    out = h @ Wl + bl
    return out

if __name__ == "__main__":
    import jax
    _d = setup_inputs()
    print(jax.jit(kernel)(*tuple(_d.values())))

</pallas_src>

<mosaic_0001>
#map = affine_map<(d0, d1) -> (0, 0, 0, 0)>
#map1 = affine_map<(d0, d1) -> (0, 0)>
#map2 = affine_map<(d0, d1) -> (0, 0, 0)>
module attributes {stable_mosaic.version = 14 : i64} {
  func.func @deg_kernel(%arg0: i32, %arg1: i32, %arg2: memref<2x16x160x128xi32, #tpu.memory_space<hbm>>, %arg3: memref<128x128xf32, #tpu.memory_space<hbm>>, %arg4: memref<128x128xf32, #tpu.memory_space<hbm>>, %arg5: memref<2x10240x128xf32, #tpu.memory_space<hbm>>, %arg6: memref<160x128xi32, #tpu.memory_space<vmem>>, %arg7: memref<128x128xf32, #tpu.memory_space<vmem>>, %arg8: memref<10240x128xf32, #tpu.memory_space<vmem_shared>>, %arg9: memref<!tpu.dma_semaphore, #tpu.memory_space<semaphore_mem>>) attributes {dimension_semantics = [#tpu.dimension_semantics<core_parallel>, #tpu.dimension_semantics<subcore_parallel>], iteration_bounds = array<i64: 2, 16>, scalar_prefetch = 0 : i64, scratch_operands = 4 : i64, tpu.core_type = #tpu.core_type<sc_vector_subcore>, window_params = [{transform_indices = #map}, {transform_indices = #map1}, {transform_indices = #map1}, {transform_indices = #map2}]} {
    "tpu.region"() ({
      %run_scoped3A = tpu.sem_alloc : memref<!tpu.dma_semaphore, #tpu.memory_space<semaphore_mem>>
      tpu.enqueue_dma source(%arg3 : memref<128x128xf32, #tpu.memory_space<hbm>>) target(%arg7 : memref<128x128xf32, #tpu.memory_space<vmem>>) target_semaphore(%run_scoped3A : memref<!tpu.dma_semaphore, #tpu.memory_space<semaphore_mem>>)
      tpu.wait_dma2 semaphore(%run_scoped3A : memref<!tpu.dma_semaphore, #tpu.memory_space<semaphore_mem>>) src(%arg3 : memref<128x128xf32, #tpu.memory_space<hbm>>) dst(%arg7 : memref<128x128xf32, #tpu.memory_space<vmem>>)
      tpu.yield
    }) : () -> ()
    %mul3A = arith.constant 640 : i32
    %mul3A_0 = arith.muli %arg1, %mul3A : i32
    %add3A = arith.constant 0 : i32
    %add3A_1 = arith.addi %mul3A_0, %add3A : i32
    "tpu.region"() ({
      %run_scoped3A = tpu.sem_alloc : memref<!tpu.dma_semaphore, #tpu.memory_space<semaphore_mem>>
      %dma_start3A_82 = arith.constant 0 : i32
      %dma_start3A_83 = arith.constant 0 : i32
      %dma_start3A_84 = tpu.memref_slice %arg7[%dma_start3A_82, %dma_start3A_83] : memref<128x128xf32, #tpu.memory_space<vmem>> -> memref<128x128xf32, #tpu.memory_space<vmem>>
      %dma_start3A_85 = arith.constant 0 : i32
      %dma_start3A_86 = tpu.memref_slice %arg8[%add3A_1, %dma_start3A_85] : memref<10240x128xf32, #tpu.memory_space<vmem_shared>> -> memref<128x128xf32, #tpu.memory_space<vmem_shared>>
      %dma_start3A_87 = arith.constant 0 : i32
      %dma_start3A_88 = tpu.memref_slice %arg8[%add3A_1, %dma_start3A_87] : memref<10240x128xf32, #tpu.memory_space<vmem_shared>> -> memref<128x128xf32, #tpu.memory_space<vmem_shared>>
      %dma_start3A_89 = arith.constant 0 : i32
      %dma_start3A_90 = arith.constant 0 : i32
      %dma_start3A_91 = tpu.memref_slice %arg7[%dma_start3A_89, %dma_start3A_90] : memref<128x128xf32, #tpu.memory_space<vmem>> -> memref<128x128xf32, #tpu.memory_space<vmem>>
      tpu.enqueue_dma source(%dma_start3A_91 : memref<128x128xf32, #tpu.memory_space<vmem>>) target(%dma_start3A_88 : memref<128x128xf32, #tpu.memory_space<vmem_shared>>) target_semaphore(%run_scoped3A : memref<!tpu.dma_semaphore, #tpu.memory_space<semaphore_mem>>)
      %dma_wait3A_92 = arith.constant 0 : i32
      %dma_wait3A_93 = arith.constant 0 : i32
      %dma_wait3A_94 = tpu.memref_slice %arg7[%dma_wait3A_92, %dma_wait3A_93] : memref<128x128xf32, #tpu.memory_space<vmem>> -> memref<128x128xf32, #tpu.memory_space<vmem>>
      %dma_wait3A_95 = arith.constant 0 : i32
      %dma_wait3A_96 = tpu.memref_slice %arg8[%add3A_1, %dma_wait3A_95] : memref<10240x128xf32, #tpu.memory_space<vmem_shared>> -> memref<128x128xf32, #tpu.memory_space<vmem_shared>>
      %dma_wait3A_97 = arith.constant 0 : i32
      %dma_wait3A_98 = tpu.memref_slice %arg8[%add3A_1, %dma_wait3A_97] : memref<10240x128xf32, #tpu.memory_space<vmem_shared>> -> memref<128x128xf32, #tpu.memory_space<vmem_shared>>
      %dma_wait3A_99 = arith.constant 0 : i32
      %dma_wait3A_100 = arith.constant 0 : i32
      %dma_wait3A_101 = tpu.memref_slice %arg7[%dma_wait3A_99, %dma_wait3A_100] : memref<128x128xf32, #tpu.memory_space<vmem>> -> memref<128x128xf32, #tpu.memory_space<vmem>>
      tpu.wait_dma2 semaphore(%run_scoped3A : memref<!tpu.dma_semaphore, #tpu.memory_space<semaphore_mem>>) src(%dma_wait3A_101 : memref<128x128xf32, #tpu.memory_space<vmem>>) dst(%dma_wait3A_98 : memref<128x128xf32, #tpu.memory_space<vmem_shared>>)
      tpu.yield
    }) : () -> ()
    %mul3A_2 = arith.constant 640 : i32
    %mul3A_3 = arith.muli %arg1, %mul3A_2 : i32
    %add3A_4 = arith.constant 128 : i32
    %add3A_5 = arith.addi %mul3A_3, %add3A_4 : i32
    "tpu.region"() ({
      %run_scoped3A = tpu.sem_alloc : memref<!tpu.dma_semaphore, #tpu.memory_space<semaphore_mem>>
      %dma_start3A_82 = arith.constant 0 : i32
      %dma_start3A_83 = arith.constant 0 : i32
      %dma_start3A_84 = tpu.memref_slice %arg7[%dma_start3A_82, %dma_start3A_83] : memref<128x128xf32, #tpu.memory_space<vmem>> -> memref<128x128xf32, #tpu.memory_space<vmem>>
      %dma_start3A_85 = arith.constant 0 : i32
      %dma_start3A_86 = tpu.memref_slice %arg8[%add3A_5, %dma_start3A_85] : memref<10240x128xf32, #tpu.memory_space<vmem_shared>> -> memref<128x128xf32, #tpu.memory_space<vmem_shared>>
      %dma_start3A_87 = arith.constant 0 : i32
      %dma_start3A_88 = tpu.memref_slice %arg8[%add3A_5, %dma_start3A_87] : memref<10240x128xf32, #tpu.memory_space<vmem_shared>> -> memref<128x128xf32, #tpu.memory_space<vmem_shared>>
      %dma_start3A_89 = arith.constant 0 : i32
      %dma_start3A_90 = arith.constant 0 : i32
      %dma_start3A_91 = tpu.memref_slice %arg7[%dma_start3A_89, %dma_start3A_90] : memref<128x128xf32, #tpu.memory_space<vmem>> -> memref<128x128xf32, #tpu.memory_space<vmem>>
      tpu.enqueue_dma source(%dma_start3A_91 : memref<128x128xf32, #tpu.memory_space<vmem>>) target(%dma_start3A_88 : memref<128x128xf32, #tpu.memory_space<vmem_shared>>) target_semaphore(%run_scoped3A : memref<!tpu.dma_semaphore, #tpu.memory_space<semaphore_mem>>)
      %dma_wait3A_92 = arith.constant 0 : i32
      %dma_wait3A_93 = arith.constant 0 : i32
      %dma_wait3A_94 = tpu.memref_slice %arg7[%dma_wait3A_92, %dma_wait3A_93] : memref<128x128xf32, #tpu.memory_space<vmem>> -> memref<128x128xf32, #tpu.memory_space<vmem>>
      %dma_wait3A_95 = arith.constant 0 : i32
      %dma_wait3A_96 = tpu.memref_slice %arg8[%add3A_5, %dma_wait3A_95] : memref<10240x128xf32, #tpu.memory_space<vmem_shared>> -> memref<128x128xf32, #tpu.memory_space<vmem_shared>>
      %dma_wait3A_97 = arith.constant 0 : i32
      %dma_wait3A_98 = tpu.memref_slice %arg8[%add3A_5, %dma_wait3A_97] : memref<10240x128xf32, #tpu.memory_space<vmem_shared>> -> memref<128x128xf32, #tpu.memory_space<vmem_shared>>
      %dma_wait3A_99 = arith.constant 0 : i32
      %dma_wait3A_100 = arith.constant 0 : i32
      %dma_wait3A_101 = tpu.memref_slice %arg7[%dma_wait3A_99, %dma_wait3A_100] : memref<128x128xf32, #tpu.memory_space<vmem>> -> memref<128x128xf32, #tpu.memory_space<vmem>>
      tpu.wait_dma2 semaphore(%run_scoped3A : memref<!tpu.dma_semaphore, #tpu.memory_space<semaphore_mem>>) src(%dma_wait3A_101 : memref<128x128xf32, #tpu.memory_space<vmem>>) dst(%dma_wait3A_98 : memref<128x128xf32, #tpu.memory_space<vmem_shared>>)
      tpu.yield
    }) : () -> ()
    %mul3A_6 = arith.constant 640 : i32
    %mul3A_7 = arith.muli %arg1, %mul3A_6 : i32
    %add3A_8 = arith.constant 256 : i32
    %add3A_9 = arith.addi %mul3A_7, %add3A_8 : i32
    "tpu.region"() ({
      %run_scoped3A = tpu.sem_alloc : memref<!tpu.dma_semaphore, #tpu.memory_space<semaphore_mem>>
      %dma_start3A_82 = arith.constant 0 : i32
      %dma_start3A_83 = arith.constant 0 : i32
      %dma_start3A_84 = tpu.memref_slice %arg7[%dma_start3A_82, %dma_start3A_83] : memref<128x128xf32, #tpu.memory_space<vmem>> -> memref<128x128xf32, #tpu.memory_space<vmem>>
      %dma_start3A_85 = arith.constant 0 : i32
      %dma_start3A_86 = tpu.memref_slice %arg8[%add3A_9, %dma_start3A_85] : memref<10240x128xf32, #tpu.memory_space<vmem_shared>> -> memref<128x128xf32, #tpu.memory_space<vmem_shared>>
      %dma_start3A_87 = arith.constant 0 : i32
      %dma_start3A_88 = tpu.memref_slice %arg8[%add3A_9, %dma_start3A_87] : memref<10240x128xf32, #tpu.memory_space<vmem_shared>> -> memref<128x128xf32, #tpu.memory_space<vmem_shared>>
      %dma_start3A_89 = arith.constant 0 : i32
      %dma_start3A_90 = arith.constant 0 : i32
      %dma_start3A_91 = tpu.memref_slice %arg7[%dma_start3A_89, %dma_start3A_90] : memref<128x128xf32, #tpu.memory_space<vmem>> -> memref<128x128xf32, #tpu.memory_space<vmem>>
      tpu.enqueue_dma source(%dma_start3A_91 : memref<128x128xf32, #tpu.memory_space<vmem>>) target(%dma_start3A_88 : memref<128x128xf32, #tpu.memory_space<vmem_shared>>) target_semaphore(%run_scoped3A : memref<!tpu.dma_semaphore, #tpu.memory_space<semaphore_mem>>)
      %dma_wait3A_92 = arith.constant 0 : i32
      %dma_wait3A_93 = arith.constant 0 : i32
      %dma_wait3A_94 = tpu.memref_slice %arg7[%dma_wait3A_92, %dma_wait3A_93] : memref<128x128xf32, #tpu.memory_space<vmem>> -> memref<128x128xf32, #tpu.memory_space<vmem>>
      %dma_wait3A_95 = arith.constant 0 : i32
      %dma_wait3A_96 = tpu.memref_slice %arg8[%add3A_9, %dma_wait3A_95] : memref<10240x128xf32, #tpu.memory_space<vmem_shared>> -> memref<128x128xf32, #tpu.memory_space<vmem_shared>>
      %dma_wait3A_97 = arith.constant 0 : i32
      %dma_wait3A_98 = tpu.memref_slice %arg8[%add3A_9, %dma_wait3A_97] : memref<10240x128xf32, #tpu.memory_space<vmem_shared>> -> memref<128x128xf32, #tpu.memory_space<vmem_shared>>
      %dma_wait3A_99 = arith.constant 0 : i32
      %dma_wait3A_100 = arith.constant 0 : i32
      %dma_wait3A_101 = tpu.memref_slice %arg7[%dma_wait3A_99, %dma_wait3A_100] : memref<128x128xf32, #tpu.memory_space<vmem>> -> memref<128x128xf32, #tpu.memory_space<vmem>>
      tpu.wait_dma2 semaphore(%run_scoped3A : memref<!tpu.dma_semaphore, #tpu.memory_space<semaphore_mem>>) src(%dma_wait3A_101 : memref<128x128xf32, #tpu.memory_space<vmem>>) dst(%dma_wait3A_98 : memref<128x128xf32, #tpu.memory_space<vmem_shared>>)
      tpu.yield
    }) : () -> ()
    %mul3A_10 = arith.constant 640 : i32
    %mul3A_11 = arith.muli %arg1, %mul3A_10 : i32
    %add3A_12 = arith.constant 384 : i32
    %add3A_13 = arith.addi %mul3A_11, %add3A_12 : i32
    "tpu.region"() ({
      %run_scoped3A = tpu.sem_alloc : memref<!tpu.dma_semaphore, #tpu.memory_space<semaphore_mem>>
      %dma_start3A_82 = arith.constant 0 : i32
      %dma_start3A_83 = arith.constant 0 : i32
      %dma_start3A_84 = tpu.memref_slice %arg7[%dma_start3A_82, %dma_start3A_83] : memref<128x128xf32, #tpu.memory_space<vmem>> -> memref<128x128xf32, #tpu.memory_space<vmem>>
      %dma_start3A_85 = arith.constant 0 : i32
      %dma_start3A_86 = tpu.memref_slice %arg8[%add3A_13, %dma_start3A_85] : memref<10240x128xf32, #tpu.memory_space<vmem_shared>> -> memref<128x128xf32, #tpu.memory_space<vmem_shared>>
      %dma_start3A_87 = arith.constant 0 : i32
      %dma_start3A_88 = tpu.memref_slice %arg8[%add3A_13, %dma_start3A_87] : memref<10240x128xf32, #tpu.memory_space<vmem_shared>> -> memref<128x128xf32, #tpu.memory_space<vmem_shared>>
      %dma_start3A_89 = arith.constant 0 : i32
      %dma_start3A_90 = arith.constant 0 : i32
      %dma_start3A_91 = tpu.memref_slice %arg7[%dma_start3A_89, %dma_start3A_90] : memref<128x128xf32, #tpu.memory_space<vmem>> -> memref<128x128xf32, #tpu.memory_space<vmem>>
      tpu.enqueue_dma source(%dma_start3A_91 : memref<128x128xf32, #tpu.memory_space<vmem>>) target(%dma_start3A_88 : memref<128x128xf32, #tpu.memory_space<vmem_shared>>) target_semaphore(%run_scoped3A : memref<!tpu.dma_semaphore, #tpu.memory_space<semaphore_mem>>)
      %dma_wait3A_92 = arith.constant 0 : i32
      %dma_wait3A_93 = arith.constant 0 : i32
      %dma_wait3A_94 = tpu.memref_slice %arg7[%dma_wait3A_92, %dma_wait3A_93] : memref<128x128xf32, #tpu.memory_space<vmem>> -> memref<128x128xf32, #tpu.memory_space<vmem>>
      %dma_wait3A_95 = arith.constant 0 : i32
      %dma_wait3A_96 = tpu.memref_slice %arg8[%add3A_13, %dma_wait3A_95] : memref<10240x128xf32, #tpu.memory_space<vmem_shared>> -> memref<128x128xf32, #tpu.memory_space<vmem_shared>>
      %dma_wait3A_97 = arith.constant 0 : i32
      %dma_wait3A_98 = tpu.memref_slice %arg8[%add3A_13, %dma_wait3A_97] : memref<10240x128xf32, #tpu.memory_space<vmem_shared>> -> memref<128x128xf32, #tpu.memory_space<vmem_shared>>
      %dma_wait3A_99 = arith.constant 0 : i32
      %dma_wait3A_100 = arith.constant 0 : i32
      %dma_wait3A_101 = tpu.memref_slice %arg7[%dma_wait3A_99, %dma_wait3A_100] : memref<128x128xf32, #tpu.memory_space<vmem>> -> memref<128x128xf32, #tpu.memory_space<vmem>>
      tpu.wait_dma2 semaphore(%run_scoped3A : memref<!tpu.dma_semaphore, #tpu.memory_space<semaphore_mem>>) src(%dma_wait3A_101 : memref<128x128xf32, #tpu.memory_space<vmem>>) dst(%dma_wait3A_98 : memref<128x128xf32, #tpu.memory_space<vmem_shared>>)
      tpu.yield
    }) : () -> ()
    %mul3A_14 = arith.constant 640 : i32
    %mul3A_15 = arith.muli %arg1, %mul3A_14 : i32
    %add3A_16 = arith.constant 512 : i32
    %add3A_17 = arith.addi %mul3A_15, %add3A_16 : i32
    "tpu.region"() ({
      %run_scoped3A = tpu.sem_alloc : memref<!tpu.dma_semaphore, #tpu.memory_space<semaphore_mem>>
      %dma_start3A_82 = arith.constant 0 : i32
      %dma_start3A_83 = arith.constant 0 : i32
      %dma_start3A_84 = tpu.memref_slice %arg7[%dma_start3A_82, %dma_start3A_83] : memref<128x128xf32, #tpu.memory_space<vmem>> -> memref<128x128xf32, #tpu.memory_space<vmem>>
      %dma_start3A_85 = arith.constant 0 : i32
      %dma_start3A_86 = tpu.memref_slice %arg8[%add3A_17, %dma_start3A_85] : memref<10240x128xf32, #tpu.memory_space<vmem_shared>> -> memref<128x128xf32, #tpu.memory_space<vmem_shared>>
      %dma_start3A_87 = arith.constant 0 : i32
      %dma_start3A_88 = tpu.memref_slice %arg8[%add3A_17, %dma_start3A_87] : memref<10240x128xf32, #tpu.memory_space<vmem_shared>> -> memref<128x128xf32, #tpu.memory_space<vmem_shared>>
      %dma_start3A_89 = arith.constant 0 : i32
      %dma_start3A_90 = arith.constant 0 : i32
      %dma_start3A_91 = tpu.memref_slice %arg7[%dma_start3A_89, %dma_start3A_90] : memref<128x128xf32, #tpu.memory_space<vmem>> -> memref<128x128xf32, #tpu.memory_space<vmem>>
      tpu.enqueue_dma source(%dma_start3A_91 : memref<128x128xf32, #tpu.memory_space<vmem>>) target(%dma_start3A_88 : memref<128x128xf32, #tpu.memory_space<vmem_shared>>) target_semaphore(%run_scoped3A : memref<!tpu.dma_semaphore, #tpu.memory_space<semaphore_mem>>)
      %dma_wait3A_92 = arith.constant 0 : i32
      %dma_wait3A_93 = arith.constant 0 : i32
      %dma_wait3A_94 = tpu.memref_slice %arg7[%dma_wait3A_92, %dma_wait3A_93] : memref<128x128xf32, #tpu.memory_space<vmem>> -> memref<128x128xf32, #tpu.memory_space<vmem>>
      %dma_wait3A_95 = arith.constant 0 : i32
      %dma_wait3A_96 = tpu.memref_slice %arg8[%add3A_17, %dma_wait3A_95] : memref<10240x128xf32, #tpu.memory_space<vmem_shared>> -> memref<128x128xf32, #tpu.memory_space<vmem_shared>>
      %dma_wait3A_97 = arith.constant 0 : i32
      %dma_wait3A_98 = tpu.memref_slice %arg8[%add3A_17, %dma_wait3A_97] : memref<10240x128xf32, #tpu.memory_space<vmem_shared>> -> memref<128x128xf32, #tpu.memory_space<vmem_shared>>
      %dma_wait3A_99 = arith.constant 0 : i32
      %dma_wait3A_100 = arith.constant 0 : i32
      %dma_wait3A_101 = tpu.memref_slice %arg7[%dma_wait3A_99, %dma_wait3A_100] : memref<128x128xf32, #tpu.memory_space<vmem>> -> memref<128x128xf32, #tpu.memory_space<vmem>>
      tpu.wait_dma2 semaphore(%run_scoped3A : memref<!tpu.dma_semaphore, #tpu.memory_space<semaphore_mem>>) src(%dma_wait3A_101 : memref<128x128xf32, #tpu.memory_space<vmem>>) dst(%dma_wait3A_98 : memref<128x128xf32, #tpu.memory_space<vmem_shared>>)
      tpu.yield
    }) : () -> ()
    "tpu.region"() ({
      %run_scoped3A = tpu.sem_alloc : memref<!tpu.dma_semaphore, #tpu.memory_space<semaphore_mem>>
      %dma_start3A_82 = arith.constant 0 : i32
      %dma_start3A_83 = arith.constant 0 : i32
      %dma_start3A_84 = tpu.memref_slice %arg2[%arg0, %arg1, %dma_start3A_82, %dma_start3A_83] : memref<2x16x160x128xi32, #tpu.memory_space<hbm>> -> memref<1x1x160x128xi32, #tpu.memory_space<hbm>>
      %dma_start3A_85 = tpu.memref_squeeze %dma_start3A_84 : memref<1x1x160x128xi32, #tpu.memory_space<hbm>> -> memref<160x128xi32, #tpu.memory_space<hbm>>
      %dma_start3A_86 = arith.constant 0 : i32
      %dma_start3A_87 = arith.constant 0 : i32
      %dma_start3A_88 = tpu.memref_slice %arg2[%arg0, %arg1, %dma_start3A_86, %dma_start3A_87] : memref<2x16x160x128xi32, #tpu.memory_space<hbm>> -> memref<1x1x160x128xi32, #tpu.memory_space<hbm>>
      %dma_start3A_89 = tpu.memref_squeeze %dma_start3A_88 : memref<1x1x160x128xi32, #tpu.memory_space<hbm>> -> memref<160x128xi32, #tpu.memory_space<hbm>>
      tpu.enqueue_dma source(%dma_start3A_89 : memref<160x128xi32, #tpu.memory_space<hbm>>) target(%arg6 : memref<160x128xi32, #tpu.memory_space<vmem>>) target_semaphore(%run_scoped3A : memref<!tpu.dma_semaphore, #tpu.memory_space<semaphore_mem>>)
      %dma_wait3A_90 = arith.constant 0 : i32
      %dma_wait3A_91 = arith.constant 0 : i32
      %dma_wait3A_92 = tpu.memref_slice %arg2[%arg0, %arg1, %dma_wait3A_90, %dma_wait3A_91] : memref<2x16x160x128xi32, #tpu.memory_space<hbm>> -> memref<1x1x160x128xi32, #tpu.memory_space<hbm>>
      %dma_wait3A_93 = tpu.memref_squeeze %dma_wait3A_92 : memref<1x1x160x128xi32, #tpu.memory_space<hbm>> -> memref<160x128xi32, #tpu.memory_space<hbm>>
      %dma_wait3A_94 = arith.constant 0 : i32
      %dma_wait3A_95 = arith.constant 0 : i32
      %dma_wait3A_96 = tpu.memref_slice %arg2[%arg0, %arg1, %dma_wait3A_94, %dma_wait3A_95] : memref<2x16x160x128xi32, #tpu.memory_space<hbm>> -> memref<1x1x160x128xi32, #tpu.memory_space<hbm>>
      %dma_wait3A_97 = tpu.memref_squeeze %dma_wait3A_96 : memref<1x1x160x128xi32, #tpu.memory_space<hbm>> -> memref<160x128xi32, #tpu.memory_space<hbm>>
      tpu.wait_dma2 semaphore(%run_scoped3A : memref<!tpu.dma_semaphore, #tpu.memory_space<semaphore_mem>>) src(%dma_wait3A_97 : memref<160x128xi32, #tpu.memory_space<hbm>>) dst(%arg6 : memref<160x128xi32, #tpu.memory_space<vmem>>)
      tpu.yield
    }) : () -> ()
    "tpu.region"() ({
      %run_scoped3A = tpu.sem_alloc : memref<!tpu.dma_semaphore, #tpu.memory_space<semaphore_mem>>
      tpu.enqueue_dma source(%arg4 : memref<128x128xf32, #tpu.memory_space<hbm>>) target(%arg7 : memref<128x128xf32, #tpu.memory_space<vmem>>) target_semaphore(%run_scoped3A : memref<!tpu.dma_semaphore, #tpu.memory_space<semaphore_mem>>)
      tpu.wait_dma2 semaphore(%run_scoped3A : memref<!tpu.dma_semaphore, #tpu.memory_space<semaphore_mem>>) src(%arg4 : memref<128x128xf32, #tpu.memory_space<hbm>>) dst(%arg7 : memref<128x128xf32, #tpu.memory_space<vmem>>)
      tpu.yield
    }) : () -> ()
    %barrier3A = arith.constant 0 : index
    tpu.barrier barrier_id(%barrier3A)
    %dma_start3A = arith.constant 0 : i32
    %dma_start3A_18 = arith.constant 0 : i32
    %dma_start3A_19 = tpu.memref_slice %arg6[%dma_start3A, %dma_start3A_18] : memref<160x128xi32, #tpu.memory_space<vmem>> -> memref<1x128xi32, #tpu.memory_space<vmem>>
    %dma_start3A_20 = tpu.memref_squeeze %dma_start3A_19 : memref<1x128xi32, #tpu.memory_space<vmem>> -> memref<128xi32, #tpu.memory_space<vmem>>
    %dma_start3A_21 = arith.constant 0 : i32
    %dma_start3A_22 = arith.constant 0 : i32
    %dma_start3A_23 = tpu.memref_slice %arg8[%dma_start3A_21, %dma_start3A_22] : memref<10240x128xf32, #tpu.memory_space<vmem_shared>> -> memref<10240x128xf32, #tpu.memory_space<vmem_shared>>
    tpu.enqueue_indirect_dma source(%arg7 : memref<128x128xf32, #tpu.memory_space<vmem>>) target(%dma_start3A_23 : memref<10240x128xf32, #tpu.memory_space<vmem_shared>>) offsets(%dma_start3A_20 : memref<128xi32, #tpu.memory_space<vmem>>) semaphore(%arg9 : memref<!tpu.dma_semaphore, #tpu.memory_space<semaphore_mem>>) {add = true}
    %dma_start3A_24 = arith.constant 1 : i32
    %dma_start3A_25 = arith.constant 0 : i32
    %dma_start3A_26 = tpu.memref_slice %arg6[%dma_start3A_24, %dma_start3A_25] : memref<160x128xi32, #tpu.memory_space<vmem>> -> memref<1x128xi32, #tpu.memory_space<vmem>>
    %dma_start3A_27 = tpu.memref_squeeze %dma_start3A_26 : memref<1x128xi32, #tpu.memory_space<vmem>> -> memref<128xi32, #tpu.memory_space<vmem>>
    %dma_start3A_28 = arith.constant 0 : i32
    %dma_start3A_29 = arith.constant 0 : i32
    %dma_start3A_30 = tpu.memref_slice %arg8[%dma_start3A_28, %dma_start3A_29] : memref<10240x128xf32, #tpu.memory_space<vmem_shared>> -> memref<10240x128xf32, #tpu.memory_space<vmem_shared>>
    tpu.enqueue_indirect_dma source(%arg7 : memref<128x128xf32, #tpu.memory_space<vmem>>) target(%dma_start3A_30 : memref<10240x128xf32, #tpu.memory_space<vmem_shared>>) offsets(%dma_start3A_27 : memref<128xi32, #tpu.memory_space<vmem>>) semaphore(%arg9 : memref<!tpu.dma_semaphore, #tpu.memory_space<semaphore_mem>>) {add = true}
    %dma_start3A_31 = arith.constant 2 : i32
    %dma_start3A_32 = arith.constant 0 : i32
    %dma_start3A_33 = tpu.memref_slice %arg6[%dma_start3A_31, %dma_start3A_32] : memref<160x128xi32, #tpu.memory_space<vmem>> -> memref<1x128xi32, #tpu.memory_space<vmem>>
    %dma_start3A_34 = tpu.memref_squeeze %dma_start3A_33 : memref<1x128xi32, #tpu.memory_space<vmem>> -> memref<128xi32, #tpu.memory_space<vmem>>
    %dma_start3A_35 = arith.constant 0 : i32
    %dma_start3A_36 = arith.constant 0 : i32
    %dma_start3A_37 = tpu.memref_slice %arg8[%dma_start3A_35, %dma_start3A_36] : memref<10240x128xf32, #tpu.memory_space<vmem_shared>> -> memref<10240x128xf32, #tpu.memory_space<vmem_shared>>
    tpu.enqueue_indirect_dma source(%arg7 : memref<128x128xf32, #tpu.memory_space<vmem>>) target(%dma_start3A_37 : memref<10240x128xf32, #tpu.memory_space<vmem_shared>>) offsets(%dma_start3A_34 : memref<128xi32, #tpu.memory_space<vmem>>) semaphore(%arg9 : memref<!tpu.dma_semaphore, #tpu.memory_space<semaphore_mem>>) {add = true}
    %dma_start3A_38 = arith.constant 3 : i32
    %dma_start3A_39 = arith.constant 0 : i32
    %dma_start3A_40 = tpu.memref_slice %arg6[%dma_start3A_38, %dma_start3A_39] : memref<160x128xi32, #tpu.memory_space<vmem>> -> memref<1x128xi32, #tpu.memory_space<vmem>>
    %dma_start3A_41 = tpu.memref_squeeze %dma_start3A_40 : memref<1x128xi32, #tpu.memory_space<vmem>> -> memref<128xi32, #tpu.memory_space<vmem>>
    %dma_start3A_42 = arith.constant 0 : i32
    %dma_start3A_43 = arith.constant 0 : i32
    %dma_start3A_44 = tpu.memref_slice %arg8[%dma_start3A_42, %dma_start3A_43] : memref<10240x128xf32, #tpu.memory_space<vmem_shared>> -> memref<10240x128xf32, #tpu.memory_space<vmem_shared>>
    tpu.enqueue_indirect_dma source(%arg7 : memref<128x128xf32, #tpu.memory_space<vmem>>) target(%dma_start3A_44 : memref<10240x128xf32, #tpu.memory_space<vmem_shared>>) offsets(%dma_start3A_41 : memref<128xi32, #tpu.memory_space<vmem>>) semaphore(%arg9 : memref<!tpu.dma_semaphore, #tpu.memory_space<semaphore_mem>>) {add = true}
    %scan3A = arith.constant 0 : i32
    %scan3A_45 = arith.constant 0 : i32
    %scan3A_46 = arith.constant 156 : i32
    %scan3A_47 = arith.addi %scan3A_45, %scan3A_46 : i32
    %scan3A_48 = arith.constant 1 : i32
    scf.for %scan3A_82 = %scan3A_45 to %scan3A_47 step %scan3A_48  : i32 {
      %dma_wait3A_83 = arith.constant 0 : i32
      %dma_wait3A_84 = arith.constant 0 : i32
      %dma_wait3A_85 = tpu.memref_slice %arg6[%dma_wait3A_83, %dma_wait3A_84] : memref<160x128xi32, #tpu.memory_space<vmem>> -> memref<1x128xi32, #tpu.memory_space<vmem>>
      %dma_wait3A_86 = tpu.memref_squeeze %dma_wait3A_85 : memref<1x128xi32, #tpu.memory_space<vmem>> -> memref<128xi32, #tpu.memory_space<vmem>>
      %dma_wait3A_87 = arith.constant 0 : i32
      %dma_wait3A_88 = arith.constant 0 : i32
      %dma_wait3A_89 = tpu.memref_slice %arg8[%dma_wait3A_87, %dma_wait3A_88] : memref<10240x128xf32, #tpu.memory_space<vmem_shared>> -> memref<10240x128xf32, #tpu.memory_space<vmem_shared>>
      tpu.wait_indirect_dma semaphore(%arg9 : memref<!tpu.dma_semaphore, #tpu.memory_space<semaphore_mem>>) src(%arg7 : memref<128x128xf32, #tpu.memory_space<vmem>>) dst(%dma_wait3A_89 : memref<10240x128xf32, #tpu.memory_space<vmem_shared>>)
      %add3A_90 = arith.constant 4 : i32
      %add3A_91 = arith.addi %scan3A_82, %add3A_90 : i32
      %dma_start3A_92 = arith.constant 0 : i32
      %dma_start3A_93 = tpu.memref_slice %arg6[%add3A_91, %dma_start3A_92] : memref<160x128xi32, #tpu.memory_space<vmem>> -> memref<1x128xi32, #tpu.memory_space<vmem>>
      %dma_start3A_94 = tpu.memref_squeeze %dma_start3A_93 : memref<1x128xi32, #tpu.memory_space<vmem>> -> memref<128xi32, #tpu.memory_space<vmem>>
      %dma_start3A_95 = arith.constant 0 : i32
      %dma_start3A_96 = arith.constant 0 : i32
      %dma_start3A_97 = tpu.memref_slice %arg8[%dma_start3A_95, %dma_start3A_96] : memref<10240x128xf32, #tpu.memory_space<vmem_shared>> -> memref<10240x128xf32, #tpu.memory_space<vmem_shared>>
      tpu.enqueue_indirect_dma source(%arg7 : memref<128x128xf32, #tpu.memory_space<vmem>>) target(%dma_start3A_97 : memref<10240x128xf32, #tpu.memory_space<vmem_shared>>) offsets(%dma_start3A_94 : memref<128xi32, #tpu.memory_space<vmem>>) semaphore(%arg9 : memref<!tpu.dma_semaphore, #tpu.memory_space<semaphore_mem>>) {add = true}
    }
    %scan3A_49 = arith.constant 156 : i32
    %dma_wait3A = arith.constant 0 : i32
    %dma_wait3A_50 = arith.constant 0 : i32
    %dma_wait3A_51 = tpu.memref_slice %arg6[%dma_wait3A, %dma_wait3A_50] : memref<160x128xi32, #tpu.memory_space<vmem>> -> memref<1x128xi32, #tpu.memory_space<vmem>>
    %dma_wait3A_52 = tpu.memref_squeeze %dma_wait3A_51 : memref<1x128xi32, #tpu.memory_space<vmem>> -> memref<128xi32, #tpu.memory_space<vmem>>
    %dma_wait3A_53 = arith.constant 0 : i32
    %dma_wait3A_54 = arith.constant 0 : i32
    %dma_wait3A_55 = tpu.memref_slice %arg8[%dma_wait3A_53, %dma_wait3A_54] : memref<10240x128xf32, #tpu.memory_space<vmem_shared>> -> memref<10240x128xf32, #tpu.memory_space<vmem_shared>>
    tpu.wait_indirect_dma semaphore(%arg9 : memref<!tpu.dma_semaphore, #tpu.memory_space<semaphore_mem>>) src(%arg7 : memref<128x128xf32, #tpu.memory_space<vmem>>) dst(%dma_wait3A_55 : memref<10240x128xf32, #tpu.memory_space<vmem_shared>>)
    %dma_wait3A_56 = arith.constant 0 : i32
    %dma_wait3A_57 = arith.constant 0 : i32
    %dma_wait3A_58 = tpu.memref_slice %arg6[%dma_wait3A_56, %dma_wait3A_57] : memref<160x128xi32, #tpu.memory_space<vmem>> -> memref<1x128xi32, #tpu.memory_space<vmem>>
    %dma_wait3A_59 = tpu.memref_squeeze %dma_wait3A_58 : memref<1x128xi32, #tpu.memory_space<vmem>> -> memref<128xi32, #tpu.memory_space<vmem>>
    %dma_wait3A_60 = arith.constant 0 : i32
    %dma_wait3A_61 = arith.constant 0 : i32
    %dma_wait3A_62 = tpu.memref_slice %arg8[%dma_wait3A_60, %dma_wait3A_61] : memref<10240x128xf32, #tpu.memory_space<vmem_shared>> -> memref<10240x128xf32, #tpu.memory_space<vmem_shared>>
    tpu.wait_indirect_dma semaphore(%arg9 : memref<!tpu.dma_semaphore, #tpu.memory_space<semaphore_mem>>) src(%arg7 : memref<128x128xf32, #tpu.memory_space<vmem>>) dst(%dma_wait3A_62 : memref<10240x128xf32, #tpu.memory_space<vmem_shared>>)
    %dma_wait3A_63 = arith.constant 0 : i32
    %dma_wait3A_64 = arith.constant 0 : i32
    %dma_wait3A_65 = tpu.memref_slice %arg6[%dma_wait3A_63, %dma_wait3A_64] : memref<160x128xi32, #tpu.memory_space<vmem>> -> memref<1x128xi32, #tpu.memory_space<vmem>>
    %dma_wait3A_66 = tpu.memref_squeeze %dma_wait3A_65 : memref<1x128xi32, #tpu.memory_space<vmem>> -> memref<128xi32, #tpu.memory_space<vmem>>
    %dma_wait3A_67 = arith.constant 0 : i32
    %dma_wait3A_68 = arith.constant 0 : i32
    %dma_wait3A_69 = tpu.memref_slice %arg8[%dma_wait3A_67, %dma_wait3A_68] : memref<10240x128xf32, #tpu.memory_space<vmem_shared>> -> memref<10240x128xf32, #tpu.memory_space<vmem_shared>>
    tpu.wait_indirect_dma semaphore(%arg9 : memref<!tpu.dma_semaphore, #tpu.memory_space<semaphore_mem>>) src(%arg7 : memref<128x128xf32, #tpu.memory_space<vmem>>) dst(%dma_wait3A_69 : memref<10240x128xf32, #tpu.memory_space<vmem_shared>>)
    %dma_wait3A_70 = arith.constant 0 : i32
    %dma_wait3A_71 = arith.constant 0 : i32
    %dma_wait3A_72 = tpu.memref_slice %arg6[%dma_wait3A_70, %dma_wait3A_71] : memref<160x128xi32, #tpu.memory_space<vmem>> -> memref<1x128xi32, #tpu.memory_space<vmem>>
    %dma_wait3A_73 = tpu.memref_squeeze %dma_wait3A_72 : memref<1x128xi32, #tpu.memory_space<vmem>> -> memref<128xi32, #tpu.memory_space<vmem>>
    %dma_wait3A_74 = arith.constant 0 : i32
    %dma_wait3A_75 = arith.constant 0 : i32
    %dma_wait3A_76 = tpu.memref_slice %arg8[%dma_wait3A_74, %dma_wait3A_75] : memref<10240x128xf32, #tpu.memory_space<vmem_shared>> -> memref<10240x128xf32, #tpu.memory_space<vmem_shared>>
    tpu.wait_indirect_dma semaphore(%arg9 : memref<!tpu.dma_semaphore, #tpu.memory_space<semaphore_mem>>) src(%arg7 : memref<128x128xf32, #tpu.memory_space<vmem>>) dst(%dma_wait3A_76 : memref<10240x128xf32, #tpu.memory_space<vmem_shared>>)
    %barrier3A_77 = arith.constant 0 : index
    tpu.barrier barrier_id(%barrier3A_77)
    %mul3A_78 = arith.constant 640 : i32
    %mul3A_79 = arith.muli %arg1, %mul3A_78 : i32
    %mul3A_80 = arith.constant 640 : i32
    %mul3A_81 = arith.muli %arg1, %mul3A_80 : i32
    "tpu.region"() ({
      %run_scoped3A = tpu.sem_alloc : memref<!tpu.dma_semaphore, #tpu.memory_space<semaphore_mem>>
      %dma_start3A_82 = arith.constant 0 : i32
      %dma_start3A_83 = tpu.memref_slice %arg5[%arg0, %mul3A_81, %dma_start3A_82] : memref<2x10240x128xf32, #tpu.memory_space<hbm>> -> memref<1x640x128xf32, #tpu.memory_space<hbm>>
      %dma_start3A_84 = tpu.memref_squeeze %dma_start3A_83 : memref<1x640x128xf32, #tpu.memory_space<hbm>> -> memref<640x128xf32, #tpu.memory_space<hbm>>
      %dma_start3A_85 = arith.constant 0 : i32
      %dma_start3A_86 = tpu.memref_slice %arg8[%mul3A_79, %dma_start3A_85] : memref<10240x128xf32, #tpu.memory_space<vmem_shared>> -> memref<640x128xf32, #tpu.memory_space<vmem_shared>>
      tpu.enqueue_dma source(%dma_start3A_86 : memref<640x128xf32, #tpu.memory_space<vmem_shared>>) target(%dma_start3A_84 : memref<640x128xf32, #tpu.memory_space<hbm>>) target_semaphore(%run_scoped3A : memref<!tpu.dma_semaphore, #tpu.memory_space<semaphore_mem>>)
      %dma_wait3A_87 = arith.constant 0 : i32
      %dma_wait3A_88 = tpu.memref_slice %arg5[%arg0, %mul3A_81, %dma_wait3A_87] : memref<2x10240x128xf32, #tpu.memory_space<hbm>> -> memref<1x640x128xf32, #tpu.memory_space<hbm>>
      %dma_wait3A_89 = tpu.memref_squeeze %dma_wait3A_88 : memref<1x640x128xf32, #tpu.memory_space<hbm>> -> memref<640x128xf32, #tpu.memory_space<hbm>>
      %dma_wait3A_90 = arith.constant 0 : i32
      %dma_wait3A_91 = tpu.memref_slice %arg8[%mul3A_79, %dma_wait3A_90] : memref<10240x128xf32, #tpu.memory_space<vmem_shared>> -> memref<640x128xf32, #tpu.memory_space<vmem_shared>>
      tpu.wait_dma2 semaphore(%run_scoped3A : memref<!tpu.dma_semaphore, #tpu.memory_space<semaphore_mem>>) src(%dma_wait3A_91 : memref<640x128xf32, #tpu.memory_space<vmem_shared>>) dst(%dma_wait3A_89 : memref<640x128xf32, #tpu.memory_space<hbm>>)
      tpu.yield
    }) : () -> ()
    return
  }
}

#map = affine_map<(d0, d1) -> (0, 0)>
#map1 = affine_map<(d0, d1) -> (0, 0, 0)>
module attributes {stable_mosaic.version = 14 : i64} {
  func.func @agg_kernel(%arg0: i32, %arg1: i32, %arg2: memref<10240x128xf32, #tpu.memory_space<hbm>>, %arg3: memref<32x80x128xi32, #tpu.memory_space<hbm>>, %arg4: memref<32x80x128xi32, #tpu.memory_space<hbm>>, %arg5: memref<128x128xf32, #tpu.memory_space<hbm>>, %arg6: memref<2x10240x128xf32, #tpu.memory_space<hbm>>, %arg7: memref<40x128xi32, #tpu.memory_space<vmem>>, %arg8: memref<40x128xi32, #tpu.memory_space<vmem>>, %arg9: memref<128x128xf32, #tpu.memory_space<vmem>>, %arg10: memref<128x128xf32, #tpu.memory_space<vmem>>, %arg11: memref<10240x128xf32, #tpu.memory_space<vmem_shared>>, %arg12: memref<!tpu.dma_semaphore, #tpu.memory_space<semaphore_mem>>, %arg13: memref<!tpu.dma_semaphore, #tpu.memory_space<semaphore_mem>>, %arg14: memref<!tpu.dma_semaphore, #tpu.memory_space<semaphore_mem>>, %arg15: memref<!tpu.dma_semaphore, #tpu.memory_space<semaphore_mem>>) attributes {dimension_semantics = [#tpu.dimension_semantics<core_parallel>, #tpu.dimension_semantics<subcore_parallel>], iteration_bounds = array<i64: 2, 16>, scalar_prefetch = 0 : i64, scratch_operands = 9 : i64, tpu.core_type = #tpu.core_type<sc_vector_subcore>, window_params = [{transform_indices = #map}, {transform_indices = #map1}, {transform_indices = #map1}, {transform_indices = #map}, {transform_indices = #map1}]} {
    %mul3A = arith.constant 16 : i32
    %mul3A_0 = arith.muli %arg0, %mul3A : i32
    %add3A = arith.addi %mul3A_0, %arg1 : i32
    "tpu.region"() ({
      %run_scoped3A = tpu.sem_alloc : memref<!tpu.dma_semaphore, #tpu.memory_space<semaphore_mem>>
      tpu.enqueue_dma source(%arg5 : memref<128x128xf32, #tpu.memory_space<hbm>>) target(%arg9 : memref<128x128xf32, #tpu.memory_space<vmem>>) target_semaphore(%run_scoped3A : memref<!tpu.dma_semaphore, #tpu.memory_space<semaphore_mem>>)
      tpu.wait_dma2 semaphore(%run_scoped3A : memref<!tpu.dma_semaphore, #tpu.memory_space<semaphore_mem>>) src(%arg5 : memref<128x128xf32, #tpu.memory_space<hbm>>) dst(%arg9 : memref<128x128xf32, #tpu.memory_space<vmem>>)
      tpu.yield
    }) : () -> ()
    %mul3A_1 = arith.constant 640 : i32
    %mul3A_2 = arith.muli %arg1, %mul3A_1 : i32
    %add3A_3 = arith.constant 0 : i32
    %add3A_4 = arith.addi %mul3A_2, %add3A_3 : i32
    "tpu.region"() ({
      %run_scoped3A = tpu.sem_alloc : memref<!tpu.dma_semaphore, #tpu.memory_space<semaphore_mem>>
      %dma_start3A_251 = arith.constant 0 : i32
      %dma_start3A_252 = arith.constant 0 : i32
      %dma_start3A_253 = tpu.memref_slice %arg9[%dma_start3A_251, %dma_start3A_252] : memref<128x128xf32, #tpu.memory_space<vmem>> -> memref<128x128xf32, #tpu.memory_space<vmem>>
      %dma_start3A_254 = arith.constant 0 : i32
      %dma_start3A_255 = tpu.memref_slice %arg11[%add3A_4, %dma_start3A_254] : memref<10240x128xf32, #tpu.memory_space<vmem_shared>> -> memref<128x128xf32, #tpu.memory_space<vmem_shared>>
      %dma_start3A_256 = arith.constant 0 : i32
      %dma_start3A_257 = tpu.memref_slice %arg11[%add3A_4, %dma_start3A_256] : memref<10240x128xf32, #tpu.memory_space<vmem_shared>> -> memref<128x128xf32, #tpu.memory_space<vmem_shared>>
      %dma_start3A_258 = arith.constant 0 : i32
      %dma_start3A_259 = arith.constant 0 : i32
      %dma_start3A_260 = tpu.memref_slice %arg9[%dma_start3A_258, %dma_start3A_259] : memref<128x128xf32, #tpu.memory_space<vmem>> -> memref<128x128xf32, #tpu.memory_space<vmem>>
      tpu.enqueue_dma source(%dma_start3A_260 : memref<128x128xf32, #tpu.memory_space<vmem>>) target(%dma_start3A_257 : memref<128x128xf32, #tpu.memory_space<vmem_shared>>) target_semaphore(%run_scoped3A : memref<!tpu.dma_semaphore, #tpu.memory_space<semaphore_mem>>)
      %dma_wait3A_261 = arith.constant 0 : i32
      %dma_wait3A_262 = arith.constant 0 : i32
      %dma_wait3A_263 = tpu.memref_slice %arg9[%dma_wait3A_261, %dma_wait3A_262] : memref<128x128xf32, #tpu.memory_space<vmem>> -> memref<128x128xf32, #tpu.memory_space<vmem>>
      %dma_wait3A_264 = arith.constant 0 : i32
      %dma_wait3A_265 = tpu.memref_slice %arg11[%add3A_4, %dma_wait3A_264] : memref<10240x128xf32, #tpu.memory_space<vmem_shared>> -> memref<128x128xf32, #tpu.memory_space<vmem_shared>>
      %dma_wait3A_266 = arith.constant 0 : i32
      %dma_wait3A_267 = tpu.memref_slice %arg11[%add3A_4, %dma_wait3A_266] : memref<10240x128xf32, #tpu.memory_space<vmem_shared>> -> memref<128x128xf32, #tpu.memory_space<vmem_shared>>
      %dma_wait3A_268 = arith.constant 0 : i32
      %dma_wait3A_269 = arith.constant 0 : i32
      %dma_wait3A_270 = tpu.memref_slice %arg9[%dma_wait3A_268, %dma_wait3A_269] : memref<128x128xf32, #tpu.memory_space<vmem>> -> memref<128x128xf32, #tpu.memory_space<vmem>>
      tpu.wait_dma2 semaphore(%run_scoped3A : memref<!tpu.dma_semaphore, #tpu.memory_space<semaphore_mem>>) src(%dma_wait3A_270 : memref<128x128xf32, #tpu.memory_space<vmem>>) dst(%dma_wait3A_267 : memref<128x128xf32, #tpu.memory_space<vmem_shared>>)
      tpu.yield
    }) : () -> ()
    %mul3A_5 = arith.constant 640 : i32
    %mul3A_6 = arith.muli %arg1, %mul3A_5 : i32
    %add3A_7 = arith.constant 128 : i32
    %add3A_8 = arith.addi %mul3A_6, %add3A_7 : i32
    "tpu.region"() ({
      %run_scoped3A = tpu.sem_alloc : memref<!tpu.dma_semaphore, #tpu.memory_space<semaphore_mem>>
      %dma_start3A_251 = arith.constant 0 : i32
      %dma_start3A_252 = arith.constant 0 : i32
      %dma_start3A_253 = tpu.memref_slice %arg9[%dma_start3A_251, %dma_start3A_252] : memref<128x128xf32, #tpu.memory_space<vmem>> -> memref<128x128xf32, #tpu.memory_space<vmem>>
      %dma_start3A_254 = arith.constant 0 : i32
      %dma_start3A_255 = tpu.memref_slice %arg11[%add3A_8, %dma_start3A_254] : memref<10240x128xf32, #tpu.memory_space<vmem_shared>> -> memref<128x128xf32, #tpu.memory_space<vmem_shared>>
      %dma_start3A_256 = arith.constant 0 : i32
      %dma_start3A_257 = tpu.memref_slice %arg11[%add3A_8, %dma_start3A_256] : memref<10240x128xf32, #tpu.memory_space<vmem_shared>> -> memref<128x128xf32, #tpu.memory_space<vmem_shared>>
      %dma_start3A_258 = arith.constant 0 : i32
      %dma_start3A_259 = arith.constant 0 : i32
      %dma_start3A_260 = tpu.memref_slice %arg9[%dma_start3A_258, %dma_start3A_259] : memref<128x128xf32, #tpu.memory_space<vmem>> -> memref<128x128xf32, #tpu.memory_space<vmem>>
      tpu.enqueue_dma source(%dma_start3A_260 : memref<128x128xf32, #tpu.memory_space<vmem>>) target(%dma_start3A_257 : memref<128x128xf32, #tpu.memory_space<vmem_shared>>) target_semaphore(%run_scoped3A : memref<!tpu.dma_semaphore, #tpu.memory_space<semaphore_mem>>)
      %dma_wait3A_261 = arith.constant 0 : i32
      %dma_wait3A_262 = arith.constant 0 : i32
      %dma_wait3A_263 = tpu.memref_slice %arg9[%dma_wait3A_261, %dma_wait3A_262] : memref<128x128xf32, #tpu.memory_space<vmem>> -> memref<128x128xf32, #tpu.memory_space<vmem>>
      %dma_wait3A_264 = arith.constant 0 : i32
      %dma_wait3A_265 = tpu.memref_slice %arg11[%add3A_8, %dma_wait3A_264] : memref<10240x128xf32, #tpu.memory_space<vmem_shared>> -> memref<128x128xf32, #tpu.memory_space<vmem_shared>>
      %dma_wait3A_266 = arith.constant 0 : i32
      %dma_wait3A_267 = tpu.memref_slice %arg11[%add3A_8, %dma_wait3A_266] : memref<10240x128xf32, #tpu.memory_space<vmem_shared>> -> memref<128x128xf32, #tpu.memory_space<vmem_shared>>
      %dma_wait3A_268 = arith.constant 0 : i32
      %dma_wait3A_269 = arith.constant 0 : i32
      %dma_wait3A_270 = tpu.memref_slice %arg9[%dma_wait3A_268, %dma_wait3A_269] : memref<128x128xf32, #tpu.memory_space<vmem>> -> memref<128x128xf32, #tpu.memory_space<vmem>>
      tpu.wait_dma2 semaphore(%run_scoped3A : memref<!tpu.dma_semaphore, #tpu.memory_space<semaphore_mem>>) src(%dma_wait3A_270 : memref<128x128xf32, #tpu.memory_space<vmem>>) dst(%dma_wait3A_267 : memref<128x128xf32, #tpu.memory_space<vmem_shared>>)
      tpu.yield
    }) : () -> ()
    %mul3A_9 = arith.constant 640 : i32
    %mul3A_10 = arith.muli %arg1, %mul3A_9 : i32
    %add3A_11 = arith.constant 256 : i32
    %add3A_12 = arith.addi %mul3A_10, %add3A_11 : i32
    "tpu.region"() ({
      %run_scoped3A = tpu.sem_alloc : memref<!tpu.dma_semaphore, #tpu.memory_space<semaphore_mem>>
      %dma_start3A_251 = arith.constant 0 : i32
      %dma_start3A_252 = arith.constant 0 : i32
      %dma_start3A_253 = tpu.memref_slice %arg9[%dma_start3A_251, %dma_start3A_252] : memref<128x128xf32, #tpu.memory_space<vmem>> -> memref<128x128xf32, #tpu.memory_space<vmem>>
      %dma_start3A_254 = arith.constant 0 : i32
      %dma_start3A_255 = tpu.memref_slice %arg11[%add3A_12, %dma_start3A_254] : memref<10240x128xf32, #tpu.memory_space<vmem_shared>> -> memref<128x128xf32, #tpu.memory_space<vmem_shared>>
      %dma_start3A_256 = arith.constant 0 : i32
      %dma_start3A_257 = tpu.memref_slice %arg11[%add3A_12, %dma_start3A_256] : memref<10240x128xf32, #tpu.memory_space<vmem_shared>> -> memref<128x128xf32, #tpu.memory_space<vmem_shared>>
      %dma_start3A_258 = arith.constant 0 : i32
      %dma_start3A_259 = arith.constant 0 : i32
      %dma_start3A_260 = tpu.memref_slice %arg9[%dma_start3A_258, %dma_start3A_259] : memref<128x128xf32, #tpu.memory_space<vmem>> -> memref<128x128xf32, #tpu.memory_space<vmem>>
      tpu.enqueue_dma source(%dma_start3A_260 : memref<128x128xf32, #tpu.memory_space<vmem>>) target(%dma_start3A_257 : memref<128x128xf32, #tpu.memory_space<vmem_shared>>) target_semaphore(%run_scoped3A : memref<!tpu.dma_semaphore, #tpu.memory_space<semaphore_mem>>)
      %dma_wait3A_261 = arith.constant 0 : i32
      %dma_wait3A_262 = arith.constant 0 : i32
      %dma_wait3A_263 = tpu.memref_slice %arg9[%dma_wait3A_261, %dma_wait3A_262] : memref<128x128xf32, #tpu.memory_space<vmem>> -> memref<128x128xf32, #tpu.memory_space<vmem>>
      %dma_wait3A_264 = arith.constant 0 : i32
      %dma_wait3A_265 = tpu.memref_slice %arg11[%add3A_12, %dma_wait3A_264] : memref<10240x128xf32, #tpu.memory_space<vmem_shared>> -> memref<128x128xf32, #tpu.memory_space<vmem_shared>>
      %dma_wait3A_266 = arith.constant 0 : i32
      %dma_wait3A_267 = tpu.memref_slice %arg11[%add3A_12, %dma_wait3A_266] : memref<10240x128xf32, #tpu.memory_space<vmem_shared>> -> memref<128x128xf32, #tpu.memory_space<vmem_shared>>
      %dma_wait3A_268 = arith.constant 0 : i32
      %dma_wait3A_269 = arith.constant 0 : i32
      %dma_wait3A_270 = tpu.memref_slice %arg9[%dma_wait3A_268, %dma_wait3A_269] : memref<128x128xf32, #tpu.memory_space<vmem>> -> memref<128x128xf32, #tpu.memory_space<vmem>>
      tpu.wait_dma2 semaphore(%run_scoped3A : memref<!tpu.dma_semaphore, #tpu.memory_space<semaphore_mem>>) src(%dma_wait3A_270 : memref<128x128xf32, #tpu.memory_space<vmem>>) dst(%dma_wait3A_267 : memref<128x128xf32, #tpu.memory_space<vmem_shared>>)
      tpu.yield
    }) : () -> ()
    %mul3A_13 = arith.constant 640 : i32
    %mul3A_14 = arith.muli %arg1, %mul3A_13 : i32
    %add3A_15 = arith.constant 384 : i32
    %add3A_16 = arith.addi %mul3A_14, %add3A_15 : i32
    "tpu.region"() ({
      %run_scoped3A = tpu.sem_alloc : memref<!tpu.dma_semaphore, #tpu.memory_space<semaphore_mem>>
      %dma_start3A_251 = arith.constant 0 : i32
      %dma_start3A_252 = arith.constant 0 : i32
      %dma_start3A_253 = tpu.memref_slice %arg9[%dma_start3A_251, %dma_start3A_252] : memref<128x128xf32, #tpu.memory_space<vmem>> -> memref<128x128xf32, #tpu.memory_space<vmem>>
      %dma_start3A_254 = arith.constant 0 : i32
      %dma_start3A_255 = tpu.memref_slice %arg11[%add3A_16, %dma_start3A_254] : memref<10240x128xf32, #tpu.memory_space<vmem_shared>> -> memref<128x128xf32, #tpu.memory_space<vmem_shared>>
      %dma_start3A_256 = arith.constant 0 : i32
      %dma_start3A_257 = tpu.memref_slice %arg11[%add3A_16, %dma_start3A_256] : memref<10240x128xf32, #tpu.memory_space<vmem_shared>> -> memref<128x128xf32, #tpu.memory_space<vmem_shared>>
      %dma_start3A_258 = arith.constant 0 : i32
      %dma_start3A_259 = arith.constant 0 : i32
      %dma_start3A_260 = tpu.memref_slice %arg9[%dma_start3A_258, %dma_start3A_259] : memref<128x128xf32, #tpu.memory_space<vmem>> -> memref<128x128xf32, #tpu.memory_space<vmem>>
      tpu.enqueue_dma source(%dma_start3A_260 : memref<128x128xf32, #tpu.memory_space<vmem>>) target(%dma_start3A_257 : memref<128x128xf32, #tpu.memory_space<vmem_shared>>) target_semaphore(%run_scoped3A : memref<!tpu.dma_semaphore, #tpu.memory_space<semaphore_mem>>)
      %dma_wait3A_261 = arith.constant 0 : i32
      %dma_wait3A_262 = arith.constant 0 : i32
      %dma_wait3A_263 = tpu.memref_slice %arg9[%dma_wait3A_261, %dma_wait3A_262] : memref<128x128xf32, #tpu.memory_space<vmem>> -> memref<128x128xf32, #tpu.memory_space<vmem>>
      %dma_wait3A_264 = arith.constant 0 : i32
      %dma_wait3A_265 = tpu.memref_slice %arg11[%add3A_16, %dma_wait3A_264] : memref<10240x128xf32, #tpu.memory_space<vmem_shared>> -> memref<128x128xf32, #tpu.memory_space<vmem_shared>>
      %dma_wait3A_266 = arith.constant 0 : i32
      %dma_wait3A_267 = tpu.memref_slice %arg11[%add3A_16, %dma_wait3A_266] : memref<10240x128xf32, #tpu.memory_space<vmem_shared>> -> memref<128x128xf32, #tpu.memory_space<vmem_shared>>
      %dma_wait3A_268 = arith.constant 0 : i32
      %dma_wait3A_269 = arith.constant 0 : i32
      %dma_wait3A_270 = tpu.memref_slice %arg9[%dma_wait3A_268, %dma_wait3A_269] : memref<128x128xf32, #tpu.memory_space<vmem>> -> memref<128x128xf32, #tpu.memory_space<vmem>>
      tpu.wait_dma2 semaphore(%run_scoped3A : memref<!tpu.dma_semaphore, #tpu.memory_space<semaphore_mem>>) src(%dma_wait3A_270 : memref<128x128xf32, #tpu.memory_space<vmem>>) dst(%dma_wait3A_267 : memref<128x128xf32, #tpu.memory_space<vmem_shared>>)
      tpu.yield
    }) : () -> ()
    %mul3A_17 = arith.constant 640 : i32
    %mul3A_18 = arith.muli %arg1, %mul3A_17 : i32
    %add3A_19 = arith.constant 512 : i32
    %add3A_20 = arith.addi %mul3A_18, %add3A_19 : i32
    "tpu.region"() ({
      %run_scoped3A = tpu.sem_alloc : memref<!tpu.dma_semaphore, #tpu.memory_space<semaphore_mem>>
      %dma_start3A_251 = arith.constant 0 : i32
      %dma_start3A_252 = arith.constant 0 : i32
      %dma_start3A_253 = tpu.memref_slice %arg9[%dma_start3A_251, %dma_start3A_252] : memref<128x128xf32, #tpu.memory_space<vmem>> -> memref<128x128xf32, #tpu.memory_space<vmem>>
      %dma_start3A_254 = arith.constant 0 : i32
      %dma_start3A_255 = tpu.memref_slice %arg11[%add3A_20, %dma_start3A_254] : memref<10240x128xf32, #tpu.memory_space<vmem_shared>> -> memref<128x128xf32, #tpu.memory_space<vmem_shared>>
      %dma_start3A_256 = arith.constant 0 : i32
      %dma_start3A_257 = tpu.memref_slice %arg11[%add3A_20, %dma_start3A_256] : memref<10240x128xf32, #tpu.memory_space<vmem_shared>> -> memref<128x128xf32, #tpu.memory_space<vmem_shared>>
      %dma_start3A_258 = arith.constant 0 : i32
      %dma_start3A_259 = arith.constant 0 : i32
      %dma_start3A_260 = tpu.memref_slice %arg9[%dma_start3A_258, %dma_start3A_259] : memref<128x128xf32, #tpu.memory_space<vmem>> -> memref<128x128xf32, #tpu.memory_space<vmem>>
      tpu.enqueue_dma source(%dma_start3A_260 : memref<128x128xf32, #tpu.memory_space<vmem>>) target(%dma_start3A_257 : memref<128x128xf32, #tpu.memory_space<vmem_shared>>) target_semaphore(%run_scoped3A : memref<!tpu.dma_semaphore, #tpu.memory_space<semaphore_mem>>)
      %dma_wait3A_261 = arith.constant 0 : i32
      %dma_wait3A_262 = arith.constant 0 : i32
      %dma_wait3A_263 = tpu.memref_slice %arg9[%dma_wait3A_261, %dma_wait3A_262] : memref<128x128xf32, #tpu.memory_space<vmem>> -> memref<128x128xf32, #tpu.memory_space<vmem>>
      %dma_wait3A_264 = arith.constant 0 : i32
      %dma_wait3A_265 = tpu.memref_slice %arg11[%add3A_20, %dma_wait3A_264] : memref<10240x128xf32, #tpu.memory_space<vmem_shared>> -> memref<128x128xf32, #tpu.memory_space<vmem_shared>>
      %dma_wait3A_266 = arith.constant 0 : i32
      %dma_wait3A_267 = tpu.memref_slice %arg11[%add3A_20, %dma_wait3A_266] : memref<10240x128xf32, #tpu.memory_space<vmem_shared>> -> memref<128x128xf32, #tpu.memory_space<vmem_shared>>
      %dma_wait3A_268 = arith.constant 0 : i32
      %dma_wait3A_269 = arith.constant 0 : i32
      %dma_wait3A_270 = tpu.memref_slice %arg9[%dma_wait3A_268, %dma_wait3A_269] : memref<128x128xf32, #tpu.memory_space<vmem>> -> memref<128x128xf32, #tpu.memory_space<vmem>>
      tpu.wait_dma2 semaphore(%run_scoped3A : memref<!tpu.dma_semaphore, #tpu.memory_space<semaphore_mem>>) src(%dma_wait3A_270 : memref<128x128xf32, #tpu.memory_space<vmem>>) dst(%dma_wait3A_267 : memref<128x128xf32, #tpu.memory_space<vmem_shared>>)
      tpu.yield
    }) : () -> ()
    %barrier3A = arith.constant 0 : index
    tpu.barrier barrier_id(%barrier3A)
    "tpu.region"() ({
      %run_scoped3A = tpu.sem_alloc : memref<!tpu.dma_semaphore, #tpu.memory_space<semaphore_mem>>
      %dma_start3A_251 = arith.constant 0 : i32
      %dma_start3A_252 = arith.constant 0 : i32
      %dma_start3A_253 = tpu.memref_slice %arg7[%dma_start3A_251, %dma_start3A_252] : memref<40x128xi32, #tpu.memory_space<vmem>> -> memref<40x128xi32, #tpu.memory_space<vmem>>
      %dma_start3A_254 = arith.constant 0 : i32
      %dma_start3A_255 = arith.constant 0 : i32
      %dma_start3A_256 = tpu.memref_slice %arg3[%add3A, %dma_start3A_254, %dma_start3A_255] : memref<32x80x128xi32, #tpu.memory_space<hbm>> -> memref<1x40x128xi32, #tpu.memory_space<hbm>>
      %dma_start3A_257 = tpu.memref_squeeze %dma_start3A_256 : memref<1x40x128xi32, #tpu.memory_space<hbm>> -> memref<40x128xi32, #tpu.memory_space<hbm>>
      %dma_start3A_258 = arith.constant 0 : i32
      %dma_start3A_259 = arith.constant 0 : i32
      %dma_start3A_260 = tpu.memref_slice %arg7[%dma_start3A_258, %dma_start3A_259] : memref<40x128xi32, #tpu.memory_space<vmem>> -> memref<40x128xi32, #tpu.memory_space<vmem>>
      %dma_start3A_261 = arith.constant 0 : i32
      %dma_start3A_262 = arith.constant 0 : i32
      %dma_start3A_263 = tpu.memref_slice %arg3[%add3A, %dma_start3A_261, %dma_start3A_262] : memref<32x80x128xi32, #tpu.memory_space<hbm>> -> memref<1x40x128xi32, #tpu.memory_space<hbm>>
      %dma_start3A_264 = tpu.memref_squeeze %dma_start3A_263 : memref<1x40x128xi32, #tpu.memory_space<hbm>> -> memref<40x128xi32, #tpu.memory_space<hbm>>
      tpu.enqueue_dma source(%dma_start3A_264 : memref<40x128xi32, #tpu.memory_space<hbm>>) target(%dma_start3A_260 : memref<40x128xi32, #tpu.memory_space<vmem>>) target_semaphore(%run_scoped3A : memref<!tpu.dma_semaphore, #tpu.memory_space<semaphore_mem>>)
      %dma_wait3A_265 = arith.constant 0 : i32
      %dma_wait3A_266 = arith.constant 0 : i32
      %dma_wait3A_267 = tpu.memref_slice %arg7[%dma_wait3A_265, %dma_wait3A_266] : memref<40x128xi32, #tpu.memory_space<vmem>> -> memref<40x128xi32, #tpu.memory_space<vmem>>
      %dma_wait3A_268 = arith.constant 0 : i32
      %dma_wait3A_269 = arith.constant 0 : i32
      %dma_wait3A_270 = tpu.memref_slice %arg3[%add3A, %dma_wait3A_268, %dma_wait3A_269] : memref<32x80x128xi32, #tpu.memory_space<hbm>> -> memref<1x40x128xi32, #tpu.memory_space<hbm>>
      %dma_wait3A_271 = tpu.memref_squeeze %dma_wait3A_270 : memref<1x40x128xi32, #tpu.memory_space<hbm>> -> memref<40x128xi32, #tpu.memory_space<hbm>>
      %dma_wait3A_272 = arith.constant 0 : i32
      %dma_wait3A_273 = arith.constant 0 : i32
      %dma_wait3A_274 = tpu.memref_slice %arg7[%dma_wait3A_272, %dma_wait3A_273] : memref<40x128xi32, #tpu.memory_space<vmem>> -> memref<40x128xi32, #tpu.memory_space<vmem>>
      %dma_wait3A_275 = arith.constant 0 : i32
      %dma_wait3A_276 = arith.constant 0 : i32
      %dma_wait3A_277 = tpu.memref_slice %arg3[%add3A, %dma_wait3A_275, %dma_wait3A_276] : memref<32x80x128xi32, #tpu.memory_space<hbm>> -> memref<1x40x128xi32, #tpu.memory_space<hbm>>
      %dma_wait3A_278 = tpu.memref_squeeze %dma_wait3A_277 : memref<1x40x128xi32, #tpu.memory_space<hbm>> -> memref<40x128xi32, #tpu.memory_space<hbm>>
      tpu.wait_dma2 semaphore(%run_scoped3A : memref<!tpu.dma_semaphore, #tpu.memory_space<semaphore_mem>>) src(%dma_wait3A_278 : memref<40x128xi32, #tpu.memory_space<hbm>>) dst(%dma_wait3A_274 : memref<40x128xi32, #tpu.memory_space<vmem>>)
      tpu.yield
    }) : () -> ()
    "tpu.region"() ({
      %run_scoped3A = tpu.sem_alloc : memref<!tpu.dma_semaphore, #tpu.memory_space<semaphore_mem>>
      %dma_start3A_251 = arith.constant 0 : i32
      %dma_start3A_252 = arith.constant 0 : i32
      %dma_start3A_253 = tpu.memref_slice %arg8[%dma_start3A_251, %dma_start3A_252] : memref<40x128xi32, #tpu.memory_space<vmem>> -> memref<40x128xi32, #tpu.memory_space<vmem>>
      %dma_start3A_254 = arith.constant 0 : i32
      %dma_start3A_255 = arith.constant 0 : i32
      %dma_start3A_256 = tpu.memref_slice %arg4[%add3A, %dma_start3A_254, %dma_start3A_255] : memref<32x80x128xi32, #tpu.memory_space<hbm>> -> memref<1x40x128xi32, #tpu.memory_space<hbm>>
      %dma_start3A_257 = tpu.memref_squeeze %dma_start3A_256 : memref<1x40x128xi32, #tpu.memory_space<hbm>> -> memref<40x128xi32, #tpu.memory_space<hbm>>
      %dma_start3A_258 = arith.constant 0 : i32
      %dma_start3A_259 = arith.constant 0 : i32
      %dma_start3A_260 = tpu.memref_slice %arg8[%dma_start3A_258, %dma_start3A_259] : memref<40x128xi32, #tpu.memory_space<vmem>> -> memref<40x128xi32, #tpu.memory_space<vmem>>
      %dma_start3A_261 = arith.constant 0 : i32
      %dma_start3A_262 = arith.constant 0 : i32
      %dma_start3A_263 = tpu.memref_slice %arg4[%add3A, %dma_start3A_261, %dma_start3A_262] : memref<32x80x128xi32, #tpu.memory_space<hbm>> -> memref<1x40x128xi32, #tpu.memory_space<hbm>>
      %dma_start3A_264 = tpu.memref_squeeze %dma_start3A_263 : memref<1x40x128xi32, #tpu.memory_space<hbm>> -> memref<40x128xi32, #tpu.memory_space<hbm>>
      tpu.enqueue_dma source(%dma_start3A_264 : memref<40x128xi32, #tpu.memory_space<hbm>>) target(%dma_start3A_260 : memref<40x128xi32, #tpu.memory_space<vmem>>) target_semaphore(%run_scoped3A : memref<!tpu.dma_semaphore, #tpu.memory_space<semaphore_mem>>)
      %dma_wait3A_265 = arith.constant 0 : i32
      %dma_wait3A_266 = arith.constant 0 : i32
      %dma_wait3A_267 = tpu.memref_slice %arg8[%dma_wait3A_265, %dma_wait3A_266] : memref<40x128xi32, #tpu.memory_space<vmem>> -> memref<40x128xi32, #tpu.memory_space<vmem>>
      %dma_wait3A_268 = arith.constant 0 : i32
      %dma_wait3A_269 = arith.constant 0 : i32
      %dma_wait3A_270 = tpu.memref_slice %arg4[%add3A, %dma_wait3A_268, %dma_wait3A_269] : memref<32x80x128xi32, #tpu.memory_space<hbm>> -> memref<1x40x128xi32, #tpu.memory_space<hbm>>
      %dma_wait3A_271 = tpu.memref_squeeze %dma_wait3A_270 : memref<1x40x128xi32, #tpu.memory_space<hbm>> -> memref<40x128xi32, #tpu.memory_space<hbm>>
      %dma_wait3A_272 = arith.constant 0 : i32
      %dma_wait3A_273 = arith.constant 0 : i32
      %dma_wait3A_274 = tpu.memref_slice %arg8[%dma_wait3A_272, %dma_wait3A_273] : memref<40x128xi32, #tpu.memory_space<vmem>> -> memref<40x128xi32, #tpu.memory_space<vmem>>
      %dma_wait3A_275 = arith.constant 0 : i32
      %dma_wait3A_276 = arith.constant 0 : i32
      %dma_wait3A_277 = tpu.memref_slice %arg4[%add3A, %dma_wait3A_275, %dma_wait3A_276] : memref<32x80x128xi32, #tpu.memory_space<hbm>> -> memref<1x40x128xi32, #tpu.memory_space<hbm>>
      %dma_wait3A_278 = tpu.memref_squeeze %dma_wait3A_277 : memref<1x40x128xi32, #tpu.memory_space<hbm>> -> memref<40x128xi32, #tpu.memory_space<hbm>>
      tpu.wait_dma2 semaphore(%run_scoped3A : memref<!tpu.dma_semaphore, #tpu.memory_space<semaphore_mem>>) src(%dma_wait3A_278 : memref<40x128xi32, #tpu.memory_space<hbm>>) dst(%dma_wait3A_274 : memref<40x128xi32, #tpu.memory_space<vmem>>)
      tpu.yield
    }) : () -> ()
    %dma_start3A = arith.constant 0 : i32
    %dma_start3A_21 = arith.constant 0 : i32
    %dma_start3A_22 = arith.constant 0 : i32
    %dma_start3A_23 = tpu.memref_slice %arg9[%dma_start3A_21, %dma_start3A_22] : memref<128x128xf32, #tpu.memory_space<vmem>> -> memref<64x128xf32, #tpu.memory_space<vmem>>
    %dma_start3A_24 = arith.constant 0 : i32
    %dma_start3A_25 = tpu.memref_slice %arg7[%dma_start3A, %dma_start3A_24] : memref<40x128xi32, #tpu.memory_space<vmem>> -> memref<1x64xi32, #tpu.memory_space<vmem>>
    %dma_start3A_26 = tpu.memref_squeeze %dma_start3A_25 : memref<1x64xi32, #tpu.memory_space<vmem>> -> memref<64xi32, #tpu.memory_space<vmem>>
    %dma_start3A_27 = arith.constant 0 : i32
    %dma_start3A_28 = arith.constant 0 : i32
    %dma_start3A_29 = tpu.memref_slice %arg2[%dma_start3A_27, %dma_start3A_28] : memref<10240x128xf32, #tpu.memory_space<hbm>> -> memref<10240x128xf32, #tpu.memory_space<hbm>>
    tpu.enqueue_indirect_dma source(%dma_start3A_29 : memref<10240x128xf32, #tpu.memory_space<hbm>>) target(%dma_start3A_23 : memref<64x128xf32, #tpu.memory_space<vmem>>) offsets(%dma_start3A_26 : memref<64xi32, #tpu.memory_space<vmem>>) semaphore(%arg12 : memref<!tpu.dma_semaphore, #tpu.memory_space<semaphore_mem>>)
    %dma_start3A_30 = arith.constant 0 : i32
    %dma_start3A_31 = arith.constant 64 : i32
    %dma_start3A_32 = arith.constant 0 : i32
    %dma_start3A_33 = tpu.memref_slice %arg9[%dma_start3A_31, %dma_start3A_32] : memref<128x128xf32, #tpu.memory_space<vmem>> -> memref<64x128xf32, #tpu.memory_space<vmem>>
    %dma_start3A_34 = arith.constant 64 : i32
    %dma_start3A_35 = tpu.memref_slice %arg7[%dma_start3A_30, %dma_start3A_34] : memref<40x128xi32, #tpu.memory_space<vmem>> -> memref<1x64xi32, #tpu.memory_space<vmem>>
    %dma_start3A_36 = tpu.memref_squeeze %dma_start3A_35 : memref<1x64xi32, #tpu.memory_space<vmem>> -> memref<64xi32, #tpu.memory_space<vmem>>
    %dma_start3A_37 = arith.constant 0 : i32
    %dma_start3A_38 = arith.constant 0 : i32
    %dma_start3A_39 = tpu.memref_slice %arg2[%dma_start3A_37, %dma_start3A_38] : memref<10240x128xf32, #tpu.memory_space<hbm>> -> memref<10240x128xf32, #tpu.memory_space<hbm>>
    tpu.enqueue_indirect_dma source(%dma_start3A_39 : memref<10240x128xf32, #tpu.memory_space<hbm>>) target(%dma_start3A_33 : memref<64x128xf32, #tpu.memory_space<vmem>>) offsets(%dma_start3A_36 : memref<64xi32, #tpu.memory_space<vmem>>) semaphore(%arg12 : memref<!tpu.dma_semaphore, #tpu.memory_space<semaphore_mem>>)
    %dma_start3A_40 = arith.constant 1 : i32
    %dma_start3A_41 = arith.constant 0 : i32
    %dma_start3A_42 = arith.constant 0 : i32
    %dma_start3A_43 = tpu.memref_slice %arg10[%dma_start3A_41, %dma_start3A_42] : memref<128x128xf32, #tpu.memory_space<vmem>> -> memref<64x128xf32, #tpu.memory_space<vmem>>
    %dma_start3A_44 = arith.constant 0 : i32
    %dma_start3A_45 = tpu.memref_slice %arg7[%dma_start3A_40, %dma_start3A_44] : memref<40x128xi32, #tpu.memory_space<vmem>> -> memref<1x64xi32, #tpu.memory_space<vmem>>
    %dma_start3A_46 = tpu.memref_squeeze %dma_start3A_45 : memref<1x64xi32, #tpu.memory_space<vmem>> -> memref<64xi32, #tpu.memory_space<vmem>>
    %dma_start3A_47 = arith.constant 0 : i32
    %dma_start3A_48 = arith.constant 0 : i32
    %dma_start3A_49 = tpu.memref_slice %arg2[%dma_start3A_47, %dma_start3A_48] : memref<10240x128xf32, #tpu.memory_space<hbm>> -> memref<10240x128xf32, #tpu.memory_space<hbm>>
    tpu.enqueue_indirect_dma source(%dma_start3A_49 : memref<10240x128xf32, #tpu.memory_space<hbm>>) target(%dma_start3A_43 : memref<64x128xf32, #tpu.memory_space<vmem>>) offsets(%dma_start3A_46 : memref<64xi32, #tpu.memory_space<vmem>>) semaphore(%arg13 : memref<!tpu.dma_semaphore, #tpu.memory_space<semaphore_mem>>)
    %dma_start3A_50 = arith.constant 1 : i32
    %dma_start3A_51 = arith.constant 64 : i32
    %dma_start3A_52 = arith.constant 0 : i32
    %dma_start3A_53 = tpu.memref_slice %arg10[%dma_start3A_51, %dma_start3A_52] : memref<128x128xf32, #tpu.memory_space<vmem>> -> memref<64x128xf32, #tpu.memory_space<vmem>>
    %dma_start3A_54 = arith.constant 64 : i32
    %dma_start3A_55 = tpu.memref_slice %arg7[%dma_start3A_50, %dma_start3A_54] : memref<40x128xi32, #tpu.memory_space<vmem>> -> memref<1x64xi32, #tpu.memory_space<vmem>>
    %dma_start3A_56 = tpu.memref_squeeze %dma_start3A_55 : memref<1x64xi32, #tpu.memory_space<vmem>> -> memref<64xi32, #tpu.memory_space<vmem>>
    %dma_start3A_57 = arith.constant 0 : i32
    %dma_start3A_58 = arith.constant 0 : i32
    %dma_start3A_59 = tpu.memref_slice %arg2[%dma_start3A_57, %dma_start3A_58] : memref<10240x128xf32, #tpu.memory_space<hbm>> -> memref<10240x128xf32, #tpu.memory_space<hbm>>
    tpu.enqueue_indirect_dma source(%dma_start3A_59 : memref<10240x128xf32, #tpu.memory_space<hbm>>) target(%dma_start3A_53 : memref<64x128xf32, #tpu.memory_space<vmem>>) offsets(%dma_start3A_56 : memref<64xi32, #tpu.memory_space<vmem>>) semaphore(%arg13 : memref<!tpu.dma_semaphore, #tpu.memory_space<semaphore_mem>>)
    %scan3A = arith.constant 0 : i32
    %scan3A_60 = arith.constant 0 : i32
    %scan3A_61 = arith.constant 19 : i32
    %scan3A_62 = arith.addi %scan3A_60, %scan3A_61 : i32
    %scan3A_63 = arith.constant 1 : i32
    scf.for %scan3A_251 = %scan3A_60 to %scan3A_62 step %scan3A_63  : i32 {
      %mul3A_252 = arith.constant 2 : i32
      %mul3A_253 = arith.muli %scan3A_251, %mul3A_252 : i32
      %dma_wait3A_254 = arith.constant 0 : i32
      %dma_wait3A_255 = arith.constant 0 : i32
      %dma_wait3A_256 = arith.constant 0 : i32
      %dma_wait3A_257 = tpu.memref_slice %arg9[%dma_wait3A_255, %dma_wait3A_256] : memref<128x128xf32, #tpu.memory_space<vmem>> -> memref<64x128xf32, #tpu.memory_space<vmem>>
      %dma_wait3A_258 = arith.constant 0 : i32
      %dma_wait3A_259 = tpu.memref_slice %arg7[%dma_wait3A_254, %dma_wait3A_258] : memref<40x128xi32, #tpu.memory_space<vmem>> -> memref<1x64xi32, #tpu.memory_space<vmem>>
      %dma_wait3A_260 = tpu.memref_squeeze %dma_wait3A_259 : memref<1x64xi32, #tpu.memory_space<vmem>> -> memref<64xi32, #tpu.memory_space<vmem>>
      %dma_wait3A_261 = arith.constant 0 : i32
      %dma_wait3A_262 = arith.constant 0 : i32
      %dma_wait3A_263 = tpu.memref_slice %arg2[%dma_wait3A_261, %dma_wait3A_262] : memref<10240x128xf32, #tpu.memory_space<hbm>> -> memref<10240x128xf32, #tpu.memory_space<hbm>>
      tpu.wait_indirect_dma semaphore(%arg12 : memref<!tpu.dma_semaphore, #tpu.memory_space<semaphore_mem>>) src(%dma_wait3A_263 : memref<10240x128xf32, #tpu.memory_space<hbm>>) dst(%dma_wait3A_257 : memref<64x128xf32, #tpu.memory_space<vmem>>)
      %dma_wait3A_264 = arith.constant 0 : i32
      %dma_wait3A_265 = arith.constant 0 : i32
      %dma_wait3A_266 = arith.constant 0 : i32
      %dma_wait3A_267 = tpu.memref_slice %arg9[%dma_wait3A_265, %dma_wait3A_266] : memref<128x128xf32, #tpu.memory_space<vmem>> -> memref<64x128xf32, #tpu.memory_space<vmem>>
      %dma_wait3A_268 = arith.constant 0 : i32
      %dma_wait3A_269 = tpu.memref_slice %arg7[%dma_wait3A_264, %dma_wait3A_268] : memref<40x128xi32, #tpu.memory_space<vmem>> -> memref<1x64xi32, #tpu.memory_space<vmem>>
      %dma_wait3A_270 = tpu.memref_squeeze %dma_wait3A_269 : memref<1x64xi32, #tpu.memory_space<vmem>> -> memref<64xi32, #tpu.memory_space<vmem>>
      %dma_wait3A_271 = arith.constant 0 : i32
      %dma_wait3A_272 = arith.constant 0 : i32
      %dma_wait3A_273 = tpu.memref_slice %arg2[%dma_wait3A_271, %dma_wait3A_272] : memref<10240x128xf32, #tpu.memory_space<hbm>> -> memref<10240x128xf32, #tpu.memory_space<hbm>>
      tpu.wait_indirect_dma semaphore(%arg12 : memref<!tpu.dma_semaphore, #tpu.memory_space<semaphore_mem>>) src(%dma_wait3A_273 : memref<10240x128xf32, #tpu.memory_space<hbm>>) dst(%dma_wait3A_267 : memref<64x128xf32, #tpu.memory_space<vmem>>)
      %add3A_274 = arith.constant 0 : i32
      %add3A_275 = arith.addi %mul3A_253, %add3A_274 : i32
      %dma_start3A_276 = arith.constant 0 : i32
      %dma_start3A_277 = tpu.memref_slice %arg8[%add3A_275, %dma_start3A_276] : memref<40x128xi32, #tpu.memory_space<vmem>> -> memref<1x128xi32, #tpu.memory_space<vmem>>
      %dma_start3A_278 = tpu.memref_squeeze %dma_start3A_277 : memref<1x128xi32, #tpu.memory_space<vmem>> -> memref<128xi32, #tpu.memory_space<vmem>>
      %dma_start3A_279 = arith.constant 0 : i32
      %dma_start3A_280 = arith.constant 0 : i32
      %dma_start3A_281 = tpu.memref_slice %arg11[%dma_start3A_279, %dma_start3A_280] : memref<10240x128xf32, #tpu.memory_space<vmem_shared>> -> memref<10240x128xf32, #tpu.memory_space<vmem_shared>>
      tpu.enqueue_indirect_dma source(%arg9 : memref<128x128xf32, #tpu.memory_space<vmem>>) target(%dma_start3A_281 : memref<10240x128xf32, #tpu.memory_space<vmem_shared>>) offsets(%dma_start3A_278 : memref<128xi32, #tpu.memory_space<vmem>>) semaphore(%arg14 : memref<!tpu.dma_semaphore, #tpu.memory_space<semaphore_mem>>) {add = true}
      %dma_wait3A_282 = arith.constant 0 : i32
      %dma_wait3A_283 = arith.constant 0 : i32
      %dma_wait3A_284 = arith.constant 0 : i32
      %dma_wait3A_285 = tpu.memref_slice %arg10[%dma_wait3A_283, %dma_wait3A_284] : memref<128x128xf32, #tpu.memory_space<vmem>> -> memref<64x128xf32, #tpu.memory_space<vmem>>
      %dma_wait3A_286 = arith.constant 0 : i32
      %dma_wait3A_287 = tpu.memref_slice %arg7[%dma_wait3A_282, %dma_wait3A_286] : memref<40x128xi32, #tpu.memory_space<vmem>> -> memref<1x64xi32, #tpu.memory_space<vmem>>
      %dma_wait3A_288 = tpu.memref_squeeze %dma_wait3A_287 : memref<1x64xi32, #tpu.memory_space<vmem>> -> memref<64xi32, #tpu.memory_space<vmem>>
      %dma_wait3A_289 = arith.constant 0 : i32
      %dma_wait3A_290 = arith.constant 0 : i32
      %dma_wait3A_291 = tpu.memref_slice %arg2[%dma_wait3A_289, %dma_wait3A_290] : memref<10240x128xf32, #tpu.memory_space<hbm>> -> memref<10240x128xf32, #tpu.memory_space<hbm>>
      tpu.wait_indirect_dma semaphore(%arg13 : memref<!tpu.dma_semaphore, #tpu.memory_space<semaphore_mem>>) src(%dma_wait3A_291 : memref<10240x128xf32, #tpu.memory_space<hbm>>) dst(%dma_wait3A_285 : memref<64x128xf32, #tpu.memory_space<vmem>>)
      %dma_wait3A_292 = arith.constant 0 : i32
      %dma_wait3A_293 = arith.constant 0 : i32
      %dma_wait3A_294 = arith.constant 0 : i32
      %dma_wait3A_295 = tpu.memref_slice %arg10[%dma_wait3A_293, %dma_wait3A_294] : memref<128x128xf32, #tpu.memory_space<vmem>> -> memref<64x128xf32, #tpu.memory_space<vmem>>
      %dma_wait3A_296 = arith.constant 0 : i32
      %dma_wait3A_297 = tpu.memref_slice %arg7[%dma_wait3A_292, %dma_wait3A_296] : memref<40x128xi32, #tpu.memory_space<vmem>> -> memref<1x64xi32, #tpu.memory_space<vmem>>
      %dma_wait3A_298 = tpu.memref_squeeze %dma_wait3A_297 : memref<1x64xi32, #tpu.memory_space<vmem>> -> memref<64xi32, #tpu.memory_space<vmem>>
      %dma_wait3A_299 = arith.constant 0 : i32
      %dma_wait3A_300 = arith.constant 0 : i32
      %dma_wait3A_301 = tpu.memref_slice %arg2[%dma_wait3A_299, %dma_wait3A_300] : memref<10240x128xf32, #tpu.memory_space<hbm>> -> memref<10240x128xf32, #tpu.memory_space<hbm>>
      tpu.wait_indirect_dma semaphore(%arg13 : memref<!tpu.dma_semaphore, #tpu.memory_space<semaphore_mem>>) src(%dma_wait3A_301 : memref<10240x128xf32, #tpu.memory_space<hbm>>) dst(%dma_wait3A_295 : memref<64x128xf32, #tpu.memory_space<vmem>>)
      %add3A_302 = arith.constant 1 : i32
      %add3A_303 = arith.addi %mul3A_253, %add3A_302 : i32
      %dma_start3A_304 = arith.constant 0 : i32
      %dma_start3A_305 = tpu.memref_slice %arg8[%add3A_303, %dma_start3A_304] : memref<40x128xi32, #tpu.memory_space<vmem>> -> memref<1x128xi32, #tpu.memory_space<vmem>>
      %dma_start3A_306 = tpu.memref_squeeze %dma_start3A_305 : memref<1x128xi32, #tpu.memory_space<vmem>> -> memref<128xi32, #tpu.memory_space<vmem>>
      %dma_start3A_307 = arith.constant 0 : i32
      %dma_start3A_308 = arith.constant 0 : i32
      %dma_start3A_309 = tpu.memref_slice %arg11[%dma_start3A_307, %dma_start3A_308] : memref<10240x128xf32, #tpu.memory_space<vmem_shared>> -> memref<10240x128xf32, #tpu.memory_space<vmem_shared>>
      tpu.enqueue_indirect_dma source(%arg10 : memref<128x128xf32, #tpu.memory_space<vmem>>) target(%dma_start3A_309 : memref<10240x128xf32, #tpu.memory_space<vmem_shared>>) offsets(%dma_start3A_306 : memref<128xi32, #tpu.memory_space<vmem>>) semaphore(%arg15 : memref<!tpu.dma_semaphore, #tpu.memory_space<semaphore_mem>>) {add = true}
      %dma_wait3A_310 = arith.constant 0 : i32
      %dma_wait3A_311 = arith.constant 0 : i32
      %dma_wait3A_312 = tpu.memref_slice %arg8[%dma_wait3A_310, %dma_wait3A_311] : memref<40x128xi32, #tpu.memory_space<vmem>> -> memref<1x128xi32, #tpu.memory_space<vmem>>
      %dma_wait3A_313 = tpu.memref_squeeze %dma_wait3A_312 : memref<1x128xi32, #tpu.memory_space<vmem>> -> memref<128xi32, #tpu.memory_space<vmem>>
      %dma_wait3A_314 = arith.constant 0 : i32
      %dma_wait3A_315 = arith.constant 0 : i32
      %dma_wait3A_316 = tpu.memref_slice %arg11[%dma_wait3A_314, %dma_wait3A_315] : memref<10240x128xf32, #tpu.memory_space<vmem_shared>> -> memref<10240x128xf32, #tpu.memory_space<vmem_shared>>
      tpu.wait_indirect_dma semaphore(%arg14 : memref<!tpu.dma_semaphore, #tpu.memory_space<semaphore_mem>>) src(%arg9 : memref<128x128xf32, #tpu.memory_space<vmem>>) dst(%dma_wait3A_316 : memref<10240x128xf32, #tpu.memory_space<vmem_shared>>)
      %add3A_317 = arith.constant 0 : i32
      %add3A_318 = arith.addi %mul3A_253, %add3A_317 : i32
      %add3A_319 = arith.constant 2 : i32
      %add3A_320 = arith.addi %add3A_318, %add3A_319 : i32
      %dma_start3A_321 = arith.constant 0 : i32
      %dma_start3A_322 = arith.constant 0 : i32
      %dma_start3A_323 = tpu.memref_slice %arg9[%dma_start3A_321, %dma_start3A_322] : memref<128x128xf32, #tpu.memory_space<vmem>> -> memref<64x128xf32, #tpu.memory_space<vmem>>
      %dma_start3A_324 = arith.constant 0 : i32
      %dma_start3A_325 = tpu.memref_slice %arg7[%add3A_320, %dma_start3A_324] : memref<40x128xi32, #tpu.memory_space<vmem>> -> memref<1x64xi32, #tpu.memory_space<vmem>>
      %dma_start3A_326 = tpu.memref_squeeze %dma_start3A_325 : memref<1x64xi32, #tpu.memory_space<vmem>> -> memref<64xi32, #tpu.memory_space<vmem>>
      %dma_start3A_327 = arith.constant 0 : i32
      %dma_start3A_328 = arith.constant 0 : i32
      %dma_start3A_329 = tpu.memref_slice %arg2[%dma_start3A_327, %dma_start3A_328] : memref<10240x128xf32, #tpu.memory_space<hbm>> -> memref<10240x128xf32, #tpu.memory_space<hbm>>
      tpu.enqueue_indirect_dma source(%dma_start3A_329 : memref<10240x128xf32, #tpu.memory_space<hbm>>) target(%dma_start3A_323 : memref<64x128xf32, #tpu.memory_space<vmem>>) offsets(%dma_start3A_326 : memref<64xi32, #tpu.memory_space<vmem>>) semaphore(%arg12 : memref<!tpu.dma_semaphore, #tpu.memory_space<semaphore_mem>>)
      %dma_start3A_330 = arith.constant 64 : i32
      %dma_start3A_331 = arith.constant 0 : i32
      %dma_start3A_332 = tpu.memref_slice %arg9[%dma_start3A_330, %dma_start3A_331] : memref<128x128xf32, #tpu.memory_space<vmem>> -> memref<64x128xf32, #tpu.memory_space<vmem>>
      %dma_start3A_333 = arith.constant 64 : i32
      %dma_start3A_334 = tpu.memref_slice %arg7[%add3A_320, %dma_start3A_333] : memref<40x128xi32, #tpu.memory_space<vmem>> -> memref<1x64xi32, #tpu.memory_space<vmem>>
      %dma_start3A_335 = tpu.memref_squeeze %dma_start3A_334 : memref<1x64xi32, #tpu.memory_space<vmem>> -> memref<64xi32, #tpu.memory_space<vmem>>
      %dma_start3A_336 = arith.constant 0 : i32
      %dma_start3A_337 = arith.constant 0 : i32
      %dma_start3A_338 = tpu.memref_slice %arg2[%dma_start3A_336, %dma_start3A_337] : memref<10240x128xf32, #tpu.memory_space<hbm>> -> memref<10240x128xf32, #tpu.memory_space<hbm>>
      tpu.enqueue_indirect_dma source(%dma_start3A_338 : memref<10240x128xf32, #tpu.memory_space<hbm>>) target(%dma_start3A_332 : memref<64x128xf32, #tpu.memory_space<vmem>>) offsets(%dma_start3A_335 : memref<64xi32, #tpu.memory_space<vmem>>) semaphore(%arg12 : memref<!tpu.dma_semaphore, #tpu.memory_space<semaphore_mem>>)
      %dma_wait3A_339 = arith.constant 1 : i32
      %dma_wait3A_340 = arith.constant 0 : i32
      %dma_wait3A_341 = tpu.memref_slice %arg8[%dma_wait3A_339, %dma_wait3A_340] : memref<40x128xi32, #tpu.memory_space<vmem>> -> memref<1x128xi32, #tpu.memory_space<vmem>>
      %dma_wait3A_342 = tpu.memref_squeeze %dma_wait3A_341 : memref<1x128xi32, #tpu.memory_space<vmem>> -> memref<128xi32, #tpu.memory_space<vmem>>
      %dma_wait3A_343 = arith.constant 0 : i32
      %dma_wait3A_344 = arith.constant 0 : i32
      %dma_wait3A_345 = tpu.memref_slice %arg11[%dma_wait3A_343, %dma_wait3A_344] : memref<10240x128xf32, #tpu.memory_space<vmem_shared>> -> memref<10240x128xf32, #tpu.memory_space<vmem_shared>>
      tpu.wait_indirect_dma semaphore(%arg15 : memref<!tpu.dma_semaphore, #tpu.memory_space<semaphore_mem>>) src(%arg10 : memref<128x128xf32, #tpu.memory_space<vmem>>) dst(%dma_wait3A_345 : memref<10240x128xf32, #tpu.memory_space<vmem_shared>>)
      %add3A_346 = arith.constant 1 : i32
      %add3A_347 = arith.addi %mul3A_253, %add3A_346 : i32
      %add3A_348 = arith.constant 2 : i32
      %add3A_349 = arith.addi %add3A_347, %add3A_348 : i32
      %dma_start3A_350 = arith.constant 0 : i32
      %dma_start3A_351 = arith.constant 0 : i32
      %dma_start3A_352 = tpu.memref_slice %arg10[%dma_start3A_350, %dma_start3A_351] : memref<128x128xf32, #tpu.memory_space<vmem>> -> memref<64x128xf32, #tpu.memory_space<vmem>>
      %dma_start3A_353 = arith.constant 0 : i32
      %dma_start3A_354 = tpu.memref_slice %arg7[%add3A_349, %dma_start3A_353] : memref<40x128xi32, #tpu.memory_space<vmem>> -> memref<1x64xi32, #tpu.memory_space<vmem>>
      %dma_start3A_355 = tpu.memref_squeeze %dma_start3A_354 : memref<1x64xi32, #tpu.memory_space<vmem>> -> memref<64xi32, #tpu.memory_space<vmem>>
      %dma_start3A_356 = arith.constant 0 : i32
      %dma_start3A_357 = arith.constant 0 : i32
      %dma_start3A_358 = tpu.memref_slice %arg2[%dma_start3A_356, %dma_start3A_357] : memref<10240x128xf32, #tpu.memory_space<hbm>> -> memref<10240x128xf32, #tpu.memory_space<hbm>>
      tpu.enqueue_indirect_dma source(%dma_start3A_358 : memref<10240x128xf32, #tpu.memory_space<hbm>>) target(%dma_start3A_352 : memref<64x128xf32, #tpu.memory_space<vmem>>) offsets(%dma_start3A_355 : memref<64xi32, #tpu.memory_space<vmem>>) semaphore(%arg13 : memref<!tpu.dma_semaphore, #tpu.memory_space<semaphore_mem>>)
      %dma_start3A_359 = arith.constant 64 : i32
      %dma_start3A_360 = arith.constant 0 : i32
      %dma_start3A_361 = tpu.memref_slice %arg10[%dma_start3A_359, %dma_start3A_360] : memref<128x128xf32, #tpu.memory_space<vmem>> -> memref<64x128xf32, #tpu.memory_space<vmem>>
      %dma_start3A_362 = arith.constant 64 : i32
      %dma_start3A_363 = tpu.memref_slice %arg7[%add3A_349, %dma_start3A_362] : memref<40x128xi32, #tpu.memory_space<vmem>> -> memref<1x64xi32, #tpu.memory_space<vmem>>
      %dma_start3A_364 = tpu.memref_squeeze %dma_start3A_363 : memref<1x64xi32, #tpu.memory_space<vmem>> -> memref<64xi32, #tpu.memory_space<vmem>>
      %dma_start3A_365 = arith.constant 0 : i32
      %dma_start3A_366 = arith.constant 0 : i32
      %dma_start3A_367 = tpu.memref_slice %arg2[%dma_start3A_365, %dma_start3A_366] : memref<10240x128xf32, #tpu.memory_space<hbm>> -> memref<10240x128xf32, #tpu.memory_space<hbm>>
      tpu.enqueue_indirect_dma source(%dma_start3A_367 : memref<10240x128xf32, #tpu.memory_space<hbm>>) target(%dma_start3A_361 : memref<64x128xf32, #tpu.memory_space<vmem>>) offsets(%dma_start3A_364 : memref<64xi32, #tpu.memory_space<vmem>>) semaphore(%arg13 : memref<!tpu.dma_semaphore, #tpu.memory_space<semaphore_mem>>)
    }
    %scan3A_64 = arith.constant 19 : i32
    %dma_wait3A = arith.constant 0 : i32
    %dma_wait3A_65 = arith.constant 0 : i32
    %dma_wait3A_66 = arith.constant 0 : i32
    %dma_wait3A_67 = tpu.memref_slice %arg9[%dma_wait3A_65, %dma_wait3A_66] : memref<128x128xf32, #tpu.memory_space<vmem>> -> memref<64x128xf32, #tpu.memory_space<vmem>>
    %dma_wait3A_68 = arith.constant 0 : i32
    %dma_wait3A_69 = tpu.memref_slice %arg7[%dma_wait3A, %dma_wait3A_68] : memref<40x128xi32, #tpu.memory_space<vmem>> -> memref<1x64xi32, #tpu.memory_space<vmem>>
    %dma_wait3A_70 = tpu.memref_squeeze %dma_wait3A_69 : memref<1x64xi32, #tpu.memory_space<vmem>> -> memref<64xi32, #tpu.memory_space<vmem>>
    %dma_wait3A_71 = arith.constant 0 : i32
    %dma_wait3A_72 = arith.constant 0 : i32
    %dma_wait3A_73 = tpu.memref_slice %arg2[%dma_wait3A_71, %dma_wait3A_72] : memref<10240x128xf32, #tpu.memory_space<hbm>> -> memref<10240x128xf32, #tpu.memory_space<hbm>>
    tpu.wait_indirect_dma semaphore(%arg12 : memref<!tpu.dma_semaphore, #tpu.memory_space<semaphore_mem>>) src(%dma_wait3A_73 : memref<10240x128xf32, #tpu.memory_space<hbm>>) dst(%dma_wait3A_67 : memref<64x128xf32, #tpu.memory_space<vmem>>)
    %dma_wait3A_74 = arith.constant 0 : i32
    %dma_wait3A_75 = arith.constant 0 : i32
    %dma_wait3A_76 = arith.constant 0 : i32
    %dma_wait3A_77 = tpu.memref_slice %arg9[%dma_wait3A_75, %dma_wait3A_76] : memref<128x128xf32, #tpu.memory_space<vmem>> -> memref<64x128xf32, #tpu.memory_space<vmem>>
    %dma_wait3A_78 = arith.constant 0 : i32
    %dma_wait3A_79 = tpu.memref_slice %arg7[%dma_wait3A_74, %dma_wait3A_78] : memref<40x128xi32, #tpu.memory_space<vmem>> -> memref<1x64xi32, #tpu.memory_space<vmem>>
    %dma_wait3A_80 = tpu.memref_squeeze %dma_wait3A_79 : memref<1x64xi32, #tpu.memory_space<vmem>> -> memref<64xi32, #tpu.memory_space<vmem>>
    %dma_wait3A_81 = arith.constant 0 : i32
    %dma_wait3A_82 = arith.constant 0 : i32
    %dma_wait3A_83 = tpu.memref_slice %arg2[%dma_wait3A_81, %dma_wait3A_82] : memref<10240x128xf32, #tpu.memory_space<hbm>> -> memref<10240x128xf32, #tpu.memory_space<hbm>>
    tpu.wait_indirect_dma semaphore(%arg12 : memref<!tpu.dma_semaphore, #tpu.memory_space<semaphore_mem>>) src(%dma_wait3A_83 : memref<10240x128xf32, #tpu.memory_space<hbm>>) dst(%dma_wait3A_77 : memref<64x128xf32, #tpu.memory_space<vmem>>)
    %dma_start3A_84 = arith.constant 38 : i32
    %dma_start3A_85 = arith.constant 0 : i32
    %dma_start3A_86 = tpu.memref_slice %arg8[%dma_start3A_84, %dma_start3A_85] : memref<40x128xi32, #tpu.memory_space<vmem>> -> memref<1x128xi32, #tpu.memory_space<vmem>>
    %dma_start3A_87 = tpu.memref_squeeze %dma_start3A_86 : memref<1x128xi32, #tpu.memory_space<vmem>> -> memref<128xi32, #tpu.memory_space<vmem>>
    %dma_start3A_88 = arith.constant 0 : i32
    %dma_start3A_89 = arith.constant 0 : i32
    %dma_start3A_90 = tpu.memref_slice %arg11[%dma_start3A_88, %dma_start3A_89] : memref<10240x128xf32, #tpu.memory_space<vmem_shared>> -> memref<10240x128xf32, #tpu.memory_space<vmem_shared>>
    tpu.enqueue_indirect_dma source(%arg9 : memref<128x128xf32, #tpu.memory_space<vmem>>) target(%dma_start3A_90 : memref<10240x128xf32, #tpu.memory_space<vmem_shared>>) offsets(%dma_start3A_87 : memref<128xi32, #tpu.memory_space<vmem>>) semaphore(%arg14 : memref<!tpu.dma_semaphore, #tpu.memory_space<semaphore_mem>>) {add = true}
    %dma_wait3A_91 = arith.constant 0 : i32
    %dma_wait3A_92 = arith.constant 0 : i32
    %dma_wait3A_93 = arith.constant 0 : i32
    %dma_wait3A_94 = tpu.memref_slice %arg10[%dma_wait3A_92, %dma_wait3A_93] : memref<128x128xf32, #tpu.memory_space<vmem>> -> memref<64x128xf32, #tpu.memory_space<vmem>>
    %dma_wait3A_95 = arith.constant 0 : i32
    %dma_wait3A_96 = tpu.memref_slice %arg7[%dma_wait3A_91, %dma_wait3A_95] : memref<40x128xi32, #tpu.memory_space<vmem>> -> memref<1x64xi32, #tpu.memory_space<vmem>>
    %dma_wait3A_97 = tpu.memref_squeeze %dma_wait3A_96 : memref<1x64xi32, #tpu.memory_space<vmem>> -> memref<64xi32, #tpu.memory_space<vmem>>
    %dma_wait3A_98 = arith.constant 0 : i32
    %dma_wait3A_99 = arith.constant 0 : i32
    %dma_wait3A_100 = tpu.memref_slice %arg2[%dma_wait3A_98, %dma_wait3A_99] : memref<10240x128xf32, #tpu.memory_space<hbm>> -> memref<10240x128xf32, #tpu.memory_space<hbm>>
    tpu.wait_indirect_dma semaphore(%arg13 : memref<!tpu.dma_semaphore, #tpu.memory_space<semaphore_mem>>) src(%dma_wait3A_100 : memref<10240x128xf32, #tpu.memory_space<hbm>>) dst(%dma_wait3A_94 : memref<64x128xf32, #tpu.memory_space<vmem>>)
    %dma_wait3A_101 = arith.constant 0 : i32
    %dma_wait3A_102 = arith.constant 0 : i32
    %dma_wait3A_103 = arith.constant 0 : i32
    %dma_wait3A_104 = tpu.memref_slice %arg10[%dma_wait3A_102, %dma_wait3A_103] : memref<128x128xf32, #tpu.memory_space<vmem>> -> memref<64x128xf32, #tpu.memory_space<vmem>>
    %dma_wait3A_105 = arith.constant 0 : i32
    %dma_wait3A_106 = tpu.memref_slice %arg7[%dma_wait3A_101, %dma_wait3A_105] : memref<40x128xi32, #tpu.memory_space<vmem>> -> memref<1x64xi32, #tpu.memory_space<vmem>>
    %dma_wait3A_107 = tpu.memref_squeeze %dma_wait3A_106 : memref<1x64xi32, #tpu.memory_space<vmem>> -> memref<64xi32, #tpu.memory_space<vmem>>
    %dma_wait3A_108 = arith.constant 0 : i32
    %dma_wait3A_109 = arith.constant 0 : i32
    %dma_wait3A_110 = tpu.memref_slice %arg2[%dma_wait3A_108, %dma_wait3A_109] : memref<10240x128xf32, #tpu.memory_space<hbm>> -> memref<10240x128xf32, #tpu.memory_space<hbm>>
    tpu.wait_indirect_dma semaphore(%arg13 : memref<!tpu.dma_semaphore, #tpu.memory_space<semaphore_mem>>) src(%dma_wait3A_110 : memref<10240x128xf32, #tpu.memory_space<hbm>>) dst(%dma_wait3A_104 : memref<64x128xf32, #tpu.memory_space<vmem>>)
    %dma_start3A_111 = arith.constant 39 : i32
    %dma_start3A_112 = arith.constant 0 : i32
    %dma_start3A_113 = tpu.memref_slice %arg8[%dma_start3A_111, %dma_start3A_112] : memref<40x128xi32, #tpu.memory_space<vmem>> -> memref<1x128xi32, #tpu.memory_space<vmem>>
    %dma_start3A_114 = tpu.memref_squeeze %dma_start3A_113 : memref<1x128xi32, #tpu.memory_space<vmem>> -> memref<128xi32, #tpu.memory_space<vmem>>
    %dma_start3A_115 = arith.constant 0 : i32
    %dma_start3A_116 = arith.constant 0 : i32
    %dma_start3A_117 = tpu.memref_slice %arg11[%dma_start3A_115, %dma_start3A_116] : memref<10240x128xf32, #tpu.memory_space<vmem_shared>> -> memref<10240x128xf32, #tpu.memory_space<vmem_shared>>
    tpu.enqueue_indirect_dma source(%arg10 : memref<128x128xf32, #tpu.memory_space<vmem>>) target(%dma_start3A_117 : memref<10240x128xf32, #tpu.memory_space<vmem_shared>>) offsets(%dma_start3A_114 : memref<128xi32, #tpu.memory_space<vmem>>) semaphore(%arg15 : memref<!tpu.dma_semaphore, #tpu.memory_space<semaphore_mem>>) {add = true}
    %dma_wait3A_118 = arith.constant 0 : i32
    %dma_wait3A_119 = arith.constant 0 : i32
    %dma_wait3A_120 = tpu.memref_slice %arg8[%dma_wait3A_118, %dma_wait3A_119] : memref<40x128xi32, #tpu.memory_space<vmem>> -> memref<1x128xi32, #tpu.memory_space<vmem>>
    %dma_wait3A_121 = tpu.memref_squeeze %dma_wait3A_120 : memref<1x128xi32, #tpu.memory_space<vmem>> -> memref<128xi32, #tpu.memory_space<vmem>>
    %dma_wait3A_122 = arith.constant 0 : i32
    %dma_wait3A_123 = arith.constant 0 : i32
    %dma_wait3A_124 = tpu.memref_slice %arg11[%dma_wait3A_122, %dma_wait3A_123] : memref<10240x128xf32, #tpu.memory_space<vmem_shared>> -> memref<10240x128xf32, #tpu.memory_space<vmem_shared>>
    tpu.wait_indirect_dma semaphore(%arg14 : memref<!tpu.dma_semaphore, #tpu.memory_space<semaphore_mem>>) src(%arg9 : memref<128x128xf32, #tpu.memory_space<vmem>>) dst(%dma_wait3A_124 : memref<10240x128xf32, #tpu.memory_space<vmem_shared>>)
    %dma_wait3A_125 = arith.constant 1 : i32
    %dma_wait3A_126 = arith.constant 0 : i32
    %dma_wait3A_127 = tpu.memref_slice %arg8[%dma_wait3A_125, %dma_wait3A_126] : memref<40x128xi32, #tpu.memory_space<vmem>> -> memref<1x128xi32, #tpu.memory_space<vmem>>
    %dma_wait3A_128 = tpu.memref_squeeze %dma_wait3A_127 : memref<1x128xi32, #tpu.memory_space<vmem>> -> memref<128xi32, #tpu.memory_space<vmem>>
    %dma_wait3A_129 = arith.constant 0 : i32
    %dma_wait3A_130 = arith.constant 0 : i32
    %dma_wait3A_131 = tpu.memref_slice %arg11[%dma_wait3A_129, %dma_wait3A_130] : memref<10240x128xf32, #tpu.memory_space<vmem_shared>> -> memref<10240x128xf32, #tpu.memory_space<vmem_shared>>
    tpu.wait_indirect_dma semaphore(%arg15 : memref<!tpu.dma_semaphore, #tpu.memory_space<semaphore_mem>>) src(%arg10 : memref<128x128xf32, #tpu.memory_space<vmem>>) dst(%dma_wait3A_131 : memref<10240x128xf32, #tpu.memory_space<vmem_shared>>)
    "tpu.region"() ({
      %run_scoped3A = tpu.sem_alloc : memref<!tpu.dma_semaphore, #tpu.memory_space<semaphore_mem>>
      %dma_start3A_251 = arith.constant 0 : i32
      %dma_start3A_252 = arith.constant 0 : i32
      %dma_start3A_253 = tpu.memref_slice %arg7[%dma_start3A_251, %dma_start3A_252] : memref<40x128xi32, #tpu.memory_space<vmem>> -> memref<40x128xi32, #tpu.memory_space<vmem>>
      %dma_start3A_254 = arith.constant 40 : i32
      %dma_start3A_255 = arith.constant 0 : i32
      %dma_start3A_256 = tpu.memref_slice %arg3[%add3A, %dma_start3A_254, %dma_start3A_255] : memref<32x80x128xi32, #tpu.memory_space<hbm>> -> memref<1x40x128xi32, #tpu.memory_space<hbm>>
      %dma_start3A_257 = tpu.memref_squeeze %dma_start3A_256 : memref<1x40x128xi32, #tpu.memory_space<hbm>> -> memref<40x128xi32, #tpu.memory_space<hbm>>
      %dma_start3A_258 = arith.constant 0 : i32
      %dma_start3A_259 = arith.constant 0 : i32
      %dma_start3A_260 = tpu.memref_slice %arg7[%dma_start3A_258, %dma_start3A_259] : memref<40x128xi32, #tpu.memory_space<vmem>> -> memref<40x128xi32, #tpu.memory_space<vmem>>
      %dma_start3A_261 = arith.constant 40 : i32
      %dma_start3A_262 = arith.constant 0 : i32
      %dma_start3A_263 = tpu.memref_slice %arg3[%add3A, %dma_start3A_261, %dma_start3A_262] : memref<32x80x128xi32, #tpu.memory_space<hbm>> -> memref<1x40x128xi32, #tpu.memory_space<hbm>>
      %dma_start3A_264 = tpu.memref_squeeze %dma_start3A_263 : memref<1x40x128xi32, #tpu.memory_space<hbm>> -> memref<40x128xi32, #tpu.memory_space<hbm>>
      tpu.enqueue_dma source(%dma_start3A_264 : memref<40x128xi32, #tpu.memory_space<hbm>>) target(%dma_start3A_260 : memref<40x128xi32, #tpu.memory_space<vmem>>) target_semaphore(%run_scoped3A : memref<!tpu.dma_semaphore, #tpu.memory_space<semaphore_mem>>)
      %dma_wait3A_265 = arith.constant 0 : i32
      %dma_wait3A_266 = arith.constant 0 : i32
      %dma_wait3A_267 = tpu.memref_slice %arg7[%dma_wait3A_265, %dma_wait3A_266] : memref<40x128xi32, #tpu.memory_space<vmem>> -> memref<40x128xi32, #tpu.memory_space<vmem>>
      %dma_wait3A_268 = arith.constant 40 : i32
      %dma_wait3A_269 = arith.constant 0 : i32
      %dma_wait3A_270 = tpu.memref_slice %arg3[%add3A, %dma_wait3A_268, %dma_wait3A_269] : memref<32x80x128xi32, #tpu.memory_space<hbm>> -> memref<1x40x128xi32, #tpu.memory_space<hbm>>
      %dma_wait3A_271 = tpu.memref_squeeze %dma_wait3A_270 : memref<1x40x128xi32, #tpu.memory_space<hbm>> -> memref<40x128xi32, #tpu.memory_space<hbm>>
      %dma_wait3A_272 = arith.constant 0 : i32
      %dma_wait3A_273 = arith.constant 0 : i32
      %dma_wait3A_274 = tpu.memref_slice %arg7[%dma_wait3A_272, %dma_wait3A_273] : memref<40x128xi32, #tpu.memory_space<vmem>> -> memref<40x128xi32, #tpu.memory_space<vmem>>
      %dma_wait3A_275 = arith.constant 40 : i32
      %dma_wait3A_276 = arith.constant 0 : i32
      %dma_wait3A_277 = tpu.memref_slice %arg3[%add3A, %dma_wait3A_275, %dma_wait3A_276] : memref<32x80x128xi32, #tpu.memory_space<hbm>> -> memref<1x40x128xi32, #tpu.memory_space<hbm>>
      %dma_wait3A_278 = tpu.memref_squeeze %dma_wait3A_277 : memref<1x40x128xi32, #tpu.memory_space<hbm>> -> memref<40x128xi32, #tpu.memory_space<hbm>>
      tpu.wait_dma2 semaphore(%run_scoped3A : memref<!tpu.dma_semaphore, #tpu.memory_space<semaphore_mem>>) src(%dma_wait3A_278 : memref<40x128xi32, #tpu.memory_space<hbm>>) dst(%dma_wait3A_274 : memref<40x128xi32, #tpu.memory_space<vmem>>)
      tpu.yield
    }) : () -> ()
    "tpu.region"() ({
      %run_scoped3A = tpu.sem_alloc : memref<!tpu.dma_semaphore, #tpu.memory_space<semaphore_mem>>
      %dma_start3A_251 = arith.constant 0 : i32
      %dma_start3A_252 = arith.constant 0 : i32
      %dma_start3A_253 = tpu.memref_slice %arg8[%dma_start3A_251, %dma_start3A_252] : memref<40x128xi32, #tpu.memory_space<vmem>> -> memref<40x128xi32, #tpu.memory_space<vmem>>
      %dma_start3A_254 = arith.constant 40 : i32
      %dma_start3A_255 = arith.constant 0 : i32
      %dma_start3A_256 = tpu.memref_slice %arg4[%add3A, %dma_start3A_254, %dma_start3A_255] : memref<32x80x128xi32, #tpu.memory_space<hbm>> -> memref<1x40x128xi32, #tpu.memory_space<hbm>>
      %dma_start3A_257 = tpu.memref_squeeze %dma_start3A_256 : memref<1x40x128xi32, #tpu.memory_space<hbm>> -> memref<40x128xi32, #tpu.memory_space<hbm>>
      %dma_start3A_258 = arith.constant 0 : i32
      %dma_start3A_259 = arith.constant 0 : i32
      %dma_start3A_260 = tpu.memref_slice %arg8[%dma_start3A_258, %dma_start3A_259] : memref<40x128xi32, #tpu.memory_space<vmem>> -> memref<40x128xi32, #tpu.memory_space<vmem>>
      %dma_start3A_261 = arith.constant 40 : i32
      %dma_start3A_262 = arith.constant 0 : i32
      %dma_start3A_263 = tpu.memref_slice %arg4[%add3A, %dma_start3A_261, %dma_start3A_262] : memref<32x80x128xi32, #tpu.memory_space<hbm>> -> memref<1x40x128xi32, #tpu.memory_space<hbm>>
      %dma_start3A_264 = tpu.memref_squeeze %dma_start3A_263 : memref<1x40x128xi32, #tpu.memory_space<hbm>> -> memref<40x128xi32, #tpu.memory_space<hbm>>
      tpu.enqueue_dma source(%dma_start3A_264 : memref<40x128xi32, #tpu.memory_space<hbm>>) target(%dma_start3A_260 : memref<40x128xi32, #tpu.memory_space<vmem>>) target_semaphore(%run_scoped3A : memref<!tpu.dma_semaphore, #tpu.memory_space<semaphore_mem>>)
      %dma_wait3A_265 = arith.constant 0 : i32
      %dma_wait3A_266 = arith.constant 0 : i32
      %dma_wait3A_267 = tpu.memref_slice %arg8[%dma_wait3A_265, %dma_wait3A_266] : memref<40x128xi32, #tpu.memory_space<vmem>> -> memref<40x128xi32, #tpu.memory_space<vmem>>
      %dma_wait3A_268 = arith.constant 40 : i32
      %dma_wait3A_269 = arith.constant 0 : i32
      %dma_wait3A_270 = tpu.memref_slice %arg4[%add3A, %dma_wait3A_268, %dma_wait3A_269] : memref<32x80x128xi32, #tpu.memory_space<hbm>> -> memref<1x40x128xi32, #tpu.memory_space<hbm>>
      %dma_wait3A_271 = tpu.memref_squeeze %dma_wait3A_270 : memref<1x40x128xi32, #tpu.memory_space<hbm>> -> memref<40x128xi32, #tpu.memory_space<hbm>>
      %dma_wait3A_272 = arith.constant 0 : i32
      %dma_wait3A_273 = arith.constant 0 : i32
      %dma_wait3A_274 = tpu.memref_slice %arg8[%dma_wait3A_272, %dma_wait3A_273] : memref<40x128xi32, #tpu.memory_space<vmem>> -> memref<40x128xi32, #tpu.memory_space<vmem>>
      %dma_wait3A_275 = arith.constant 40 : i32
      %dma_wait3A_276 = arith.constant 0 : i32
      %dma_wait3A_277 = tpu.memref_slice %arg4[%add3A, %dma_wait3A_275, %dma_wait3A_276] : memref<32x80x128xi32, #tpu.memory_space<hbm>> -> memref<1x40x128xi32, #tpu.memory_space<hbm>>
      %dma_wait3A_278 = tpu.memref_squeeze %dma_wait3A_277 : memref<1x40x128xi32, #tpu.memory_space<hbm>> -> memref<40x128xi32, #tpu.memory_space<hbm>>
      tpu.wait_dma2 semaphore(%run_scoped3A : memref<!tpu.dma_semaphore, #tpu.memory_space<semaphore_mem>>) src(%dma_wait3A_278 : memref<40x128xi32, #tpu.memory_space<hbm>>) dst(%dma_wait3A_274 : memref<40x128xi32, #tpu.memory_space<vmem>>)
      tpu.yield
    }) : () -> ()
    %dma_start3A_132 = arith.constant 0 : i32
    %dma_start3A_133 = arith.constant 0 : i32
    %dma_start3A_134 = arith.constant 0 : i32
    %dma_start3A_135 = tpu.memref_slice %arg9[%dma_start3A_133, %dma_start3A_134] : memref<128x128xf32, #tpu.memory_space<vmem>> -> memref<64x128xf32, #tpu.memory_space<vmem>>
    %dma_start3A_136 = arith.constant 0 : i32
    %dma_start3A_137 = tpu.memref_slice %arg7[%dma_start3A_132, %dma_start3A_136] : memref<40x128xi32, #tpu.memory_space<vmem>> -> memref<1x64xi32, #tpu.memory_space<vmem>>
    %dma_start3A_138 = tpu.memref_squeeze %dma_start3A_137 : memref<1x64xi32, #tpu.memory_space<vmem>> -> memref<64xi32, #tpu.memory_space<vmem>>
    %dma_start3A_139 = arith.constant 0 : i32
    %dma_start3A_140 = arith.constant 0 : i32
    %dma_start3A_141 = tpu.memref_slice %arg2[%dma_start3A_139, %dma_start3A_140] : memref<10240x128xf32, #tpu.memory_space<hbm>> -> memref<10240x128xf32, #tpu.memory_space<hbm>>
    tpu.enqueue_indirect_dma source(%dma_start3A_141 : memref<10240x128xf32, #tpu.memory_space<hbm>>) target(%dma_start3A_135 : memref<64x128xf32, #tpu.memory_space<vmem>>) offsets(%dma_start3A_138 : memref<64xi32, #tpu.memory_space<vmem>>) semaphore(%arg12 : memref<!tpu.dma_semaphore, #tpu.memory_space<semaphore_mem>>)
    %dma_start3A_142 = arith.constant 0 : i32
    %dma_start3A_143 = arith.constant 64 : i32
    %dma_start3A_144 = arith.constant 0 : i32
    %dma_start3A_145 = tpu.memref_slice %arg9[%dma_start3A_143, %dma_start3A_144] : memref<128x128xf32, #tpu.memory_space<vmem>> -> memref<64x128xf32, #tpu.memory_space<vmem>>
    %dma_start3A_146 = arith.constant 64 : i32
    %dma_start3A_147 = tpu.memref_slice %arg7[%dma_start3A_142, %dma_start3A_146] : memref<40x128xi32, #tpu.memory_space<vmem>> -> memref<1x64xi32, #tpu.memory_space<vmem>>
    %dma_start3A_148 = tpu.memref_squeeze %dma_start3A_147 : memref<1x64xi32, #tpu.memory_space<vmem>> -> memref<64xi32, #tpu.memory_space<vmem>>
    %dma_start3A_149 = arith.constant 0 : i32
    %dma_start3A_150 = arith.constant 0 : i32
    %dma_start3A_151 = tpu.memref_slice %arg2[%dma_start3A_149, %dma_start3A_150] : memref<10240x128xf32, #tpu.memory_space<hbm>> -> memref<10240x128xf32, #tpu.memory_space<hbm>>
    tpu.enqueue_indirect_dma source(%dma_start3A_151 : memref<10240x128xf32, #tpu.memory_space<hbm>>) target(%dma_start3A_145 : memref<64x128xf32, #tpu.memory_space<vmem>>) offsets(%dma_start3A_148 : memref<64xi32, #tpu.memory_space<vmem>>) semaphore(%arg12 : memref<!tpu.dma_semaphore, #tpu.memory_space<semaphore_mem>>)
    %dma_start3A_152 = arith.constant 1 : i32
    %dma_start3A_153 = arith.constant 0 : i32
    %dma_start3A_154 = arith.constant 0 : i32
    %dma_start3A_155 = tpu.memref_slice %arg10[%dma_start3A_153, %dma_start3A_154] : memref<128x128xf32, #tpu.memory_space<vmem>> -> memref<64x128xf32, #tpu.memory_space<vmem>>
    %dma_start3A_156 = arith.constant 0 : i32
    %dma_start3A_157 = tpu.memref_slice %arg7[%dma_start3A_152, %dma_start3A_156] : memref<40x128xi32, #tpu.memory_space<vmem>> -> memref<1x64xi32, #tpu.memory_space<vmem>>
    %dma_start3A_158 = tpu.memref_squeeze %dma_start3A_157 : memref<1x64xi32, #tpu.memory_space<vmem>> -> memref<64xi32, #tpu.memory_space<vmem>>
    %dma_start3A_159 = arith.constant 0 : i32
    %dma_start3A_160 = arith.constant 0 : i32
    %dma_start3A_161 = tpu.memref_slice %arg2[%dma_start3A_159, %dma_start3A_160] : memref<10240x128xf32, #tpu.memory_space<hbm>> -> memref<10240x128xf32, #tpu.memory_space<hbm>>
    tpu.enqueue_indirect_dma source(%dma_start3A_161 : memref<10240x128xf32, #tpu.memory_space<hbm>>) target(%dma_start3A_155 : memref<64x128xf32, #tpu.memory_space<vmem>>) offsets(%dma_start3A_158 : memref<64xi32, #tpu.memory_space<vmem>>) semaphore(%arg13 : memref<!tpu.dma_semaphore, #tpu.memory_space<semaphore_mem>>)
    %dma_start3A_162 = arith.constant 1 : i32
    %dma_start3A_163 = arith.constant 64 : i32
    %dma_start3A_164 = arith.constant 0 : i32
    %dma_start3A_165 = tpu.memref_slice %arg10[%dma_start3A_163, %dma_start3A_164] : memref<128x128xf32, #tpu.memory_space<vmem>> -> memref<64x128xf32, #tpu.memory_space<vmem>>
    %dma_start3A_166 = arith.constant 64 : i32
    %dma_start3A_167 = tpu.memref_slice %arg7[%dma_start3A_162, %dma_start3A_166] : memref<40x128xi32, #tpu.memory_space<vmem>> -> memref<1x64xi32, #tpu.memory_space<vmem>>
    %dma_start3A_168 = tpu.memref_squeeze %dma_start3A_167 : memref<1x64xi32, #tpu.memory_space<vmem>> -> memref<64xi32, #tpu.memory_space<vmem>>
    %dma_start3A_169 = arith.constant 0 : i32
    %dma_start3A_170 = arith.constant 0 : i32
    %dma_start3A_171 = tpu.memref_slice %arg2[%dma_start3A_169, %dma_start3A_170] : memref<10240x128xf32, #tpu.memory_space<hbm>> -> memref<10240x128xf32, #tpu.memory_space<hbm>>
    tpu.enqueue_indirect_dma source(%dma_start3A_171 : memref<10240x128xf32, #tpu.memory_space<hbm>>) target(%dma_start3A_165 : memref<64x128xf32, #tpu.memory_space<vmem>>) offsets(%dma_start3A_168 : memref<64xi32, #tpu.memory_space<vmem>>) semaphore(%arg13 : memref<!tpu.dma_semaphore, #tpu.memory_space<semaphore_mem>>)
    %scan3A_172 = arith.constant 0 : i32
    %scan3A_173 = arith.constant 0 : i32
    %scan3A_174 = arith.constant 19 : i32
    %scan3A_175 = arith.addi %scan3A_173, %scan3A_174 : i32
    %scan3A_176 = arith.constant 1 : i32
    scf.for %scan3A_251 = %scan3A_173 to %scan3A_175 step %scan3A_176  : i32 {
      %mul3A_252 = arith.constant 2 : i32
      %mul3A_253 = arith.muli %scan3A_251, %mul3A_252 : i32
      %dma_wait3A_254 = arith.constant 0 : i32
      %dma_wait3A_255 = arith.constant 0 : i32
      %dma_wait3A_256 = arith.constant 0 : i32
      %dma_wait3A_257 = tpu.memref_slice %arg9[%dma_wait3A_255, %dma_wait3A_256] : memref<128x128xf32, #tpu.memory_space<vmem>> -> memref<64x128xf32, #tpu.memory_space<vmem>>
      %dma_wait3A_258 = arith.constant 0 : i32
      %dma_wait3A_259 = tpu.memref_slice %arg7[%dma_wait3A_254, %dma_wait3A_258] : memref<40x128xi32, #tpu.memory_space<vmem>> -> memref<1x64xi32, #tpu.memory_space<vmem>>
      %dma_wait3A_260 = tpu.memref_squeeze %dma_wait3A_259 : memref<1x64xi32, #tpu.memory_space<vmem>> -> memref<64xi32, #tpu.memory_space<vmem>>
      %dma_wait3A_261 = arith.constant 0 : i32
      %dma_wait3A_262 = arith.constant 0 : i32
      %dma_wait3A_263 = tpu.memref_slice %arg2[%dma_wait3A_261, %dma_wait3A_262] : memref<10240x128xf32, #tpu.memory_space<hbm>> -> memref<10240x128xf32, #tpu.memory_space<hbm>>
      tpu.wait_indirect_dma semaphore(%arg12 : memref<!tpu.dma_semaphore, #tpu.memory_space<semaphore_mem>>) src(%dma_wait3A_263 : memref<10240x128xf32, #tpu.memory_space<hbm>>) dst(%dma_wait3A_257 : memref<64x128xf32, #tpu.memory_space<vmem>>)
      %dma_wait3A_264 = arith.constant 0 : i32
      %dma_wait3A_265 = arith.constant 0 : i32
      %dma_wait3A_266 = arith.constant 0 : i32
      %dma_wait3A_267 = tpu.memref_slice %arg9[%dma_wait3A_265, %dma_wait3A_266] : memref<128x128xf32, #tpu.memory_space<vmem>> -> memref<64x128xf32, #tpu.memory_space<vmem>>
      %dma_wait3A_268 = arith.constant 0 : i32
      %dma_wait3A_269 = tpu.memref_slice %arg7[%dma_wait3A_264, %dma_wait3A_268] : memref<40x128xi32, #tpu.memory_space<vmem>> -> memref<1x64xi32, #tpu.memory_space<vmem>>
      %dma_wait3A_270 = tpu.memref_squeeze %dma_wait3A_269 : memref<1x64xi32, #tpu.memory_space<vmem>> -> memref<64xi32, #tpu.memory_space<vmem>>
      %dma_wait3A_271 = arith.constant 0 : i32
      %dma_wait3A_272 = arith.constant 0 : i32
      %dma_wait3A_273 = tpu.memref_slice %arg2[%dma_wait3A_271, %dma_wait3A_272] : memref<10240x128xf32, #tpu.memory_space<hbm>> -> memref<10240x128xf32, #tpu.memory_space<hbm>>
      tpu.wait_indirect_dma semaphore(%arg12 : memref<!tpu.dma_semaphore, #tpu.memory_space<semaphore_mem>>) src(%dma_wait3A_273 : memref<10240x128xf32, #tpu.memory_space<hbm>>) dst(%dma_wait3A_267 : memref<64x128xf32, #tpu.memory_space<vmem>>)
      %add3A_274 = arith.constant 0 : i32
      %add3A_275 = arith.addi %mul3A_253, %add3A_274 : i32
      %dma_start3A_276 = arith.constant 0 : i32
      %dma_start3A_277 = tpu.memref_slice %arg8[%add3A_275, %dma_start3A_276] : memref<40x128xi32, #tpu.memory_space<vmem>> -> memref<1x128xi32, #tpu.memory_space<vmem>>
      %dma_start3A_278 = tpu.memref_squeeze %dma_start3A_277 : memref<1x128xi32, #tpu.memory_space<vmem>> -> memref<128xi32, #tpu.memory_space<vmem>>
      %dma_start3A_279 = arith.constant 0 : i32
      %dma_start3A_280 = arith.constant 0 : i32
      %dma_start3A_281 = tpu.memref_slice %arg11[%dma_start3A_279, %dma_start3A_280] : memref<10240x128xf32, #tpu.memory_space<vmem_shared>> -> memref<10240x128xf32, #tpu.memory_space<vmem_shared>>
      tpu.enqueue_indirect_dma source(%arg9 : memref<128x128xf32, #tpu.memory_space<vmem>>) target(%dma_start3A_281 : memref<10240x128xf32, #tpu.memory_space<vmem_shared>>) offsets(%dma_start3A_278 : memref<128xi32, #tpu.memory_space<vmem>>) semaphore(%arg14 : memref<!tpu.dma_semaphore, #tpu.memory_space<semaphore_mem>>) {add = true}
      %dma_wait3A_282 = arith.constant 0 : i32
      %dma_wait3A_283 = arith.constant 0 : i32
      %dma_wait3A_284 = arith.constant 0 : i32
      %dma_wait3A_285 = tpu.memref_slice %arg10[%dma_wait3A_283, %dma_wait3A_284] : memref<128x128xf32, #tpu.memory_space<vmem>> -> memref<64x128xf32, #tpu.memory_space<vmem>>
      %dma_wait3A_286 = arith.constant 0 : i32
      %dma_wait3A_287 = tpu.memref_slice %arg7[%dma_wait3A_282, %dma_wait3A_286] : memref<40x128xi32, #tpu.memory_space<vmem>> -> memref<1x64xi32, #tpu.memory_space<vmem>>
      %dma_wait3A_288 = tpu.memref_squeeze %dma_wait3A_287 : memref<1x64xi32, #tpu.memory_space<vmem>> -> memref<64xi32, #tpu.memory_space<vmem>>
      %dma_wait3A_289 = arith.constant 0 : i32
      %dma_wait3A_290 = arith.constant 0 : i32
      %dma_wait3A_291 = tpu.memref_slice %arg2[%dma_wait3A_289, %dma_wait3A_290] : memref<10240x128xf32, #tpu.memory_space<hbm>> -> memref<10240x128xf32, #tpu.memory_space<hbm>>
      tpu.wait_indirect_dma semaphore(%arg13 : memref<!tpu.dma_semaphore, #tpu.memory_space<semaphore_mem>>) src(%dma_wait3A_291 : memref<10240x128xf32, #tpu.memory_space<hbm>>) dst(%dma_wait3A_285 : memref<64x128xf32, #tpu.memory_space<vmem>>)
      %dma_wait3A_292 = arith.constant 0 : i32
      %dma_wait3A_293 = arith.constant 0 : i32
      %dma_wait3A_294 = arith.constant 0 : i32
      %dma_wait3A_295 = tpu.memref_slice %arg10[%dma_wait3A_293, %dma_wait3A_294] : memref<128x128xf32, #tpu.memory_space<vmem>> -> memref<64x128xf32, #tpu.memory_space<vmem>>
      %dma_wait3A_296 = arith.constant 0 : i32
      %dma_wait3A_297 = tpu.memref_slice %arg7[%dma_wait3A_292, %dma_wait3A_296] : memref<40x128xi32, #tpu.memory_space<vmem>> -> memref<1x64xi32, #tpu.memory_space<vmem>>
      %dma_wait3A_298 = tpu.memref_squeeze %dma_wait3A_297 : memref<1x64xi32, #tpu.memory_space<vmem>> -> memref<64xi32, #tpu.memory_space<vmem>>
      %dma_wait3A_299 = arith.constant 0 : i32
      %dma_wait3A_300 = arith.constant 0 : i32
      %dma_wait3A_301 = tpu.memref_slice %arg2[%dma_wait3A_299, %dma_wait3A_300] : memref<10240x128xf32, #tpu.memory_space<hbm>> -> memref<10240x128xf32, #tpu.memory_space<hbm>>
      tpu.wait_indirect_dma semaphore(%arg13 : memref<!tpu.dma_semaphore, #tpu.memory_space<semaphore_mem>>) src(%dma_wait3A_301 : memref<10240x128xf32, #tpu.memory_space<hbm>>) dst(%dma_wait3A_295 : memref<64x128xf32, #tpu.memory_space<vmem>>)
      %add3A_302 = arith.constant 1 : i32
      %add3A_303 = arith.addi %mul3A_253, %add3A_302 : i32
      %dma_start3A_304 = arith.constant 0 : i32
      %dma_start3A_305 = tpu.memref_slice %arg8[%add3A_303, %dma_start3A_304] : memref<40x128xi32, #tpu.memory_space<vmem>> -> memref<1x128xi32, #tpu.memory_space<vmem>>
      %dma_start3A_306 = tpu.memref_squeeze %dma_start3A_305 : memref<1x128xi32, #tpu.memory_space<vmem>> -> memref<128xi32, #tpu.memory_space<vmem>>
      %dma_start3A_307 = arith.constant 0 : i32
      %dma_start3A_308 = arith.constant 0 : i32
      %dma_start3A_309 = tpu.memref_slice %arg11[%dma_start3A_307, %dma_start3A_308] : memref<10240x128xf32, #tpu.memory_space<vmem_shared>> -> memref<10240x128xf32, #tpu.memory_space<vmem_shared>>
      tpu.enqueue_indirect_dma source(%arg10 : memref<128x128xf32, #tpu.memory_space<vmem>>) target(%dma_start3A_309 : memref<10240x128xf32, #tpu.memory_space<vmem_shared>>) offsets(%dma_start3A_306 : memref<128xi32, #tpu.memory_space<vmem>>) semaphore(%arg15 : memref<!tpu.dma_semaphore, #tpu.memory_space<semaphore_mem>>) {add = true}
      %dma_wait3A_310 = arith.constant 0 : i32
      %dma_wait3A_311 = arith.constant 0 : i32
      %dma_wait3A_312 = tpu.memref_slice %arg8[%dma_wait3A_310, %dma_wait3A_311] : memref<40x128xi32, #tpu.memory_space<vmem>> -> memref<1x128xi32, #tpu.memory_space<vmem>>
      %dma_wait3A_313 = tpu.memref_squeeze %dma_wait3A_312 : memref<1x128xi32, #tpu.memory_space<vmem>> -> memref<128xi32, #tpu.memory_space<vmem>>
      %dma_wait3A_314 = arith.constant 0 : i32
      %dma_wait3A_315 = arith.constant 0 : i32
      %dma_wait3A_316 = tpu.memref_slice %arg11[%dma_wait3A_314, %dma_wait3A_315] : memref<10240x128xf32, #tpu.memory_space<vmem_shared>> -> memref<10240x128xf32, #tpu.memory_space<vmem_shared>>
      tpu.wait_indirect_dma semaphore(%arg14 : memref<!tpu.dma_semaphore, #tpu.memory_space<semaphore_mem>>) src(%arg9 : memref<128x128xf32, #tpu.memory_space<vmem>>) dst(%dma_wait3A_316 : memref<10240x128xf32, #tpu.memory_space<vmem_shared>>)
      %add3A_317 = arith.constant 0 : i32
      %add3A_318 = arith.addi %mul3A_253, %add3A_317 : i32
      %add3A_319 = arith.constant 2 : i32
      %add3A_320 = arith.addi %add3A_318, %add3A_319 : i32
      %dma_start3A_321 = arith.constant 0 : i32
      %dma_start3A_322 = arith.constant 0 : i32
      %dma_start3A_323 = tpu.memref_slice %arg9[%dma_start3A_321, %dma_start3A_322] : memref<128x128xf32, #tpu.memory_space<vmem>> -> memref<64x128xf32, #tpu.memory_space<vmem>>
      %dma_start3A_324 = arith.constant 0 : i32
      %dma_start3A_325 = tpu.memref_slice %arg7[%add3A_320, %dma_start3A_324] : memref<40x128xi32, #tpu.memory_space<vmem>> -> memref<1x64xi32, #tpu.memory_space<vmem>>
      %dma_start3A_326 = tpu.memref_squeeze %dma_start3A_325 : memref<1x64xi32, #tpu.memory_space<vmem>> -> memref<64xi32, #tpu.memory_space<vmem>>
      %dma_start3A_327 = arith.constant 0 : i32
      %dma_start3A_328 = arith.constant 0 : i32
      %dma_start3A_329 = tpu.memref_slice %arg2[%dma_start3A_327, %dma_start3A_328] : memref<10240x128xf32, #tpu.memory_space<hbm>> -> memref<10240x128xf32, #tpu.memory_space<hbm>>
      tpu.enqueue_indirect_dma source(%dma_start3A_329 : memref<10240x128xf32, #tpu.memory_space<hbm>>) target(%dma_start3A_323 : memref<64x128xf32, #tpu.memory_space<vmem>>) offsets(%dma_start3A_326 : memref<64xi32, #tpu.memory_space<vmem>>) semaphore(%arg12 : memref<!tpu.dma_semaphore, #tpu.memory_space<semaphore_mem>>)
      %dma_start3A_330 = arith.constant 64 : i32
      %dma_start3A_331 = arith.constant 0 : i32
      %dma_start3A_332 = tpu.memref_slice %arg9[%dma_start3A_330, %dma_start3A_331] : memref<128x128xf32, #tpu.memory_space<vmem>> -> memref<64x128xf32, #tpu.memory_space<vmem>>
      %dma_start3A_333 = arith.constant 64 : i32
      %dma_start3A_334 = tpu.memref_slice %arg7[%add3A_320, %dma_start3A_333] : memref<40x128xi32, #tpu.memory_space<vmem>> -> memref<1x64xi32, #tpu.memory_space<vmem>>
      %dma_start3A_335 = tpu.memref_squeeze %dma_start3A_334 : memref<1x64xi32, #tpu.memory_space<vmem>> -> memref<64xi32, #tpu.memory_space<vmem>>
      %dma_start3A_336 = arith.constant 0 : i32
      %dma_start3A_337 = arith.constant 0 : i32
      %dma_start3A_338 = tpu.memref_slice %arg2[%dma_start3A_336, %dma_start3A_337] : memref<10240x128xf32, #tpu.memory_space<hbm>> -> memref<10240x128xf32, #tpu.memory_space<hbm>>
      tpu.enqueue_indirect_dma source(%dma_start3A_338 : memref<10240x128xf32, #tpu.memory_space<hbm>>) target(%dma_start3A_332 : memref<64x128xf32, #tpu.memory_space<vmem>>) offsets(%dma_start3A_335 : memref<64xi32, #tpu.memory_space<vmem>>) semaphore(%arg12 : memref<!tpu.dma_semaphore, #tpu.memory_space<semaphore_mem>>)
      %dma_wait3A_339 = arith.constant 1 : i32
      %dma_wait3A_340 = arith.constant 0 : i32
      %dma_wait3A_341 = tpu.memref_slice %arg8[%dma_wait3A_339, %dma_wait3A_340] : memref<40x128xi32, #tpu.memory_space<vmem>> -> memref<1x128xi32, #tpu.memory_space<vmem>>
      %dma_wait3A_342 = tpu.memref_squeeze %dma_wait3A_341 : memref<1x128xi32, #tpu.memory_space<vmem>> -> memref<128xi32, #tpu.memory_space<vmem>>
      %dma_wait3A_343 = arith.constant 0 : i32
      %dma_wait3A_344 = arith.constant 0 : i32
      %dma_wait3A_345 = tpu.memref_slice %arg11[%dma_wait3A_343, %dma_wait3A_344] : memref<10240x128xf32, #tpu.memory_space<vmem_shared>> -> memref<10240x128xf32, #tpu.memory_space<vmem_shared>>
      tpu.wait_indirect_dma semaphore(%arg15 : memref<!tpu.dma_semaphore, #tpu.memory_space<semaphore_mem>>) src(%arg10 : memref<128x128xf32, #tpu.memory_space<vmem>>) dst(%dma_wait3A_345 : memref<10240x128xf32, #tpu.memory_space<vmem_shared>>)
      %add3A_346 = arith.constant 1 : i32
      %add3A_347 = arith.addi %mul3A_253, %add3A_346 : i32
      %add3A_348 = arith.constant 2 : i32
      %add3A_349 = arith.addi %add3A_347, %add3A_348 : i32
      %dma_start3A_350 = arith.constant 0 : i32
      %dma_start3A_351 = arith.constant 0 : i32
      %dma_start3A_352 = tpu.memref_slice %arg10[%dma_start3A_350, %dma_start3A_351] : memref<128x128xf32, #tpu.memory_space<vmem>> -> memref<64x128xf32, #tpu.memory_space<vmem>>
      %dma_start3A_353 = arith.constant 0 : i32
      %dma_start3A_354 = tpu.memref_slice %arg7[%add3A_349, %dma_start3A_353] : memref<40x128xi32, #tpu.memory_space<vmem>> -> memref<1x64xi32, #tpu.memory_space<vmem>>
      %dma_start3A_355 = tpu.memref_squeeze %dma_start3A_354 : memref<1x64xi32, #tpu.memory_space<vmem>> -> memref<64xi32, #tpu.memory_space<vmem>>
      %dma_start3A_356 = arith.constant 0 : i32
      %dma_start3A_357 = arith.constant 0 : i32
      %dma_start3A_358 = tpu.memref_slice %arg2[%dma_start3A_356, %dma_start3A_357] : memref<10240x128xf32, #tpu.memory_space<hbm>> -> memref<10240x128xf32, #tpu.memory_space<hbm>>
      tpu.enqueue_indirect_dma source(%dma_start3A_358 : memref<10240x128xf32, #tpu.memory_space<hbm>>) target(%dma_start3A_352 : memref<64x128xf32, #tpu.memory_space<vmem>>) offsets(%dma_start3A_355 : memref<64xi32, #tpu.memory_space<vmem>>) semaphore(%arg13 : memref<!tpu.dma_semaphore, #tpu.memory_space<semaphore_mem>>)
      %dma_start3A_359 = arith.constant 64 : i32
      %dma_start3A_360 = arith.constant 0 : i32
      %dma_start3A_361 = tpu.memref_slice %arg10[%dma_start3A_359, %dma_start3A_360] : memref<128x128xf32, #tpu.memory_space<vmem>> -> memref<64x128xf32, #tpu.memory_space<vmem>>
      %dma_start3A_362 = arith.constant 64 : i32
      %dma_start3A_363 = tpu.memref_slice %arg7[%add3A_349, %dma_start3A_362] : memref<40x128xi32, #tpu.memory_space<vmem>> -> memref<1x64xi32, #tpu.memory_space<vmem>>
      %dma_start3A_364 = tpu.memref_squeeze %dma_start3A_363 : memref<1x64xi32, #tpu.memory_space<vmem>> -> memref<64xi32, #tpu.memory_space<vmem>>
      %dma_start3A_365 = arith.constant 0 : i32
      %dma_start3A_366 = arith.constant 0 : i32
      %dma_start3A_367 = tpu.memref_slice %arg2[%dma_start3A_365, %dma_start3A_366] : memref<10240x128xf32, #tpu.memory_space<hbm>> -> memref<10240x128xf32, #tpu.memory_space<hbm>>
      tpu.enqueue_indirect_dma source(%dma_start3A_367 : memref<10240x128xf32, #tpu.memory_space<hbm>>) target(%dma_start3A_361 : memref<64x128xf32, #tpu.memory_space<vmem>>) offsets(%dma_start3A_364 : memref<64xi32, #tpu.memory_space<vmem>>) semaphore(%arg13 : memref<!tpu.dma_semaphore, #tpu.memory_space<semaphore_mem>>)
    }
    %scan3A_177 = arith.constant 19 : i32
    %dma_wait3A_178 = arith.constant 0 : i32
    %dma_wait3A_179 = arith.constant 0 : i32
    %dma_wait3A_180 = arith.constant 0 : i32
    %dma_wait3A_181 = tpu.memref_slice %arg9[%dma_wait3A_179, %dma_wait3A_180] : memref<128x128xf32, #tpu.memory_space<vmem>> -> memref<64x128xf32, #tpu.memory_space<vmem>>
    %dma_wait3A_182 = arith.constant 0 : i32
    %dma_wait3A_183 = tpu.memref_slice %arg7[%dma_wait3A_178, %dma_wait3A_182] : memref<40x128xi32, #tpu.memory_space<vmem>> -> memref<1x64xi32, #tpu.memory_space<vmem>>
    %dma_wait3A_184 = tpu.memref_squeeze %dma_wait3A_183 : memref<1x64xi32, #tpu.memory_space<vmem>> -> memref<64xi32, #tpu.memory_space<vmem>>
    %dma_wait3A_185 = arith.constant 0 : i32
    %dma_wait3A_186 = arith.constant 0 : i32
    %dma_wait3A_187 = tpu.memref_slice %arg2[%dma_wait3A_185, %dma_wait3A_186] : memref<10240x128xf32, #tpu.memory_space<hbm>> -> memref<10240x128xf32, #tpu.memory_space<hbm>>
    tpu.wait_indirect_dma semaphore(%arg12 : memref<!tpu.dma_semaphore, #tpu.memory_space<semaphore_mem>>) src(%dma_wait3A_187 : memref<10240x128xf32, #tpu.memory_space<hbm>>) dst(%dma_wait3A_181 : memref<64x128xf32, #tpu.memory_space<vmem>>)
    %dma_wait3A_188 = arith.constant 0 : i32
    %dma_wait3A_189 = arith.constant 0 : i32
    %dma_wait3A_190 = arith.constant 0 : i32
    %dma_wait3A_191 = tpu.memref_slice %arg9[%dma_wait3A_189, %dma_wait3A_190] : memref<128x128xf32, #tpu.memory_space<vmem>> -> memref<64x128xf32, #tpu.memory_space<vmem>>
    %dma_wait3A_192 = arith.constant 0 : i32
    %dma_wait3A_193 = tpu.memref_slice %arg7[%dma_wait3A_188, %dma_wait3A_192] : memref<40x128xi32, #tpu.memory_space<vmem>> -> memref<1x64xi32, #tpu.memory_space<vmem>>
    %dma_wait3A_194 = tpu.memref_squeeze %dma_wait3A_193 : memref<1x64xi32, #tpu.memory_space<vmem>> -> memref<64xi32, #tpu.memory_space<vmem>>
    %dma_wait3A_195 = arith.constant 0 : i32
    %dma_wait3A_196 = arith.constant 0 : i32
    %dma_wait3A_197 = tpu.memref_slice %arg2[%dma_wait3A_195, %dma_wait3A_196] : memref<10240x128xf32, #tpu.memory_space<hbm>> -> memref<10240x128xf32, #tpu.memory_space<hbm>>
    tpu.wait_indirect_dma semaphore(%arg12 : memref<!tpu.dma_semaphore, #tpu.memory_space<semaphore_mem>>) src(%dma_wait3A_197 : memref<10240x128xf32, #tpu.memory_space<hbm>>) dst(%dma_wait3A_191 : memref<64x128xf32, #tpu.memory_space<vmem>>)
    %dma_start3A_198 = arith.constant 38 : i32
    %dma_start3A_199 = arith.constant 0 : i32
    %dma_start3A_200 = tpu.memref_slice %arg8[%dma_start3A_198, %dma_start3A_199] : memref<40x128xi32, #tpu.memory_space<vmem>> -> memref<1x128xi32, #tpu.memory_space<vmem>>
    %dma_start3A_201 = tpu.memref_squeeze %dma_start3A_200 : memref<1x128xi32, #tpu.memory_space<vmem>> -> memref<128xi32, #tpu.memory_space<vmem>>
    %dma_start3A_202 = arith.constant 0 : i32
    %dma_start3A_203 = arith.constant 0 : i32
    %dma_start3A_204 = tpu.memref_slice %arg11[%dma_start3A_202, %dma_start3A_203] : memref<10240x128xf32, #tpu.memory_space<vmem_shared>> -> memref<10240x128xf32, #tpu.memory_space<vmem_shared>>
    tpu.enqueue_indirect_dma source(%arg9 : memref<128x128xf32, #tpu.memory_space<vmem>>) target(%dma_start3A_204 : memref<10240x128xf32, #tpu.memory_space<vmem_shared>>) offsets(%dma_start3A_201 : memref<128xi32, #tpu.memory_space<vmem>>) semaphore(%arg14 : memref<!tpu.dma_semaphore, #tpu.memory_space<semaphore_mem>>) {add = true}
    %dma_wait3A_205 = arith.constant 0 : i32
    %dma_wait3A_206 = arith.constant 0 : i32
    %dma_wait3A_207 = arith.constant 0 : i32
    %dma_wait3A_208 = tpu.memref_slice %arg10[%dma_wait3A_206, %dma_wait3A_207] : memref<128x128xf32, #tpu.memory_space<vmem>> -> memref<64x128xf32, #tpu.memory_space<vmem>>
    %dma_wait3A_209 = arith.constant 0 : i32
    %dma_wait3A_210 = tpu.memref_slice %arg7[%dma_wait3A_205, %dma_wait3A_209] : memref<40x128xi32, #tpu.memory_space<vmem>> -> memref<1x64xi32, #tpu.memory_space<vmem>>
    %dma_wait3A_211 = tpu.memref_squeeze %dma_wait3A_210 : memref<1x64xi32, #tpu.memory_space<vmem>> -> memref<64xi32, #tpu.memory_space<vmem>>
    %dma_wait3A_212 = arith.constant 0 : i32
    %dma_wait3A_213 = arith.constant 0 : i32
    %dma_wait3A_214 = tpu.memref_slice %arg2[%dma_wait3A_212, %dma_wait3A_213] : memref<10240x128xf32, #tpu.memory_space<hbm>> -> memref<10240x128xf32, #tpu.memory_space<hbm>>
    tpu.wait_indirect_dma semaphore(%arg13 : memref<!tpu.dma_semaphore, #tpu.memory_space<semaphore_mem>>) src(%dma_wait3A_214 : memref<10240x128xf32, #tpu.memory_space<hbm>>) dst(%dma_wait3A_208 : memref<64x128xf32, #tpu.memory_space<vmem>>)
    %dma_wait3A_215 = arith.constant 0 : i32
    %dma_wait3A_216 = arith.constant 0 : i32
    %dma_wait3A_217 = arith.constant 0 : i32
    %dma_wait3A_218 = tpu.memref_slice %arg10[%dma_wait3A_216, %dma_wait3A_217] : memref<128x128xf32, #tpu.memory_space<vmem>> -> memref<64x128xf32, #tpu.memory_space<vmem>>
    %dma_wait3A_219 = arith.constant 0 : i32
    %dma_wait3A_220 = tpu.memref_slice %arg7[%dma_wait3A_215, %dma_wait3A_219] : memref<40x128xi32, #tpu.memory_space<vmem>> -> memref<1x64xi32, #tpu.memory_space<vmem>>
    %dma_wait3A_221 = tpu.memref_squeeze %dma_wait3A_220 : memref<1x64xi32, #tpu.memory_space<vmem>> -> memref<64xi32, #tpu.memory_space<vmem>>
    %dma_wait3A_222 = arith.constant 0 : i32
    %dma_wait3A_223 = arith.constant 0 : i32
    %dma_wait3A_224 = tpu.memref_slice %arg2[%dma_wait3A_222, %dma_wait3A_223] : memref<10240x128xf32, #tpu.memory_space<hbm>> -> memref<10240x128xf32, #tpu.memory_space<hbm>>
    tpu.wait_indirect_dma semaphore(%arg13 : memref<!tpu.dma_semaphore, #tpu.memory_space<semaphore_mem>>) src(%dma_wait3A_224 : memref<10240x128xf32, #tpu.memory_space<hbm>>) dst(%dma_wait3A_218 : memref<64x128xf32, #tpu.memory_space<vmem>>)
    %dma_start3A_225 = arith.constant 39 : i32
    %dma_start3A_226 = arith.constant 0 : i32
    %dma_start3A_227 = tpu.memref_slice %arg8[%dma_start3A_225, %dma_start3A_226] : memref<40x128xi32, #tpu.memory_space<vmem>> -> memref<1x128xi32, #tpu.memory_space<vmem>>
    %dma_start3A_228 = tpu.memref_squeeze %dma_start3A_227 : memref<1x128xi32, #tpu.memory_space<vmem>> -> memref<128xi32, #tpu.memory_space<vmem>>
    %dma_start3A_229 = arith.constant 0 : i32
    %dma_start3A_230 = arith.constant 0 : i32
    %dma_start3A_231 = tpu.memref_slice %arg11[%dma_start3A_229, %dma_start3A_230] : memref<10240x128xf32, #tpu.memory_space<vmem_shared>> -> memref<10240x128xf32, #tpu.memory_space<vmem_shared>>
    tpu.enqueue_indirect_dma source(%arg10 : memref<128x128xf32, #tpu.memory_space<vmem>>) target(%dma_start3A_231 : memref<10240x128xf32, #tpu.memory_space<vmem_shared>>) offsets(%dma_start3A_228 : memref<128xi32, #tpu.memory_space<vmem>>) semaphore(%arg15 : memref<!tpu.dma_semaphore, #tpu.memory_space<semaphore_mem>>) {add = true}
    %dma_wait3A_232 = arith.constant 0 : i32
    %dma_wait3A_233 = arith.constant 0 : i32
    %dma_wait3A_234 = tpu.memref_slice %arg8[%dma_wait3A_232, %dma_wait3A_233] : memref<40x128xi32, #tpu.memory_space<vmem>> -> memref<1x128xi32, #tpu.memory_space<vmem>>
    %dma_wait3A_235 = tpu.memref_squeeze %dma_wait3A_234 : memref<1x128xi32, #tpu.memory_space<vmem>> -> memref<128xi32, #tpu.memory_space<vmem>>
    %dma_wait3A_236 = arith.constant 0 : i32
    %dma_wait3A_237 = arith.constant 0 : i32
    %dma_wait3A_238 = tpu.memref_slice %arg11[%dma_wait3A_236, %dma_wait3A_237] : memref<10240x128xf32, #tpu.memory_space<vmem_shared>> -> memref<10240x128xf32, #tpu.memory_space<vmem_shared>>
    tpu.wait_indirect_dma semaphore(%arg14 : memref<!tpu.dma_semaphore, #tpu.memory_space<semaphore_mem>>) src(%arg9 : memref<128x128xf32, #tpu.memory_space<vmem>>) dst(%dma_wait3A_238 : memref<10240x128xf32, #tpu.memory_space<vmem_shared>>)
    %dma_wait3A_239 = arith.constant 1 : i32
    %dma_wait3A_240 = arith.constant 0 : i32
    %dma_wait3A_241 = tpu.memref_slice %arg8[%dma_wait3A_239, %dma_wait3A_240] : memref<40x128xi32, #tpu.memory_space<vmem>> -> memref<1x128xi32, #tpu.memory_space<vmem>>
    %dma_wait3A_242 = tpu.memref_squeeze %dma_wait3A_241 : memref<1x128xi32, #tpu.memory_space<vmem>> -> memref<128xi32, #tpu.memory_space<vmem>>
    %dma_wait3A_243 = arith.constant 0 : i32
    %dma_wait3A_244 = arith.constant 0 : i32
    %dma_wait3A_245 = tpu.memref_slice %arg11[%dma_wait3A_243, %dma_wait3A_244] : memref<10240x128xf32, #tpu.memory_space<vmem_shared>> -> memref<10240x128xf32, #tpu.memory_space<vmem_shared>>
    tpu.wait_indirect_dma semaphore(%arg15 : memref<!tpu.dma_semaphore, #tpu.memory_space<semaphore_mem>>) src(%arg10 : memref<128x128xf32, #tpu.memory_space<vmem>>) dst(%dma_wait3A_245 : memref<10240x128xf32, #tpu.memory_space<vmem_shared>>)
    %barrier3A_246 = arith.constant 0 : index
    tpu.barrier barrier_id(%barrier3A_246)
    %mul3A_247 = arith.constant 640 : i32
    %mul3A_248 = arith.muli %arg1, %mul3A_247 : i32
    %mul3A_249 = arith.constant 640 : i32
    %mul3A_250 = arith.muli %arg1, %mul3A_249 : i32
    "tpu.region"() ({
      %run_scoped3A = tpu.sem_alloc : memref<!tpu.dma_semaphore, #tpu.memory_space<semaphore_mem>>
      %dma_start3A_251 = arith.constant 0 : i32
      %dma_start3A_252 = tpu.memref_slice %arg6[%arg0, %mul3A_250, %dma_start3A_251] : memref<2x10240x128xf32, #tpu.memory_space<hbm>> -> memref<1x640x128xf32, #tpu.memory_space<hbm>>
      %dma_start3A_253 = tpu.memref_squeeze %dma_start3A_252 : memref<1x640x128xf32, #tpu.memory_space<hbm>> -> memref<640x128xf32, #tpu.memory_space<hbm>>
      %dma_start3A_254 = arith.constant 0 : i32
      %dma_start3A_255 = tpu.memref_slice %arg11[%mul3A_248, %dma_start3A_254] : memref<10240x128xf32, #tpu.memory_space<vmem_shared>> -> memref<640x128xf32, #tpu.memory_space<vmem_shared>>
      tpu.enqueue_dma source(%dma_start3A_255 : memref<640x128xf32, #tpu.memory_space<vmem_shared>>) target(%dma_start3A_253 : memref<640x128xf32, #tpu.memory_space<hbm>>) target_semaphore(%run_scoped3A : memref<!tpu.dma_semaphore, #tpu.memory_space<semaphore_mem>>)
      %dma_wait3A_256 = arith.constant 0 : i32
      %dma_wait3A_257 = tpu.memref_slice %arg6[%arg0, %mul3A_250, %dma_wait3A_256] : memref<2x10240x128xf32, #tpu.memory_space<hbm>> -> memref<1x640x128xf32, #tpu.memory_space<hbm>>
      %dma_wait3A_258 = tpu.memref_squeeze %dma_wait3A_257 : memref<1x640x128xf32, #tpu.memory_space<hbm>> -> memref<640x128xf32, #tpu.memory_space<hbm>>
      %dma_wait3A_259 = arith.constant 0 : i32
      %dma_wait3A_260 = tpu.memref_slice %arg11[%mul3A_248, %dma_wait3A_259] : memref<10240x128xf32, #tpu.memory_space<vmem_shared>> -> memref<640x128xf32, #tpu.memory_space<vmem_shared>>
      tpu.wait_dma2 semaphore(%run_scoped3A : memref<!tpu.dma_semaphore, #tpu.memory_space<semaphore_mem>>) src(%dma_wait3A_260 : memref<640x128xf32, #tpu.memory_space<vmem_shared>>) dst(%dma_wait3A_258 : memref<640x128xf32, #tpu.memory_space<hbm>>)
      tpu.yield
    }) : () -> ()
    return
  }
}

#map = affine_map<(d0, d1) -> (0, 0)>
#map1 = affine_map<(d0, d1) -> (0, 0, 0)>
module attributes {stable_mosaic.version = 14 : i64} {
  func.func @agg_kernel(%arg0: i32, %arg1: i32, %arg2: memref<10240x128xf32, #tpu.memory_space<hbm>>, %arg3: memref<32x80x128xi32, #tpu.memory_space<hbm>>, %arg4: memref<32x80x128xi32, #tpu.memory_space<hbm>>, %arg5: memref<128x128xf32, #tpu.memory_space<hbm>>, %arg6: memref<2x10240x128xf32, #tpu.memory_space<hbm>>, %arg7: memref<40x128xi32, #tpu.memory_space<vmem>>, %arg8: memref<40x128xi32, #tpu.memory_space<vmem>>, %arg9: memref<128x128xf32, #tpu.memory_space<vmem>>, %arg10: memref<128x128xf32, #tpu.memory_space<vmem>>, %arg11: memref<10240x128xf32, #tpu.memory_space<vmem_shared>>, %arg12: memref<!tpu.dma_semaphore, #tpu.memory_space<semaphore_mem>>, %arg13: memref<!tpu.dma_semaphore, #tpu.memory_space<semaphore_mem>>, %arg14: memref<!tpu.dma_semaphore, #tpu.memory_space<semaphore_mem>>, %arg15: memref<!tpu.dma_semaphore, #tpu.memory_space<semaphore_mem>>) attributes {dimension_semantics = [#tpu.dimension_semantics<core_parallel>, #tpu.dimension_semantics<subcore_parallel>], iteration_bounds = array<i64: 2, 16>, scalar_prefetch = 0 : i64, scratch_operands = 9 : i64, tpu.core_type = #tpu.core_type<sc_vector_subcore>, window_params = [{transform_indices = #map}, {transform_indices = #map1}, {transform_indices = #map1}, {transform_indices = #map}, {transform_indices = #map1}]} {
    %mul3A = arith.constant 16 : i32
    %mul3A_0 = arith.muli %arg0, %mul3A : i32
    %add3A = arith.addi %mul3A_0, %arg1 : i32
    "tpu.region"() ({
      %run_scoped3A = tpu.sem_alloc : memref<!tpu.dma_semaphore, #tpu.memory_space<semaphore_mem>>
      tpu.enqueue_dma source(%arg5 : memref<128x128xf32, #tpu.memory_space<hbm>>) target(%arg9 : memref<128x128xf32, #tpu.memory_space<vmem>>) target_semaphore(%run_scoped3A : memref<!tpu.dma_semaphore, #tpu.memory_space<semaphore_mem>>)
      tpu.wait_dma2 semaphore(%run_scoped3A : memref<!tpu.dma_semaphore, #tpu.memory_space<semaphore_mem>>) src(%arg5 : memref<128x128xf32, #tpu.memory_space<hbm>>) dst(%arg9 : memref<128x128xf32, #tpu.memory_space<vmem>>)
      tpu.yield
    }) : () -> ()
    %mul3A_1 = arith.constant 640 : i32
    %mul3A_2 = arith.muli %arg1, %mul3A_1 : i32
    %add3A_3 = arith.constant 0 : i32
    %add3A_4 = arith.addi %mul3A_2, %add3A_3 : i32
    "tpu.region"() ({
      %run_scoped3A = tpu.sem_alloc : memref<!tpu.dma_semaphore, #tpu.memory_space<semaphore_mem>>
      %dma_start3A_251 = arith.constant 0 : i32
      %dma_start3A_252 = arith.constant 0 : i32
      %dma_start3A_253 = tpu.memref_slice %arg9[%dma_start3A_251, %dma_start3A_252] : memref<128x128xf32, #tpu.memory_space<vmem>> -> memref<128x128xf32, #tpu.memory_space<vmem>>
      %dma_start3A_254 = arith.constant 0 : i32
      %dma_start3A_255 = tpu.memref_slice %arg11[%add3A_4, %dma_start3A_254] : memref<10240x128xf32, #tpu.memory_space<vmem_shared>> -> memref<128x128xf32, #tpu.memory_space<vmem_shared>>
      %dma_start3A_256 = arith.constant 0 : i32
      %dma_start3A_257 = tpu.memref_slice %arg11[%add3A_4, %dma_start3A_256] : memref<10240x128xf32, #tpu.memory_space<vmem_shared>> -> memref<128x128xf32, #tpu.memory_space<vmem_shared>>
      %dma_start3A_258 = arith.constant 0 : i32
      %dma_start3A_259 = arith.constant 0 : i32
      %dma_start3A_260 = tpu.memref_slice %arg9[%dma_start3A_258, %dma_start3A_259] : memref<128x128xf32, #tpu.memory_space<vmem>> -> memref<128x128xf32, #tpu.memory_space<vmem>>
      tpu.enqueue_dma source(%dma_start3A_260 : memref<128x128xf32, #tpu.memory_space<vmem>>) target(%dma_start3A_257 : memref<128x128xf32, #tpu.memory_space<vmem_shared>>) target_semaphore(%run_scoped3A : memref<!tpu.dma_semaphore, #tpu.memory_space<semaphore_mem>>)
      %dma_wait3A_261 = arith.constant 0 : i32
      %dma_wait3A_262 = arith.constant 0 : i32
      %dma_wait3A_263 = tpu.memref_slice %arg9[%dma_wait3A_261, %dma_wait3A_262] : memref<128x128xf32, #tpu.memory_space<vmem>> -> memref<128x128xf32, #tpu.memory_space<vmem>>
      %dma_wait3A_264 = arith.constant 0 : i32
      %dma_wait3A_265 = tpu.memref_slice %arg11[%add3A_4, %dma_wait3A_264] : memref<10240x128xf32, #tpu.memory_space<vmem_shared>> -> memref<128x128xf32, #tpu.memory_space<vmem_shared>>
      %dma_wait3A_266 = arith.constant 0 : i32
      %dma_wait3A_267 = tpu.memref_slice %arg11[%add3A_4, %dma_wait3A_266] : memref<10240x128xf32, #tpu.memory_space<vmem_shared>> -> memref<128x128xf32, #tpu.memory_space<vmem_shared>>
      %dma_wait3A_268 = arith.constant 0 : i32
      %dma_wait3A_269 = arith.constant 0 : i32
      %dma_wait3A_270 = tpu.memref_slice %arg9[%dma_wait3A_268, %dma_wait3A_269] : memref<128x128xf32, #tpu.memory_space<vmem>> -> memref<128x128xf32, #tpu.memory_space<vmem>>
      tpu.wait_dma2 semaphore(%run_scoped3A : memref<!tpu.dma_semaphore, #tpu.memory_space<semaphore_mem>>) src(%dma_wait3A_270 : memref<128x128xf32, #tpu.memory_space<vmem>>) dst(%dma_wait3A_267 : memref<128x128xf32, #tpu.memory_space<vmem_shared>>)
      tpu.yield
    }) : () -> ()
    %mul3A_5 = arith.constant 640 : i32
    %mul3A_6 = arith.muli %arg1, %mul3A_5 : i32
    %add3A_7 = arith.constant 128 : i32
    %add3A_8 = arith.addi %mul3A_6, %add3A_7 : i32
    "tpu.region"() ({
      %run_scoped3A = tpu.sem_alloc : memref<!tpu.dma_semaphore, #tpu.memory_space<semaphore_mem>>
      %dma_start3A_251 = arith.constant 0 : i32
      %dma_start3A_252 = arith.constant 0 : i32
      %dma_start3A_253 = tpu.memref_slice %arg9[%dma_start3A_251, %dma_start3A_252] : memref<128x128xf32, #tpu.memory_space<vmem>> -> memref<128x128xf32, #tpu.memory_space<vmem>>
      %dma_start3A_254 = arith.constant 0 : i32
      %dma_start3A_255 = tpu.memref_slice %arg11[%add3A_8, %dma_start3A_254] : memref<10240x128xf32, #tpu.memory_space<vmem_shared>> -> memref<128x128xf32, #tpu.memory_space<vmem_shared>>
      %dma_start3A_256 = arith.constant 0 : i32
      %dma_start3A_257 = tpu.memref_slice %arg11[%add3A_8, %dma_start3A_256] : memref<10240x128xf32, #tpu.memory_space<vmem_shared>> -> memref<128x128xf32, #tpu.memory_space<vmem_shared>>
      %dma_start3A_258 = arith.constant 0 : i32
      %dma_start3A_259 = arith.constant 0 : i32
      %dma_start3A_260 = tpu.memref_slice %arg9[%dma_start3A_258, %dma_start3A_259] : memref<128x128xf32, #tpu.memory_space<vmem>> -> memref<128x128xf32, #tpu.memory_space<vmem>>
      tpu.enqueue_dma source(%dma_start3A_260 : memref<128x128xf32, #tpu.memory_space<vmem>>) target(%dma_start3A_257 : memref<128x128xf32, #tpu.memory_space<vmem_shared>>) target_semaphore(%run_scoped3A : memref<!tpu.dma_semaphore, #tpu.memory_space<semaphore_mem>>)
      %dma_wait3A_261 = arith.constant 0 : i32
      %dma_wait3A_262 = arith.constant 0 : i32
      %dma_wait3A_263 = tpu.memref_slice %arg9[%dma_wait3A_261, %dma_wait3A_262] : memref<128x128xf32, #tpu.memory_space<vmem>> -> memref<128x128xf32, #tpu.memory_space<vmem>>
      %dma_wait3A_264 = arith.constant 0 : i32
      %dma_wait3A_265 = tpu.memref_slice %arg11[%add3A_8, %dma_wait3A_264] : memref<10240x128xf32, #tpu.memory_space<vmem_shared>> -> memref<128x128xf32, #tpu.memory_space<vmem_shared>>
      %dma_wait3A_266 = arith.constant 0 : i32
      %dma_wait3A_267 = tpu.memref_slice %arg11[%add3A_8, %dma_wait3A_266] : memref<10240x128xf32, #tpu.memory_space<vmem_shared>> -> memref<128x128xf32, #tpu.memory_space<vmem_shared>>
      %dma_wait3A_268 = arith.constant 0 : i32
      %dma_wait3A_269 = arith.constant 0 : i32
      %dma_wait3A_270 = tpu.memref_slice %arg9[%dma_wait3A_268, %dma_wait3A_269] : memref<128x128xf32, #tpu.memory_space<vmem>> -> memref<128x128xf32, #tpu.memory_space<vmem>>
      tpu.wait_dma2 semaphore(%run_scoped3A : memref<!tpu.dma_semaphore, #tpu.memory_space<semaphore_mem>>) src(%dma_wait3A_270 : memref<128x128xf32, #tpu.memory_space<vmem>>) dst(%dma_wait3A_267 : memref<128x128xf32, #tpu.memory_space<vmem_shared>>)
      tpu.yield
    }) : () -> ()
    %mul3A_9 = arith.constant 640 : i32
    %mul3A_10 = arith.muli %arg1, %mul3A_9 : i32
    %add3A_11 = arith.constant 256 : i32
    %add3A_12 = arith.addi %mul3A_10, %add3A_11 : i32
    "tpu.region"() ({
      %run_scoped3A = tpu.sem_alloc : memref<!tpu.dma_semaphore, #tpu.memory_space<semaphore_mem>>
      %dma_start3A_251 = arith.constant 0 : i32
      %dma_start3A_252 = arith.constant 0 : i32
      %dma_start3A_253 = tpu.memref_slice %arg9[%dma_start3A_251, %dma_start3A_252] : memref<128x128xf32, #tpu.memory_space<vmem>> -> memref<128x128xf32, #tpu.memory_space<vmem>>
      %dma_start3A_254 = arith.constant 0 : i32
      %dma_start3A_255 = tpu.memref_slice %arg11[%add3A_12, %dma_start3A_254] : memref<10240x128xf32, #tpu.memory_space<vmem_shared>> -> memref<128x128xf32, #tpu.memory_space<vmem_shared>>
      %dma_start3A_256 = arith.constant 0 : i32
      %dma_start3A_257 = tpu.memref_slice %arg11[%add3A_12, %dma_start3A_256] : memref<10240x128xf32, #tpu.memory_space<vmem_shared>> -> memref<128x128xf32, #tpu.memory_space<vmem_shared>>
      %dma_start3A_258 = arith.constant 0 : i32
      %dma_start3A_259 = arith.constant 0 : i32
      %dma_start3A_260 = tpu.memref_slice %arg9[%dma_start3A_258, %dma_start3A_259] : memref<128x128xf32, #tpu.memory_space<vmem>> -> memref<128x128xf32, #tpu.memory_space<vmem>>
      tpu.enqueue_dma source(%dma_start3A_260 : memref<128x128xf32, #tpu.memory_space<vmem>>) target(%dma_start3A_257 : memref<128x128xf32, #tpu.memory_space<vmem_shared>>) target_semaphore(%run_scoped3A : memref<!tpu.dma_semaphore, #tpu.memory_space<semaphore_mem>>)
      %dma_wait3A_261 = arith.constant 0 : i32
      %dma_wait3A_262 = arith.constant 0 : i32
      %dma_wait3A_263 = tpu.memref_slice %arg9[%dma_wait3A_261, %dma_wait3A_262] : memref<128x128xf32, #tpu.memory_space<vmem>> -> memref<128x128xf32, #tpu.memory_space<vmem>>
      %dma_wait3A_264 = arith.constant 0 : i32
      %dma_wait3A_265 = tpu.memref_slice %arg11[%add3A_12, %dma_wait3A_264] : memref<10240x128xf32, #tpu.memory_space<vmem_shared>> -> memref<128x128xf32, #tpu.memory_space<vmem_shared>>
      %dma_wait3A_266 = arith.constant 0 : i32
      %dma_wait3A_267 = tpu.memref_slice %arg11[%add3A_12, %dma_wait3A_266] : memref<10240x128xf32, #tpu.memory_space<vmem_shared>> -> memref<128x128xf32, #tpu.memory_space<vmem_shared>>
      %dma_wait3A_268 = arith.constant 0 : i32
      %dma_wait3A_269 = arith.constant 0 : i32
      %dma_wait3A_270 = tpu.memref_slice %arg9[%dma_wait3A_268, %dma_wait3A_269] : memref<128x128xf32, #tpu.memory_space<vmem>> -> memref<128x128xf32, #tpu.memory_space<vmem>>
      tpu.wait_dma2 semaphore(%run_scoped3A : memref<!tpu.dma_semaphore, #tpu.memory_space<semaphore_mem>>) src(%dma_wait3A_270 : memref<128x128xf32, #tpu.memory_space<vmem>>) dst(%dma_wait3A_267 : memref<128x128xf32, #tpu.memory_space<vmem_shared>>)
      tpu.yield
    }) : () -> ()
    %mul3A_13 = arith.constant 640 : i32
    %mul3A_14 = arith.muli %arg1, %mul3A_13 : i32
    %add3A_15 = arith.constant 384 : i32
    %add3A_16 = arith.addi %mul3A_14, %add3A_15 : i32
    "tpu.region"() ({
      %run_scoped3A = tpu.sem_alloc : memref<!tpu.dma_semaphore, #tpu.memory_space<semaphore_mem>>
      %dma_start3A_251 = arith.constant 0 : i32
      %dma_start3A_252 = arith.constant 0 : i32
      %dma_start3A_253 = tpu.memref_slice %arg9[%dma_start3A_251, %dma_start3A_252] : memref<128x128xf32, #tpu.memory_space<vmem>> -> memref<128x128xf32, #tpu.memory_space<vmem>>
      %dma_start3A_254 = arith.constant 0 : i32
      %dma_start3A_255 = tpu.memref_slice %arg11[%add3A_16, %dma_start3A_254] : memref<10240x128xf32, #tpu.memory_space<vmem_shared>> -> memref<128x128xf32, #tpu.memory_space<vmem_shared>>
      %dma_start3A_256 = arith.constant 0 : i32
      %dma_start3A_257 = tpu.memref_slice %arg11[%add3A_16, %dma_start3A_256] : memref<10240x128xf32, #tpu.memory_space<vmem_shared>> -> memref<128x128xf32, #tpu.memory_space<vmem_shared>>
      %dma_start3A_258 = arith.constant 0 : i32
      %dma_start3A_259 = arith.constant 0 : i32
      %dma_start3A_260 = tpu.memref_slice %arg9[%dma_start3A_258, %dma_start3A_259] : memref<128x128xf32, #tpu.memory_space<vmem>> -> memref<128x128xf32, #tpu.memory_space<vmem>>
      tpu.enqueue_dma source(%dma_start3A_260 : memref<128x128xf32, #tpu.memory_space<vmem>>) target(%dma_start3A_257 : memref<128x128xf32, #tpu.memory_space<vmem_shared>>) target_semaphore(%run_scoped3A : memref<!tpu.dma_semaphore, #tpu.memory_space<semaphore_mem>>)
      %dma_wait3A_261 = arith.constant 0 : i32
      %dma_wait3A_262 = arith.constant 0 : i32
      %dma_wait3A_263 = tpu.memref_slice %arg9[%dma_wait3A_261, %dma_wait3A_262] : memref<128x128xf32, #tpu.memory_space<vmem>> -> memref<128x128xf32, #tpu.memory_space<vmem>>
      %dma_wait3A_264 = arith.constant 0 : i32
      %dma_wait3A_265 = tpu.memref_slice %arg11[%add3A_16, %dma_wait3A_264] : memref<10240x128xf32, #tpu.memory_space<vmem_shared>> -> memref<128x128xf32, #tpu.memory_space<vmem_shared>>
      %dma_wait3A_266 = arith.constant 0 : i32
      %dma_wait3A_267 = tpu.memref_slice %arg11[%add3A_16, %dma_wait3A_266] : memref<10240x128xf32, #tpu.memory_space<vmem_shared>> -> memref<128x128xf32, #tpu.memory_space<vmem_shared>>
      %dma_wait3A_268 = arith.constant 0 : i32
      %dma_wait3A_269 = arith.constant 0 : i32
      %dma_wait3A_270 = tpu.memref_slice %arg9[%dma_wait3A_268, %dma_wait3A_269] : memref<128x128xf32, #tpu.memory_space<vmem>> -> memref<128x128xf32, #tpu.memory_space<vmem>>
      tpu.wait_dma2 semaphore(%run_scoped3A : memref<!tpu.dma_semaphore, #tpu.memory_space<semaphore_mem>>) src(%dma_wait3A_270 : memref<128x128xf32, #tpu.memory_space<vmem>>) dst(%dma_wait3A_267 : memref<128x128xf32, #tpu.memory_space<vmem_shared>>)
      tpu.yield
    }) : () -> ()
    %mul3A_17 = arith.constant 640 : i32
    %mul3A_18 = arith.muli %arg1, %mul3A_17 : i32
    %add3A_19 = arith.constant 512 : i32
    %add3A_20 = arith.addi %mul3A_18, %add3A_19 : i32
    "tpu.region"() ({
      %run_scoped3A = tpu.sem_alloc : memref<!tpu.dma_semaphore, #tpu.memory_space<semaphore_mem>>
      %dma_start3A_251 = arith.constant 0 : i32
      %dma_start3A_252 = arith.constant 0 : i32
      %dma_start3A_253 = tpu.memref_slice %arg9[%dma_start3A_251, %dma_start3A_252] : memref<128x128xf32, #tpu.memory_space<vmem>> -> memref<128x128xf32, #tpu.memory_space<vmem>>
      %dma_start3A_254 = arith.constant 0 : i32
      %dma_start3A_255 = tpu.memref_slice %arg11[%add3A_20, %dma_start3A_254] : memref<10240x128xf32, #tpu.memory_space<vmem_shared>> -> memref<128x128xf32, #tpu.memory_space<vmem_shared>>
      %dma_start3A_256 = arith.constant 0 : i32
      %dma_start3A_257 = tpu.memref_slice %arg11[%add3A_20, %dma_start3A_256] : memref<10240x128xf32, #tpu.memory_space<vmem_shared>> -> memref<128x128xf32, #tpu.memory_space<vmem_shared>>
      %dma_start3A_258 = arith.constant 0 : i32
      %dma_start3A_259 = arith.constant 0 : i32
      %dma_start3A_260 = tpu.memref_slice %arg9[%dma_start3A_258, %dma_start3A_259] : memref<128x128xf32, #tpu.memory_space<vmem>> -> memref<128x128xf32, #tpu.memory_space<vmem>>
      tpu.enqueue_dma source(%dma_start3A_260 : memref<128x128xf32, #tpu.memory_space<vmem>>) target(%dma_start3A_257 : memref<128x128xf32, #tpu.memory_space<vmem_shared>>) target_semaphore(%run_scoped3A : memref<!tpu.dma_semaphore, #tpu.memory_space<semaphore_mem>>)
      %dma_wait3A_261 = arith.constant 0 : i32
      %dma_wait3A_262 = arith.constant 0 : i32
      %dma_wait3A_263 = tpu.memref_slice %arg9[%dma_wait3A_261, %dma_wait3A_262] : memref<128x128xf32, #tpu.memory_space<vmem>> -> memref<128x128xf32, #tpu.memory_space<vmem>>
      %dma_wait3A_264 = arith.constant 0 : i32
      %dma_wait3A_265 = tpu.memref_slice %arg11[%add3A_20, %dma_wait3A_264] : memref<10240x128xf32, #tpu.memory_space<vmem_shared>> -> memref<128x128xf32, #tpu.memory_space<vmem_shared>>
      %dma_wait3A_266 = arith.constant 0 : i32
      %dma_wait3A_267 = tpu.memref_slice %arg11[%add3A_20, %dma_wait3A_266] : memref<10240x128xf32, #tpu.memory_space<vmem_shared>> -> memref<128x128xf32, #tpu.memory_space<vmem_shared>>
      %dma_wait3A_268 = arith.constant 0 : i32
      %dma_wait3A_269 = arith.constant 0 : i32
      %dma_wait3A_270 = tpu.memref_slice %arg9[%dma_wait3A_268, %dma_wait3A_269] : memref<128x128xf32, #tpu.memory_space<vmem>> -> memref<128x128xf32, #tpu.memory_space<vmem>>
      tpu.wait_dma2 semaphore(%run_scoped3A : memref<!tpu.dma_semaphore, #tpu.memory_space<semaphore_mem>>) src(%dma_wait3A_270 : memref<128x128xf32, #tpu.memory_space<vmem>>) dst(%dma_wait3A_267 : memref<128x128xf32, #tpu.memory_space<vmem_shared>>)
      tpu.yield
    }) : () -> ()
    %barrier3A = arith.constant 0 : index
    tpu.barrier barrier_id(%barrier3A)
    "tpu.region"() ({
      %run_scoped3A = tpu.sem_alloc : memref<!tpu.dma_semaphore, #tpu.memory_space<semaphore_mem>>
      %dma_start3A_251 = arith.constant 0 : i32
      %dma_start3A_252 = arith.constant 0 : i32
      %dma_start3A_253 = tpu.memref_slice %arg7[%dma_start3A_251, %dma_start3A_252] : memref<40x128xi32, #tpu.memory_space<vmem>> -> memref<40x128xi32, #tpu.memory_space<vmem>>
      %dma_start3A_254 = arith.constant 0 : i32
      %dma_start3A_255 = arith.constant 0 : i32
      %dma_start3A_256 = tpu.memref_slice %arg3[%add3A, %dma_start3A_254, %dma_start3A_255] : memref<32x80x128xi32, #tpu.memory_space<hbm>> -> memref<1x40x128xi32, #tpu.memory_space<hbm>>
      %dma_start3A_257 = tpu.memref_squeeze %dma_start3A_256 : memref<1x40x128xi32, #tpu.memory_space<hbm>> -> memref<40x128xi32, #tpu.memory_space<hbm>>
      %dma_start3A_258 = arith.constant 0 : i32
      %dma_start3A_259 = arith.constant 0 : i32
      %dma_start3A_260 = tpu.memref_slice %arg7[%dma_start3A_258, %dma_start3A_259] : memref<40x128xi32, #tpu.memory_space<vmem>> -> memref<40x128xi32, #tpu.memory_space<vmem>>
      %dma_start3A_261 = arith.constant 0 : i32
      %dma_start3A_262 = arith.constant 0 : i32
      %dma_start3A_263 = tpu.memref_slice %arg3[%add3A, %dma_start3A_261, %dma_start3A_262] : memref<32x80x128xi32, #tpu.memory_space<hbm>> -> memref<1x40x128xi32, #tpu.memory_space<hbm>>
      %dma_start3A_264 = tpu.memref_squeeze %dma_start3A_263 : memref<1x40x128xi32, #tpu.memory_space<hbm>> -> memref<40x128xi32, #tpu.memory_space<hbm>>
      tpu.enqueue_dma source(%dma_start3A_264 : memref<40x128xi32, #tpu.memory_space<hbm>>) target(%dma_start3A_260 : memref<40x128xi32, #tpu.memory_space<vmem>>) target_semaphore(%run_scoped3A : memref<!tpu.dma_semaphore, #tpu.memory_space<semaphore_mem>>)
      %dma_wait3A_265 = arith.constant 0 : i32
      %dma_wait3A_266 = arith.constant 0 : i32
      %dma_wait3A_267 = tpu.memref_slice %arg7[%dma_wait3A_265, %dma_wait3A_266] : memref<40x128xi32, #tpu.memory_space<vmem>> -> memref<40x128xi32, #tpu.memory_space<vmem>>
      %dma_wait3A_268 = arith.constant 0 : i32
      %dma_wait3A_269 = arith.constant 0 : i32
      %dma_wait3A_270 = tpu.memref_slice %arg3[%add3A, %dma_wait3A_268, %dma_wait3A_269] : memref<32x80x128xi32, #tpu.memory_space<hbm>> -> memref<1x40x128xi32, #tpu.memory_space<hbm>>
      %dma_wait3A_271 = tpu.memref_squeeze %dma_wait3A_270 : memref<1x40x128xi32, #tpu.memory_space<hbm>> -> memref<40x128xi32, #tpu.memory_space<hbm>>
      %dma_wait3A_272 = arith.constant 0 : i32
      %dma_wait3A_273 = arith.constant 0 : i32
      %dma_wait3A_274 = tpu.memref_slice %arg7[%dma_wait3A_272, %dma_wait3A_273] : memref<40x128xi32, #tpu.memory_space<vmem>> -> memref<40x128xi32, #tpu.memory_space<vmem>>
      %dma_wait3A_275 = arith.constant 0 : i32
      %dma_wait3A_276 = arith.constant 0 : i32
      %dma_wait3A_277 = tpu.memref_slice %arg3[%add3A, %dma_wait3A_275, %dma_wait3A_276] : memref<32x80x128xi32, #tpu.memory_space<hbm>> -> memref<1x40x128xi32, #tpu.memory_space<hbm>>
      %dma_wait3A_278 = tpu.memref_squeeze %dma_wait3A_277 : memref<1x40x128xi32, #tpu.memory_space<hbm>> -> memref<40x128xi32, #tpu.memory_space<hbm>>
      tpu.wait_dma2 semaphore(%run_scoped3A : memref<!tpu.dma_semaphore, #tpu.memory_space<semaphore_mem>>) src(%dma_wait3A_278 : memref<40x128xi32, #tpu.memory_space<hbm>>) dst(%dma_wait3A_274 : memref<40x128xi32, #tpu.memory_space<vmem>>)
      tpu.yield
    }) : () -> ()
    "tpu.region"() ({
      %run_scoped3A = tpu.sem_alloc : memref<!tpu.dma_semaphore, #tpu.memory_space<semaphore_mem>>
      %dma_start3A_251 = arith.constant 0 : i32
      %dma_start3A_252 = arith.constant 0 : i32
      %dma_start3A_253 = tpu.memref_slice %arg8[%dma_start3A_251, %dma_start3A_252] : memref<40x128xi32, #tpu.memory_space<vmem>> -> memref<40x128xi32, #tpu.memory_space<vmem>>
      %dma_start3A_254 = arith.constant 0 : i32
      %dma_start3A_255 = arith.constant 0 : i32
      %dma_start3A_256 = tpu.memref_slice %arg4[%add3A, %dma_start3A_254, %dma_start3A_255] : memref<32x80x128xi32, #tpu.memory_space<hbm>> -> memref<1x40x128xi32, #tpu.memory_space<hbm>>
      %dma_start3A_257 = tpu.memref_squeeze %dma_start3A_256 : memref<1x40x128xi32, #tpu.memory_space<hbm>> -> memref<40x128xi32, #tpu.memory_space<hbm>>
      %dma_start3A_258 = arith.constant 0 : i32
      %dma_start3A_259 = arith.constant 0 : i32
      %dma_start3A_260 = tpu.memref_slice %arg8[%dma_start3A_258, %dma_start3A_259] : memref<40x128xi32, #tpu.memory_space<vmem>> -> memref<40x128xi32, #tpu.memory_space<vmem>>
      %dma_start3A_261 = arith.constant 0 : i32
      %dma_start3A_262 = arith.constant 0 : i32
      %dma_start3A_263 = tpu.memref_slice %arg4[%add3A, %dma_start3A_261, %dma_start3A_262] : memref<32x80x128xi32, #tpu.memory_space<hbm>> -> memref<1x40x128xi32, #tpu.memory_space<hbm>>
      %dma_start3A_264 = tpu.memref_squeeze %dma_start3A_263 : memref<1x40x128xi32, #tpu.memory_space<hbm>> -> memref<40x128xi32, #tpu.memory_space<hbm>>
      tpu.enqueue_dma source(%dma_start3A_264 : memref<40x128xi32, #tpu.memory_space<hbm>>) target(%dma_start3A_260 : memref<40x128xi32, #tpu.memory_space<vmem>>) target_semaphore(%run_scoped3A : memref<!tpu.dma_semaphore, #tpu.memory_space<semaphore_mem>>)
      %dma_wait3A_265 = arith.constant 0 : i32
      %dma_wait3A_266 = arith.constant 0 : i32
      %dma_wait3A_267 = tpu.memref_slice %arg8[%dma_wait3A_265, %dma_wait3A_266] : memref<40x128xi32, #tpu.memory_space<vmem>> -> memref<40x128xi32, #tpu.memory_space<vmem>>
      %dma_wait3A_268 = arith.constant 0 : i32
      %dma_wait3A_269 = arith.constant 0 : i32
      %dma_wait3A_270 = tpu.memref_slice %arg4[%add3A, %dma_wait3A_268, %dma_wait3A_269] : memref<32x80x128xi32, #tpu.memory_space<hbm>> -> memref<1x40x128xi32, #tpu.memory_space<hbm>>
      %dma_wait3A_271 = tpu.memref_squeeze %dma_wait3A_270 : memref<1x40x128xi32, #tpu.memory_space<hbm>> -> memref<40x128xi32, #tpu.memory_space<hbm>>
      %dma_wait3A_272 = arith.constant 0 : i32
      %dma_wait3A_273 = arith.constant 0 : i32
      %dma_wait3A_274 = tpu.memref_slice %arg8[%dma_wait3A_272, %dma_wait3A_273] : memref<40x128xi32, #tpu.memory_space<vmem>> -> memref<40x128xi32, #tpu.memory_space<vmem>>
      %dma_wait3A_275 = arith.constant 0 : i32
      %dma_wait3A_276 = arith.constant 0 : i32
      %dma_wait3A_277 = tpu.memref_slice %arg4[%add3A, %dma_wait3A_275, %dma_wait3A_276] : memref<32x80x128xi32, #tpu.memory_space<hbm>> -> memref<1x40x128xi32, #tpu.memory_space<hbm>>
      %dma_wait3A_278 = tpu.memref_squeeze %dma_wait3A_277 : memref<1x40x128xi32, #tpu.memory_space<hbm>> -> memref<40x128xi32, #tpu.memory_space<hbm>>
      tpu.wait_dma2 semaphore(%run_scoped3A : memref<!tpu.dma_semaphore, #tpu.memory_space<semaphore_mem>>) src(%dma_wait3A_278 : memref<40x128xi32, #tpu.memory_space<hbm>>) dst(%dma_wait3A_274 : memref<40x128xi32, #tpu.memory_space<vmem>>)
      tpu.yield
    }) : () -> ()
    %dma_start3A = arith.constant 0 : i32
    %dma_start3A_21 = arith.constant 0 : i32
    %dma_start3A_22 = arith.constant 0 : i32
    %dma_start3A_23 = tpu.memref_slice %arg9[%dma_start3A_21, %dma_start3A_22] : memref<128x128xf32, #tpu.memory_space<vmem>> -> memref<64x128xf32, #tpu.memory_space<vmem>>
    %dma_start3A_24 = arith.constant 0 : i32
    %dma_start3A_25 = tpu.memref_slice %arg7[%dma_start3A, %dma_start3A_24] : memref<40x128xi32, #tpu.memory_space<vmem>> -> memref<1x64xi32, #tpu.memory_space<vmem>>
    %dma_start3A_26 = tpu.memref_squeeze %dma_start3A_25 : memref<1x64xi32, #tpu.memory_space<vmem>> -> memref<64xi32, #tpu.memory_space<vmem>>
    %dma_start3A_27 = arith.constant 0 : i32
    %dma_start3A_28 = arith.constant 0 : i32
    %dma_start3A_29 = tpu.memref_slice %arg2[%dma_start3A_27, %dma_start3A_28] : memref<10240x128xf32, #tpu.memory_space<hbm>> -> memref<10240x128xf32, #tpu.memory_space<hbm>>
    tpu.enqueue_indirect_dma source(%dma_start3A_29 : memref<10240x128xf32, #tpu.memory_space<hbm>>) target(%dma_start3A_23 : memref<64x128xf32, #tpu.memory_space<vmem>>) offsets(%dma_start3A_26 : memref<64xi32, #tpu.memory_space<vmem>>) semaphore(%arg12 : memref<!tpu.dma_semaphore, #tpu.memory_space<semaphore_mem>>)
    %dma_start3A_30 = arith.constant 0 : i32
    %dma_start3A_31 = arith.constant 64 : i32
    %dma_start3A_32 = arith.constant 0 : i32
    %dma_start3A_33 = tpu.memref_slice %arg9[%dma_start3A_31, %dma_start3A_32] : memref<128x128xf32, #tpu.memory_space<vmem>> -> memref<64x128xf32, #tpu.memory_space<vmem>>
    %dma_start3A_34 = arith.constant 64 : i32
    %dma_start3A_35 = tpu.memref_slice %arg7[%dma_start3A_30, %dma_start3A_34] : memref<40x128xi32, #tpu.memory_space<vmem>> -> memref<1x64xi32, #tpu.memory_space<vmem>>
    %dma_start3A_36 = tpu.memref_squeeze %dma_start3A_35 : memref<1x64xi32, #tpu.memory_space<vmem>> -> memref<64xi32, #tpu.memory_space<vmem>>
    %dma_start3A_37 = arith.constant 0 : i32
    %dma_start3A_38 = arith.constant 0 : i32
    %dma_start3A_39 = tpu.memref_slice %arg2[%dma_start3A_37, %dma_start3A_38] : memref<10240x128xf32, #tpu.memory_space<hbm>> -> memref<10240x128xf32, #tpu.memory_space<hbm>>
    tpu.enqueue_indirect_dma source(%dma_start3A_39 : memref<10240x128xf32, #tpu.memory_space<hbm>>) target(%dma_start3A_33 : memref<64x128xf32, #tpu.memory_space<vmem>>) offsets(%dma_start3A_36 : memref<64xi32, #tpu.memory_space<vmem>>) semaphore(%arg12 : memref<!tpu.dma_semaphore, #tpu.memory_space<semaphore_mem>>)
    %dma_start3A_40 = arith.constant 1 : i32
    %dma_start3A_41 = arith.constant 0 : i32
    %dma_start3A_42 = arith.constant 0 : i32
    %dma_start3A_43 = tpu.memref_slice %arg10[%dma_start3A_41, %dma_start3A_42] : memref<128x128xf32, #tpu.memory_space<vmem>> -> memref<64x128xf32, #tpu.memory_space<vmem>>
    %dma_start3A_44 = arith.constant 0 : i32
    %dma_start3A_45 = tpu.memref_slice %arg7[%dma_start3A_40, %dma_start3A_44] : memref<40x128xi32, #tpu.memory_space<vmem>> -> memref<1x64xi32, #tpu.memory_space<vmem>>
    %dma_start3A_46 = tpu.memref_squeeze %dma_start3A_45 : memref<1x64xi32, #tpu.memory_space<vmem>> -> memref<64xi32, #tpu.memory_space<vmem>>
    %dma_start3A_47 = arith.constant 0 : i32
    %dma_start3A_48 = arith.constant 0 : i32
    %dma_start3A_49 = tpu.memref_slice %arg2[%dma_start3A_47, %dma_start3A_48] : memref<10240x128xf32, #tpu.memory_space<hbm>> -> memref<10240x128xf32, #tpu.memory_space<hbm>>
    tpu.enqueue_indirect_dma source(%dma_start3A_49 : memref<10240x128xf32, #tpu.memory_space<hbm>>) target(%dma_start3A_43 : memref<64x128xf32, #tpu.memory_space<vmem>>) offsets(%dma_start3A_46 : memref<64xi32, #tpu.memory_space<vmem>>) semaphore(%arg13 : memref<!tpu.dma_semaphore, #tpu.memory_space<semaphore_mem>>)
    %dma_start3A_50 = arith.constant 1 : i32
    %dma_start3A_51 = arith.constant 64 : i32
    %dma_start3A_52 = arith.constant 0 : i32
    %dma_start3A_53 = tpu.memref_slice %arg10[%dma_start3A_51, %dma_start3A_52] : memref<128x128xf32, #tpu.memory_space<vmem>> -> memref<64x128xf32, #tpu.memory_space<vmem>>
    %dma_start3A_54 = arith.constant 64 : i32
    %dma_start3A_55 = tpu.memref_slice %arg7[%dma_start3A_50, %dma_start3A_54] : memref<40x128xi32, #tpu.memory_space<vmem>> -> memref<1x64xi32, #tpu.memory_space<vmem>>
    %dma_start3A_56 = tpu.memref_squeeze %dma_start3A_55 : memref<1x64xi32, #tpu.memory_space<vmem>> -> memref<64xi32, #tpu.memory_space<vmem>>
    %dma_start3A_57 = arith.constant 0 : i32
    %dma_start3A_58 = arith.constant 0 : i32
    %dma_start3A_59 = tpu.memref_slice %arg2[%dma_start3A_57, %dma_start3A_58] : memref<10240x128xf32, #tpu.memory_space<hbm>> -> memref<10240x128xf32, #tpu.memory_space<hbm>>
    tpu.enqueue_indirect_dma source(%dma_start3A_59 : memref<10240x128xf32, #tpu.memory_space<hbm>>) target(%dma_start3A_53 : memref<64x128xf32, #tpu.memory_space<vmem>>) offsets(%dma_start3A_56 : memref<64xi32, #tpu.memory_space<vmem>>) semaphore(%arg13 : memref<!tpu.dma_semaphore, #tpu.memory_space<semaphore_mem>>)
    %scan3A = arith.constant 0 : i32
    %scan3A_60 = arith.constant 0 : i32
    %scan3A_61 = arith.constant 19 : i32
    %scan3A_62 = arith.addi %scan3A_60, %scan3A_61 : i32
    %scan3A_63 = arith.constant 1 : i32
    scf.for %scan3A_251 = %scan3A_60 to %scan3A_62 step %scan3A_63  : i32 {
      %mul3A_252 = arith.constant 2 : i32
      %mul3A_253 = arith.muli %scan3A_251, %mul3A_252 : i32
      %dma_wait3A_254 = arith.constant 0 : i32
      %dma_wait3A_255 = arith.constant 0 : i32
      %dma_wait3A_256 = arith.constant 0 : i32
      %dma_wait3A_257 = tpu.memref_slice %arg9[%dma_wait3A_255, %dma_wait3A_256] : memref<128x128xf32, #tpu.memory_space<vmem>> -> memref<64x128xf32, #tpu.memory_space<vmem>>
      %dma_wait3A_258 = arith.constant 0 : i32
      %dma_wait3A_259 = tpu.memref_slice %arg7[%dma_wait3A_254, %dma_wait3A_258] : memref<40x128xi32, #tpu.memory_space<vmem>> -> memref<1x64xi32, #tpu.memory_space<vmem>>
      %dma_wait3A_260 = tpu.memref_squeeze %dma_wait3A_259 : memref<1x64xi32, #tpu.memory_space<vmem>> -> memref<64xi32, #tpu.memory_space<vmem>>
      %dma_wait3A_261 = arith.constant 0 : i32
      %dma_wait3A_262 = arith.constant 0 : i32
      %dma_wait3A_263 = tpu.memref_slice %arg2[%dma_wait3A_261, %dma_wait3A_262] : memref<10240x128xf32, #tpu.memory_space<hbm>> -> memref<10240x128xf32, #tpu.memory_space<hbm>>
      tpu.wait_indirect_dma semaphore(%arg12 : memref<!tpu.dma_semaphore, #tpu.memory_space<semaphore_mem>>) src(%dma_wait3A_263 : memref<10240x128xf32, #tpu.memory_space<hbm>>) dst(%dma_wait3A_257 : memref<64x128xf32, #tpu.memory_space<vmem>>)
      %dma_wait3A_264 = arith.constant 0 : i32
      %dma_wait3A_265 = arith.constant 0 : i32
      %dma_wait3A_266 = arith.constant 0 : i32
      %dma_wait3A_267 = tpu.memref_slice %arg9[%dma_wait3A_265, %dma_wait3A_266] : memref<128x128xf32, #tpu.memory_space<vmem>> -> memref<64x128xf32, #tpu.memory_space<vmem>>
      %dma_wait3A_268 = arith.constant 0 : i32
      %dma_wait3A_269 = tpu.memref_slice %arg7[%dma_wait3A_264, %dma_wait3A_268] : memref<40x128xi32, #tpu.memory_space<vmem>> -> memref<1x64xi32, #tpu.memory_space<vmem>>
      %dma_wait3A_270 = tpu.memref_squeeze %dma_wait3A_269 : memref<1x64xi32, #tpu.memory_space<vmem>> -> memref<64xi32, #tpu.memory_space<vmem>>
      %dma_wait3A_271 = arith.constant 0 : i32
      %dma_wait3A_272 = arith.constant 0 : i32
      %dma_wait3A_273 = tpu.memref_slice %arg2[%dma_wait3A_271, %dma_wait3A_272] : memref<10240x128xf32, #tpu.memory_space<hbm>> -> memref<10240x128xf32, #tpu.memory_space<hbm>>
      tpu.wait_indirect_dma semaphore(%arg12 : memref<!tpu.dma_semaphore, #tpu.memory_space<semaphore_mem>>) src(%dma_wait3A_273 : memref<10240x128xf32, #tpu.memory_space<hbm>>) dst(%dma_wait3A_267 : memref<64x128xf32, #tpu.memory_space<vmem>>)
      %add3A_274 = arith.constant 0 : i32
      %add3A_275 = arith.addi %mul3A_253, %add3A_274 : i32
      %dma_start3A_276 = arith.constant 0 : i32
      %dma_start3A_277 = tpu.memref_slice %arg8[%add3A_275, %dma_start3A_276] : memref<40x128xi32, #tpu.memory_space<vmem>> -> memref<1x128xi32, #tpu.memory_space<vmem>>
      %dma_start3A_278 = tpu.memref_squeeze %dma_start3A_277 : memref<1x128xi32, #tpu.memory_space<vmem>> -> memref<128xi32, #tpu.memory_space<vmem>>
      %dma_start3A_279 = arith.constant 0 : i32
      %dma_start3A_280 = arith.constant 0 : i32
      %dma_start3A_281 = tpu.memref_slice %arg11[%dma_start3A_279, %dma_start3A_280] : memref<10240x128xf32, #tpu.memory_space<vmem_shared>> -> memref<10240x128xf32, #tpu.memory_space<vmem_shared>>
      tpu.enqueue_indirect_dma source(%arg9 : memref<128x128xf32, #tpu.memory_space<vmem>>) target(%dma_start3A_281 : memref<10240x128xf32, #tpu.memory_space<vmem_shared>>) offsets(%dma_start3A_278 : memref<128xi32, #tpu.memory_space<vmem>>) semaphore(%arg14 : memref<!tpu.dma_semaphore, #tpu.memory_space<semaphore_mem>>) {add = true}
      %dma_wait3A_282 = arith.constant 0 : i32
      %dma_wait3A_283 = arith.constant 0 : i32
      %dma_wait3A_284 = arith.constant 0 : i32
      %dma_wait3A_285 = tpu.memref_slice %arg10[%dma_wait3A_283, %dma_wait3A_284] : memref<128x128xf32, #tpu.memory_space<vmem>> -> memref<64x128xf32, #tpu.memory_space<vmem>>
      %dma_wait3A_286 = arith.constant 0 : i32
      %dma_wait3A_287 = tpu.memref_slice %arg7[%dma_wait3A_282, %dma_wait3A_286] : memref<40x128xi32, #tpu.memory_space<vmem>> -> memref<1x64xi32, #tpu.memory_space<vmem>>
      %dma_wait3A_288 = tpu.memref_squeeze %dma_wait3A_287 : memref<1x64xi32, #tpu.memory_space<vmem>> -> memref<64xi32, #tpu.memory_space<vmem>>
      %dma_wait3A_289 = arith.constant 0 : i32
      %dma_wait3A_290 = arith.constant 0 : i32
      %dma_wait3A_291 = tpu.memref_slice %arg2[%dma_wait3A_289, %dma_wait3A_290] : memref<10240x128xf32, #tpu.memory_space<hbm>> -> memref<10240x128xf32, #tpu.memory_space<hbm>>
      tpu.wait_indirect_dma semaphore(%arg13 : memref<!tpu.dma_semaphore, #tpu.memory_space<semaphore_mem>>) src(%dma_wait3A_291 : memref<10240x128xf32, #tpu.memory_space<hbm>>) dst(%dma_wait3A_285 : memref<64x128xf32, #tpu.memory_space<vmem>>)
      %dma_wait3A_292 = arith.constant 0 : i32
      %dma_wait3A_293 = arith.constant 0 : i32
      %dma_wait3A_294 = arith.constant 0 : i32
      %dma_wait3A_295 = tpu.memref_slice %arg10[%dma_wait3A_293, %dma_wait3A_294] : memref<128x128xf32, #tpu.memory_space<vmem>> -> memref<64x128xf32, #tpu.memory_space<vmem>>
      %dma_wait3A_296 = arith.constant 0 : i32
      %dma_wait3A_297 = tpu.memref_slice %arg7[%dma_wait3A_292, %dma_wait3A_296] : memref<40x128xi32, #tpu.memory_space<vmem>> -> memref<1x64xi32, #tpu.memory_space<vmem>>
      %dma_wait3A_298 = tpu.memref_squeeze %dma_wait3A_297 : memref<1x64xi32, #tpu.memory_space<vmem>> -> memref<64xi32, #tpu.memory_space<vmem>>
      %dma_wait3A_299 = arith.constant 0 : i32
      %dma_wait3A_300 = arith.constant 0 : i32
      %dma_wait3A_301 = tpu.memref_slice %arg2[%dma_wait3A_299, %dma_wait3A_300] : memref<10240x128xf32, #tpu.memory_space<hbm>> -> memref<10240x128xf32, #tpu.memory_space<hbm>>
      tpu.wait_indirect_dma semaphore(%arg13 : memref<!tpu.dma_semaphore, #tpu.memory_space<semaphore_mem>>) src(%dma_wait3A_301 : memref<10240x128xf32, #tpu.memory_space<hbm>>) dst(%dma_wait3A_295 : memref<64x128xf32, #tpu.memory_space<vmem>>)
      %add3A_302 = arith.constant 1 : i32
      %add3A_303 = arith.addi %mul3A_253, %add3A_302 : i32
      %dma_start3A_304 = arith.constant 0 : i32
      %dma_start3A_305 = tpu.memref_slice %arg8[%add3A_303, %dma_start3A_304] : memref<40x128xi32, #tpu.memory_space<vmem>> -> memref<1x128xi32, #tpu.memory_space<vmem>>
      %dma_start3A_306 = tpu.memref_squeeze %dma_start3A_305 : memref<1x128xi32, #tpu.memory_space<vmem>> -> memref<128xi32, #tpu.memory_space<vmem>>
      %dma_start3A_307 = arith.constant 0 : i32
      %dma_start3A_308 = arith.constant 0 : i32
      %dma_start3A_309 = tpu.memref_slice %arg11[%dma_start3A_307, %dma_start3A_308] : memref<10240x128xf32, #tpu.memory_space<vmem_shared>> -> memref<10240x128xf32, #tpu.memory_space<vmem_shared>>
      tpu.enqueue_indirect_dma source(%arg10 : memref<128x128xf32, #tpu.memory_space<vmem>>) target(%dma_start3A_309 : memref<10240x128xf32, #tpu.memory_space<vmem_shared>>) offsets(%dma_start3A_306 : memref<128xi32, #tpu.memory_space<vmem>>) semaphore(%arg15 : memref<!tpu.dma_semaphore, #tpu.memory_space<semaphore_mem>>) {add = true}
      %dma_wait3A_310 = arith.constant 0 : i32
      %dma_wait3A_311 = arith.constant 0 : i32
      %dma_wait3A_312 = tpu.memref_slice %arg8[%dma_wait3A_310, %dma_wait3A_311] : memref<40x128xi32, #tpu.memory_space<vmem>> -> memref<1x128xi32, #tpu.memory_space<vmem>>
      %dma_wait3A_313 = tpu.memref_squeeze %dma_wait3A_312 : memref<1x128xi32, #tpu.memory_space<vmem>> -> memref<128xi32, #tpu.memory_space<vmem>>
      %dma_wait3A_314 = arith.constant 0 : i32
      %dma_wait3A_315 = arith.constant 0 : i32
      %dma_wait3A_316 = tpu.memref_slice %arg11[%dma_wait3A_314, %dma_wait3A_315] : memref<10240x128xf32, #tpu.memory_space<vmem_shared>> -> memref<10240x128xf32, #tpu.memory_space<vmem_shared>>
      tpu.wait_indirect_dma semaphore(%arg14 : memref<!tpu.dma_semaphore, #tpu.memory_space<semaphore_mem>>) src(%arg9 : memref<128x128xf32, #tpu.memory_space<vmem>>) dst(%dma_wait3A_316 : memref<10240x128xf32, #tpu.memory_space<vmem_shared>>)
      %add3A_317 = arith.constant 0 : i32
      %add3A_318 = arith.addi %mul3A_253, %add3A_317 : i32
      %add3A_319 = arith.constant 2 : i32
      %add3A_320 = arith.addi %add3A_318, %add3A_319 : i32
      %dma_start3A_321 = arith.constant 0 : i32
      %dma_start3A_322 = arith.constant 0 : i32
      %dma_start3A_323 = tpu.memref_slice %arg9[%dma_start3A_321, %dma_start3A_322] : memref<128x128xf32, #tpu.memory_space<vmem>> -> memref<64x128xf32, #tpu.memory_space<vmem>>
      %dma_start3A_324 = arith.constant 0 : i32
      %dma_start3A_325 = tpu.memref_slice %arg7[%add3A_320, %dma_start3A_324] : memref<40x128xi32, #tpu.memory_space<vmem>> -> memref<1x64xi32, #tpu.memory_space<vmem>>
      %dma_start3A_326 = tpu.memref_squeeze %dma_start3A_325 : memref<1x64xi32, #tpu.memory_space<vmem>> -> memref<64xi32, #tpu.memory_space<vmem>>
      %dma_start3A_327 = arith.constant 0 : i32
      %dma_start3A_328 = arith.constant 0 : i32
      %dma_start3A_329 = tpu.memref_slice %arg2[%dma_start3A_327, %dma_start3A_328] : memref<10240x128xf32, #tpu.memory_space<hbm>> -> memref<10240x128xf32, #tpu.memory_space<hbm>>
      tpu.enqueue_indirect_dma source(%dma_start3A_329 : memref<10240x128xf32, #tpu.memory_space<hbm>>) target(%dma_start3A_323 : memref<64x128xf32, #tpu.memory_space<vmem>>) offsets(%dma_start3A_326 : memref<64xi32, #tpu.memory_space<vmem>>) semaphore(%arg12 : memref<!tpu.dma_semaphore, #tpu.memory_space<semaphore_mem>>)
      %dma_start3A_330 = arith.constant 64 : i32
      %dma_start3A_331 = arith.constant 0 : i32
      %dma_start3A_332 = tpu.memref_slice %arg9[%dma_start3A_330, %dma_start3A_331] : memref<128x128xf32, #tpu.memory_space<vmem>> -> memref<64x128xf32, #tpu.memory_space<vmem>>
      %dma_start3A_333 = arith.constant 64 : i32
      %dma_start3A_334 = tpu.memref_slice %arg7[%add3A_320, %dma_start3A_333] : memref<40x128xi32, #tpu.memory_space<vmem>> -> memref<1x64xi32, #tpu.memory_space<vmem>>
      %dma_start3A_335 = tpu.memref_squeeze %dma_start3A_334 : memref<1x64xi32, #tpu.memory_space<vmem>> -> memref<64xi32, #tpu.memory_space<vmem>>
      %dma_start3A_336 = arith.constant 0 : i32
      %dma_start3A_337 = arith.constant 0 : i32
      %dma_start3A_338 = tpu.memref_slice %arg2[%dma_start3A_336, %dma_start3A_337] : memref<10240x128xf32, #tpu.memory_space<hbm>> -> memref<10240x128xf32, #tpu.memory_space<hbm>>
      tpu.enqueue_indirect_dma source(%dma_start3A_338 : memref<10240x128xf32, #tpu.memory_space<hbm>>) target(%dma_start3A_332 : memref<64x128xf32, #tpu.memory_space<vmem>>) offsets(%dma_start3A_335 : memref<64xi32, #tpu.memory_space<vmem>>) semaphore(%arg12 : memref<!tpu.dma_semaphore, #tpu.memory_space<semaphore_mem>>)
      %dma_wait3A_339 = arith.constant 1 : i32
      %dma_wait3A_340 = arith.constant 0 : i32
      %dma_wait3A_341 = tpu.memref_slice %arg8[%dma_wait3A_339, %dma_wait3A_340] : memref<40x128xi32, #tpu.memory_space<vmem>> -> memref<1x128xi32, #tpu.memory_space<vmem>>
      %dma_wait3A_342 = tpu.memref_squeeze %dma_wait3A_341 : memref<1x128xi32, #tpu.memory_space<vmem>> -> memref<128xi32, #tpu.memory_space<vmem>>
      %dma_wait3A_343 = arith.constant 0 : i32
      %dma_wait3A_344 = arith.constant 0 : i32
      %dma_wait3A_345 = tpu.memref_slice %arg11[%dma_wait3A_343, %dma_wait3A_344] : memref<10240x128xf32, #tpu.memory_space<vmem_shared>> -> memref<10240x128xf32, #tpu.memory_space<vmem_shared>>
      tpu.wait_indirect_dma semaphore(%arg15 : memref<!tpu.dma_semaphore, #tpu.memory_space<semaphore_mem>>) src(%arg10 : memref<128x128xf32, #tpu.memory_space<vmem>>) dst(%dma_wait3A_345 : memref<10240x128xf32, #tpu.memory_space<vmem_shared>>)
      %add3A_346 = arith.constant 1 : i32
      %add3A_347 = arith.addi %mul3A_253, %add3A_346 : i32
      %add3A_348 = arith.constant 2 : i32
      %add3A_349 = arith.addi %add3A_347, %add3A_348 : i32
      %dma_start3A_350 = arith.constant 0 : i32
      %dma_start3A_351 = arith.constant 0 : i32
      %dma_start3A_352 = tpu.memref_slice %arg10[%dma_start3A_350, %dma_start3A_351] : memref<128x128xf32, #tpu.memory_space<vmem>> -> memref<64x128xf32, #tpu.memory_space<vmem>>
      %dma_start3A_353 = arith.constant 0 : i32
      %dma_start3A_354 = tpu.memref_slice %arg7[%add3A_349, %dma_start3A_353] : memref<40x128xi32, #tpu.memory_space<vmem>> -> memref<1x64xi32, #tpu.memory_space<vmem>>
      %dma_start3A_355 = tpu.memref_squeeze %dma_start3A_354 : memref<1x64xi32, #tpu.memory_space<vmem>> -> memref<64xi32, #tpu.memory_space<vmem>>
      %dma_start3A_356 = arith.constant 0 : i32
      %dma_start3A_357 = arith.constant 0 : i32
      %dma_start3A_358 = tpu.memref_slice %arg2[%dma_start3A_356, %dma_start3A_357] : memref<10240x128xf32, #tpu.memory_space<hbm>> -> memref<10240x128xf32, #tpu.memory_space<hbm>>
      tpu.enqueue_indirect_dma source(%dma_start3A_358 : memref<10240x128xf32, #tpu.memory_space<hbm>>) target(%dma_start3A_352 : memref<64x128xf32, #tpu.memory_space<vmem>>) offsets(%dma_start3A_355 : memref<64xi32, #tpu.memory_space<vmem>>) semaphore(%arg13 : memref<!tpu.dma_semaphore, #tpu.memory_space<semaphore_mem>>)
      %dma_start3A_359 = arith.constant 64 : i32
      %dma_start3A_360 = arith.constant 0 : i32
      %dma_start3A_361 = tpu.memref_slice %arg10[%dma_start3A_359, %dma_start3A_360] : memref<128x128xf32, #tpu.memory_space<vmem>> -> memref<64x128xf32, #tpu.memory_space<vmem>>
      %dma_start3A_362 = arith.constant 64 : i32
      %dma_start3A_363 = tpu.memref_slice %arg7[%add3A_349, %dma_start3A_362] : memref<40x128xi32, #tpu.memory_space<vmem>> -> memref<1x64xi32, #tpu.memory_space<vmem>>
      %dma_start3A_364 = tpu.memref_squeeze %dma_start3A_363 : memref<1x64xi32, #tpu.memory_space<vmem>> -> memref<64xi32, #tpu.memory_space<vmem>>
      %dma_start3A_365 = arith.constant 0 : i32
      %dma_start3A_366 = arith.constant 0 : i32
      %dma_start3A_367 = tpu.memref_slice %arg2[%dma_start3A_365, %dma_start3A_366] : memref<10240x128xf32, #tpu.memory_space<hbm>> -> memref<10240x128xf32, #tpu.memory_space<hbm>>
      tpu.enqueue_indirect_dma source(%dma_start3A_367 : memref<10240x128xf32, #tpu.memory_space<hbm>>) target(%dma_start3A_361 : memref<64x128xf32, #tpu.memory_space<vmem>>) offsets(%dma_start3A_364 : memref<64xi32, #tpu.memory_space<vmem>>) semaphore(%arg13 : memref<!tpu.dma_semaphore, #tpu.memory_space<semaphore_mem>>)
    }
    %scan3A_64 = arith.constant 19 : i32
    %dma_wait3A = arith.constant 0 : i32
    %dma_wait3A_65 = arith.constant 0 : i32
    %dma_wait3A_66 = arith.constant 0 : i32
    %dma_wait3A_67 = tpu.memref_slice %arg9[%dma_wait3A_65, %dma_wait3A_66] : memref<128x128xf32, #tpu.memory_space<vmem>> -> memref<64x128xf32, #tpu.memory_space<vmem>>
    %dma_wait3A_68 = arith.constant 0 : i32
    %dma_wait3A_69 = tpu.memref_slice %arg7[%dma_wait3A, %dma_wait3A_68] : memref<40x128xi32, #tpu.memory_space<vmem>> -> memref<1x64xi32, #tpu.memory_space<vmem>>
    %dma_wait3A_70 = tpu.memref_squeeze %dma_wait3A_69 : memref<1x64xi32, #tpu.memory_space<vmem>> -> memref<64xi32, #tpu.memory_space<vmem>>
    %dma_wait3A_71 = arith.constant 0 : i32
    %dma_wait3A_72 = arith.constant 0 : i32
    %dma_wait3A_73 = tpu.memref_slice %arg2[%dma_wait3A_71, %dma_wait3A_72] : memref<10240x128xf32, #tpu.memory_space<hbm>> -> memref<10240x128xf32, #tpu.memory_space<hbm>>
    tpu.wait_indirect_dma semaphore(%arg12 : memref<!tpu.dma_semaphore, #tpu.memory_space<semaphore_mem>>) src(%dma_wait3A_73 : memref<10240x128xf32, #tpu.memory_space<hbm>>) dst(%dma_wait3A_67 : memref<64x128xf32, #tpu.memory_space<vmem>>)
    %dma_wait3A_74 = arith.constant 0 : i32
    %dma_wait3A_75 = arith.constant 0 : i32
    %dma_wait3A_76 = arith.constant 0 : i32
    %dma_wait3A_77 = tpu.memref_slice %arg9[%dma_wait3A_75, %dma_wait3A_76] : memref<128x128xf32, #tpu.memory_space<vmem>> -> memref<64x128xf32, #tpu.memory_space<vmem>>
    %dma_wait3A_78 = arith.constant 0 : i32
    %dma_wait3A_79 = tpu.memref_slice %arg7[%dma_wait3A_74, %dma_wait3A_78] : memref<40x128xi32, #tpu.memory_space<vmem>> -> memref<1x64xi32, #tpu.memory_space<vmem>>
    %dma_wait3A_80 = tpu.memref_squeeze %dma_wait3A_79 : memref<1x64xi32, #tpu.memory_space<vmem>> -> memref<64xi32, #tpu.memory_space<vmem>>
    %dma_wait3A_81 = arith.constant 0 : i32
    %dma_wait3A_82 = arith.constant 0 : i32
    %dma_wait3A_83 = tpu.memref_slice %arg2[%dma_wait3A_81, %dma_wait3A_82] : memref<10240x128xf32, #tpu.memory_space<hbm>> -> memref<10240x128xf32, #tpu.memory_space<hbm>>
    tpu.wait_indirect_dma semaphore(%arg12 : memref<!tpu.dma_semaphore, #tpu.memory_space<semaphore_mem>>) src(%dma_wait3A_83 : memref<10240x128xf32, #tpu.memory_space<hbm>>) dst(%dma_wait3A_77 : memref<64x128xf32, #tpu.memory_space<vmem>>)
    %dma_start3A_84 = arith.constant 38 : i32
    %dma_start3A_85 = arith.constant 0 : i32
    %dma_start3A_86 = tpu.memref_slice %arg8[%dma_start3A_84, %dma_start3A_85] : memref<40x128xi32, #tpu.memory_space<vmem>> -> memref<1x128xi32, #tpu.memory_space<vmem>>
    %dma_start3A_87 = tpu.memref_squeeze %dma_start3A_86 : memref<1x128xi32, #tpu.memory_space<vmem>> -> memref<128xi32, #tpu.memory_space<vmem>>
    %dma_start3A_88 = arith.constant 0 : i32
    %dma_start3A_89 = arith.constant 0 : i32
    %dma_start3A_90 = tpu.memref_slice %arg11[%dma_start3A_88, %dma_start3A_89] : memref<10240x128xf32, #tpu.memory_space<vmem_shared>> -> memref<10240x128xf32, #tpu.memory_space<vmem_shared>>
    tpu.enqueue_indirect_dma source(%arg9 : memref<128x128xf32, #tpu.memory_space<vmem>>) target(%dma_start3A_90 : memref<10240x128xf32, #tpu.memory_space<vmem_shared>>) offsets(%dma_start3A_87 : memref<128xi32, #tpu.memory_space<vmem>>) semaphore(%arg14 : memref<!tpu.dma_semaphore, #tpu.memory_space<semaphore_mem>>) {add = true}
    %dma_wait3A_91 = arith.constant 0 : i32
    %dma_wait3A_92 = arith.constant 0 : i32
    %dma_wait3A_93 = arith.constant 0 : i32
    %dma_wait3A_94 = tpu.memref_slice %arg10[%dma_wait3A_92, %dma_wait3A_93] : memref<128x128xf32, #tpu.memory_space<vmem>> -> memref<64x128xf32, #tpu.memory_space<vmem>>
    %dma_wait3A_95 = arith.constant 0 : i32
    %dma_wait3A_96 = tpu.memref_slice %arg7[%dma_wait3A_91, %dma_wait3A_95] : memref<40x128xi32, #tpu.memory_space<vmem>> -> memref<1x64xi32, #tpu.memory_space<vmem>>
    %dma_wait3A_97 = tpu.memref_squeeze %dma_wait3A_96 : memref<1x64xi32, #tpu.memory_space<vmem>> -> memref<64xi32, #tpu.memory_space<vmem>>
    %dma_wait3A_98 = arith.constant 0 : i32
    %dma_wait3A_99 = arith.constant 0 : i32
    %dma_wait3A_100 = tpu.memref_slice %arg2[%dma_wait3A_98, %dma_wait3A_99] : memref<10240x128xf32, #tpu.memory_space<hbm>> -> memref<10240x128xf32, #tpu.memory_space<hbm>>
    tpu.wait_indirect_dma semaphore(%arg13 : memref<!tpu.dma_semaphore, #tpu.memory_space<semaphore_mem>>) src(%dma_wait3A_100 : memref<10240x128xf32, #tpu.memory_space<hbm>>) dst(%dma_wait3A_94 : memref<64x128xf32, #tpu.memory_space<vmem>>)
    %dma_wait3A_101 = arith.constant 0 : i32
    %dma_wait3A_102 = arith.constant 0 : i32
    %dma_wait3A_103 = arith.constant 0 : i32
    %dma_wait3A_104 = tpu.memref_slice %arg10[%dma_wait3A_102, %dma_wait3A_103] : memref<128x128xf32, #tpu.memory_space<vmem>> -> memref<64x128xf32, #tpu.memory_space<vmem>>
    %dma_wait3A_105 = arith.constant 0 : i32
    %dma_wait3A_106 = tpu.memref_slice %arg7[%dma_wait3A_101, %dma_wait3A_105] : memref<40x128xi32, #tpu.memory_space<vmem>> -> memref<1x64xi32, #tpu.memory_space<vmem>>
    %dma_wait3A_107 = tpu.memref_squeeze %dma_wait3A_106 : memref<1x64xi32, #tpu.memory_space<vmem>> -> memref<64xi32, #tpu.memory_space<vmem>>
    %dma_wait3A_108 = arith.constant 0 : i32
    %dma_wait3A_109 = arith.constant 0 : i32
    %dma_wait3A_110 = tpu.memref_slice %arg2[%dma_wait3A_108, %dma_wait3A_109] : memref<10240x128xf32, #tpu.memory_space<hbm>> -> memref<10240x128xf32, #tpu.memory_space<hbm>>
    tpu.wait_indirect_dma semaphore(%arg13 : memref<!tpu.dma_semaphore, #tpu.memory_space<semaphore_mem>>) src(%dma_wait3A_110 : memref<10240x128xf32, #tpu.memory_space<hbm>>) dst(%dma_wait3A_104 : memref<64x128xf32, #tpu.memory_space<vmem>>)
    %dma_start3A_111 = arith.constant 39 : i32
    %dma_start3A_112 = arith.constant 0 : i32
    %dma_start3A_113 = tpu.memref_slice %arg8[%dma_start3A_111, %dma_start3A_112] : memref<40x128xi32, #tpu.memory_space<vmem>> -> memref<1x128xi32, #tpu.memory_space<vmem>>
    %dma_start3A_114 = tpu.memref_squeeze %dma_start3A_113 : memref<1x128xi32, #tpu.memory_space<vmem>> -> memref<128xi32, #tpu.memory_space<vmem>>
    %dma_start3A_115 = arith.constant 0 : i32
    %dma_start3A_116 = arith.constant 0 : i32
    %dma_start3A_117 = tpu.memref_slice %arg11[%dma_start3A_115, %dma_start3A_116] : memref<10240x128xf32, #tpu.memory_space<vmem_shared>> -> memref<10240x128xf32, #tpu.memory_space<vmem_shared>>
    tpu.enqueue_indirect_dma source(%arg10 : memref<128x128xf32, #tpu.memory_space<vmem>>) target(%dma_start3A_117 : memref<10240x128xf32, #tpu.memory_space<vmem_shared>>) offsets(%dma_start3A_114 : memref<128xi32, #tpu.memory_space<vmem>>) semaphore(%arg15 : memref<!tpu.dma_semaphore, #tpu.memory_space<semaphore_mem>>) {add = true}
    %dma_wait3A_118 = arith.constant 0 : i32
    %dma_wait3A_119 = arith.constant 0 : i32
    %dma_wait3A_120 = tpu.memref_slice %arg8[%dma_wait3A_118, %dma_wait3A_119] : memref<40x128xi32, #tpu.memory_space<vmem>> -> memref<1x128xi32, #tpu.memory_space<vmem>>
    %dma_wait3A_121 = tpu.memref_squeeze %dma_wait3A_120 : memref<1x128xi32, #tpu.memory_space<vmem>> -> memref<128xi32, #tpu.memory_space<vmem>>
    %dma_wait3A_122 = arith.constant 0 : i32
    %dma_wait3A_123 = arith.constant 0 : i32
    %dma_wait3A_124 = tpu.memref_slice %arg11[%dma_wait3A_122, %dma_wait3A_123] : memref<10240x128xf32, #tpu.memory_space<vmem_shared>> -> memref<10240x128xf32, #tpu.memory_space<vmem_shared>>
    tpu.wait_indirect_dma semaphore(%arg14 : memref<!tpu.dma_semaphore, #tpu.memory_space<semaphore_mem>>) src(%arg9 : memref<128x128xf32, #tpu.memory_space<vmem>>) dst(%dma_wait3A_124 : memref<10240x128xf32, #tpu.memory_space<vmem_shared>>)
    %dma_wait3A_125 = arith.constant 1 : i32
    %dma_wait3A_126 = arith.constant 0 : i32
    %dma_wait3A_127 = tpu.memref_slice %arg8[%dma_wait3A_125, %dma_wait3A_126] : memref<40x128xi32, #tpu.memory_space<vmem>> -> memref<1x128xi32, #tpu.memory_space<vmem>>
    %dma_wait3A_128 = tpu.memref_squeeze %dma_wait3A_127 : memref<1x128xi32, #tpu.memory_space<vmem>> -> memref<128xi32, #tpu.memory_space<vmem>>
    %dma_wait3A_129 = arith.constant 0 : i32
    %dma_wait3A_130 = arith.constant 0 : i32
    %dma_wait3A_131 = tpu.memref_slice %arg11[%dma_wait3A_129, %dma_wait3A_130] : memref<10240x128xf32, #tpu.memory_space<vmem_shared>> -> memref<10240x128xf32, #tpu.memory_space<vmem_shared>>
    tpu.wait_indirect_dma semaphore(%arg15 : memref<!tpu.dma_semaphore, #tpu.memory_space<semaphore_mem>>) src(%arg10 : memref<128x128xf32, #tpu.memory_space<vmem>>) dst(%dma_wait3A_131 : memref<10240x128xf32, #tpu.memory_space<vmem_shared>>)
    "tpu.region"() ({
      %run_scoped3A = tpu.sem_alloc : memref<!tpu.dma_semaphore, #tpu.memory_space<semaphore_mem>>
      %dma_start3A_251 = arith.constant 0 : i32
      %dma_start3A_252 = arith.constant 0 : i32
      %dma_start3A_253 = tpu.memref_slice %arg7[%dma_start3A_251, %dma_start3A_252] : memref<40x128xi32, #tpu.memory_space<vmem>> -> memref<40x128xi32, #tpu.memory_space<vmem>>
      %dma_start3A_254 = arith.constant 40 : i32
      %dma_start3A_255 = arith.constant 0 : i32
      %dma_start3A_256 = tpu.memref_slice %arg3[%add3A, %dma_start3A_254, %dma_start3A_255] : memref<32x80x128xi32, #tpu.memory_space<hbm>> -> memref<1x40x128xi32, #tpu.memory_space<hbm>>
      %dma_start3A_257 = tpu.memref_squeeze %dma_start3A_256 : memref<1x40x128xi32, #tpu.memory_space<hbm>> -> memref<40x128xi32, #tpu.memory_space<hbm>>
      %dma_start3A_258 = arith.constant 0 : i32
      %dma_start3A_259 = arith.constant 0 : i32
      %dma_start3A_260 = tpu.memref_slice %arg7[%dma_start3A_258, %dma_start3A_259] : memref<40x128xi32, #tpu.memory_space<vmem>> -> memref<40x128xi32, #tpu.memory_space<vmem>>
      %dma_start3A_261 = arith.constant 40 : i32
      %dma_start3A_262 = arith.constant 0 : i32
      %dma_start3A_263 = tpu.memref_slice %arg3[%add3A, %dma_start3A_261, %dma_start3A_262] : memref<32x80x128xi32, #tpu.memory_space<hbm>> -> memref<1x40x128xi32, #tpu.memory_space<hbm>>
      %dma_start3A_264 = tpu.memref_squeeze %dma_start3A_263 : memref<1x40x128xi32, #tpu.memory_space<hbm>> -> memref<40x128xi32, #tpu.memory_space<hbm>>
      tpu.enqueue_dma source(%dma_start3A_264 : memref<40x128xi32, #tpu.memory_space<hbm>>) target(%dma_start3A_260 : memref<40x128xi32, #tpu.memory_space<vmem>>) target_semaphore(%run_scoped3A : memref<!tpu.dma_semaphore, #tpu.memory_space<semaphore_mem>>)
      %dma_wait3A_265 = arith.constant 0 : i32
      %dma_wait3A_266 = arith.constant 0 : i32
      %dma_wait3A_267 = tpu.memref_slice %arg7[%dma_wait3A_265, %dma_wait3A_266] : memref<40x128xi32, #tpu.memory_space<vmem>> -> memref<40x128xi32, #tpu.memory_space<vmem>>
      %dma_wait3A_268 = arith.constant 40 : i32
      %dma_wait3A_269 = arith.constant 0 : i32
      %dma_wait3A_270 = tpu.memref_slice %arg3[%add3A, %dma_wait3A_268, %dma_wait3A_269] : memref<32x80x128xi32, #tpu.memory_space<hbm>> -> memref<1x40x128xi32, #tpu.memory_space<hbm>>
      %dma_wait3A_271 = tpu.memref_squeeze %dma_wait3A_270 : memref<1x40x128xi32, #tpu.memory_space<hbm>> -> memref<40x128xi32, #tpu.memory_space<hbm>>
      %dma_wait3A_272 = arith.constant 0 : i32
      %dma_wait3A_273 = arith.constant 0 : i32
      %dma_wait3A_274 = tpu.memref_slice %arg7[%dma_wait3A_272, %dma_wait3A_273] : memref<40x128xi32, #tpu.memory_space<vmem>> -> memref<40x128xi32, #tpu.memory_space<vmem>>
      %dma_wait3A_275 = arith.constant 40 : i32
      %dma_wait3A_276 = arith.constant 0 : i32
      %dma_wait3A_277 = tpu.memref_slice %arg3[%add3A, %dma_wait3A_275, %dma_wait3A_276] : memref<32x80x128xi32, #tpu.memory_space<hbm>> -> memref<1x40x128xi32, #tpu.memory_space<hbm>>
      %dma_wait3A_278 = tpu.memref_squeeze %dma_wait3A_277 : memref<1x40x128xi32, #tpu.memory_space<hbm>> -> memref<40x128xi32, #tpu.memory_space<hbm>>
      tpu.wait_dma2 semaphore(%run_scoped3A : memref<!tpu.dma_semaphore, #tpu.memory_space<semaphore_mem>>) src(%dma_wait3A_278 : memref<40x128xi32, #tpu.memory_space<hbm>>) dst(%dma_wait3A_274 : memref<40x128xi32, #tpu.memory_space<vmem>>)
      tpu.yield
    }) : () -> ()
    "tpu.region"() ({
      %run_scoped3A = tpu.sem_alloc : memref<!tpu.dma_semaphore, #tpu.memory_space<semaphore_mem>>
      %dma_start3A_251 = arith.constant 0 : i32
      %dma_start3A_252 = arith.constant 0 : i32
      %dma_start3A_253 = tpu.memref_slice %arg8[%dma_start3A_251, %dma_start3A_252] : memref<40x128xi32, #tpu.memory_space<vmem>> -> memref<40x128xi32, #tpu.memory_space<vmem>>
      %dma_start3A_254 = arith.constant 40 : i32
      %dma_start3A_255 = arith.constant 0 : i32
      %dma_start3A_256 = tpu.memref_slice %arg4[%add3A, %dma_start3A_254, %dma_start3A_255] : memref<32x80x128xi32, #tpu.memory_space<hbm>> -> memref<1x40x128xi32, #tpu.memory_space<hbm>>
      %dma_start3A_257 = tpu.memref_squeeze %dma_start3A_256 : memref<1x40x128xi32, #tpu.memory_space<hbm>> -> memref<40x128xi32, #tpu.memory_space<hbm>>
      %dma_start3A_258 = arith.constant 0 : i32
      %dma_start3A_259 = arith.constant 0 : i32
      %dma_start3A_260 = tpu.memref_slice %arg8[%dma_start3A_258, %dma_start3A_259] : memref<40x128xi32, #tpu.memory_space<vmem>> -> memref<40x128xi32, #tpu.memory_space<vmem>>
      %dma_start3A_261 = arith.constant 40 : i32
      %dma_start3A_262 = arith.constant 0 : i32
      %dma_start3A_263 = tpu.memref_slice %arg4[%add3A, %dma_start3A_261, %dma_start3A_262] : memref<32x80x128xi32, #tpu.memory_space<hbm>> -> memref<1x40x128xi32, #tpu.memory_space<hbm>>
      %dma_start3A_264 = tpu.memref_squeeze %dma_start3A_263 : memref<1x40x128xi32, #tpu.memory_space<hbm>> -> memref<40x128xi32, #tpu.memory_space<hbm>>
      tpu.enqueue_dma source(%dma_start3A_264 : memref<40x128xi32, #tpu.memory_space<hbm>>) target(%dma_start3A_260 : memref<40x128xi32, #tpu.memory_space<vmem>>) target_semaphore(%run_scoped3A : memref<!tpu.dma_semaphore, #tpu.memory_space<semaphore_mem>>)
      %dma_wait3A_265 = arith.constant 0 : i32
      %dma_wait3A_266 = arith.constant 0 : i32
      %dma_wait3A_267 = tpu.memref_slice %arg8[%dma_wait3A_265, %dma_wait3A_266] : memref<40x128xi32, #tpu.memory_space<vmem>> -> memref<40x128xi32, #tpu.memory_space<vmem>>
      %dma_wait3A_268 = arith.constant 40 : i32
      %dma_wait3A_269 = arith.constant 0 : i32
      %dma_wait3A_270 = tpu.memref_slice %arg4[%add3A, %dma_wait3A_268, %dma_wait3A_269] : memref<32x80x128xi32, #tpu.memory_space<hbm>> -> memref<1x40x128xi32, #tpu.memory_space<hbm>>
      %dma_wait3A_271 = tpu.memref_squeeze %dma_wait3A_270 : memref<1x40x128xi32, #tpu.memory_space<hbm>> -> memref<40x128xi32, #tpu.memory_space<hbm>>
      %dma_wait3A_272 = arith.constant 0 : i32
      %dma_wait3A_273 = arith.constant 0 : i32
      %dma_wait3A_274 = tpu.memref_slice %arg8[%dma_wait3A_272, %dma_wait3A_273] : memref<40x128xi32, #tpu.memory_space<vmem>> -> memref<40x128xi32, #tpu.memory_space<vmem>>
      %dma_wait3A_275 = arith.constant 40 : i32
      %dma_wait3A_276 = arith.constant 0 : i32
      %dma_wait3A_277 = tpu.memref_slice %arg4[%add3A, %dma_wait3A_275, %dma_wait3A_276] : memref<32x80x128xi32, #tpu.memory_space<hbm>> -> memref<1x40x128xi32, #tpu.memory_space<hbm>>
      %dma_wait3A_278 = tpu.memref_squeeze %dma_wait3A_277 : memref<1x40x128xi32, #tpu.memory_space<hbm>> -> memref<40x128xi32, #tpu.memory_space<hbm>>
      tpu.wait_dma2 semaphore(%run_scoped3A : memref<!tpu.dma_semaphore, #tpu.memory_space<semaphore_mem>>) src(%dma_wait3A_278 : memref<40x128xi32, #tpu.memory_space<hbm>>) dst(%dma_wait3A_274 : memref<40x128xi32, #tpu.memory_space<vmem>>)
      tpu.yield
    }) : () -> ()
    %dma_start3A_132 = arith.constant 0 : i32
    %dma_start3A_133 = arith.constant 0 : i32
    %dma_start3A_134 = arith.constant 0 : i32
    %dma_start3A_135 = tpu.memref_slice %arg9[%dma_start3A_133, %dma_start3A_134] : memref<128x128xf32, #tpu.memory_space<vmem>> -> memref<64x128xf32, #tpu.memory_space<vmem>>
    %dma_start3A_136 = arith.constant 0 : i32
    %dma_start3A_137 = tpu.memref_slice %arg7[%dma_start3A_132, %dma_start3A_136] : memref<40x128xi32, #tpu.memory_space<vmem>> -> memref<1x64xi32, #tpu.memory_space<vmem>>
    %dma_start3A_138 = tpu.memref_squeeze %dma_start3A_137 : memref<1x64xi32, #tpu.memory_space<vmem>> -> memref<64xi32, #tpu.memory_space<vmem>>
    %dma_start3A_139 = arith.constant 0 : i32
    %dma_start3A_140 = arith.constant 0 : i32
    %dma_start3A_141 = tpu.memref_slice %arg2[%dma_start3A_139, %dma_start3A_140] : memref<10240x128xf32, #tpu.memory_space<hbm>> -> memref<10240x128xf32, #tpu.memory_space<hbm>>
    tpu.enqueue_indirect_dma source(%dma_start3A_141 : memref<10240x128xf32, #tpu.memory_space<hbm>>) target(%dma_start3A_135 : memref<64x128xf32, #tpu.memory_space<vmem>>) offsets(%dma_start3A_138 : memref<64xi32, #tpu.memory_space<vmem>>) semaphore(%arg12 : memref<!tpu.dma_semaphore, #tpu.memory_space<semaphore_mem>>)
    %dma_start3A_142 = arith.constant 0 : i32
    %dma_start3A_143 = arith.constant 64 : i32
    %dma_start3A_144 = arith.constant 0 : i32
    %dma_start3A_145 = tpu.memref_slice %arg9[%dma_start3A_143, %dma_start3A_144] : memref<128x128xf32, #tpu.memory_space<vmem>> -> memref<64x128xf32, #tpu.memory_space<vmem>>
    %dma_start3A_146 = arith.constant 64 : i32
    %dma_start3A_147 = tpu.memref_slice %arg7[%dma_start3A_142, %dma_start3A_146] : memref<40x128xi32, #tpu.memory_space<vmem>> -> memref<1x64xi32, #tpu.memory_space<vmem>>
    %dma_start3A_148 = tpu.memref_squeeze %dma_start3A_147 : memref<1x64xi32, #tpu.memory_space<vmem>> -> memref<64xi32, #tpu.memory_space<vmem>>
    %dma_start3A_149 = arith.constant 0 : i32
    %dma_start3A_150 = arith.constant 0 : i32
    %dma_start3A_151 = tpu.memref_slice %arg2[%dma_start3A_149, %dma_start3A_150] : memref<10240x128xf32, #tpu.memory_space<hbm>> -> memref<10240x128xf32, #tpu.memory_space<hbm>>
    tpu.enqueue_indirect_dma source(%dma_start3A_151 : memref<10240x128xf32, #tpu.memory_space<hbm>>) target(%dma_start3A_145 : memref<64x128xf32, #tpu.memory_space<vmem>>) offsets(%dma_start3A_148 : memref<64xi32, #tpu.memory_space<vmem>>) semaphore(%arg12 : memref<!tpu.dma_semaphore, #tpu.memory_space<semaphore_mem>>)
    %dma_start3A_152 = arith.constant 1 : i32
    %dma_start3A_153 = arith.constant 0 : i32
    %dma_start3A_154 = arith.constant 0 : i32
    %dma_start3A_155 = tpu.memref_slice %arg10[%dma_start3A_153, %dma_start3A_154] : memref<128x128xf32, #tpu.memory_space<vmem>> -> memref<64x128xf32, #tpu.memory_space<vmem>>
    %dma_start3A_156 = arith.constant 0 : i32
    %dma_start3A_157 = tpu.memref_slice %arg7[%dma_start3A_152, %dma_start3A_156] : memref<40x128xi32, #tpu.memory_space<vmem>> -> memref<1x64xi32, #tpu.memory_space<vmem>>
    %dma_start3A_158 = tpu.memref_squeeze %dma_start3A_157 : memref<1x64xi32, #tpu.memory_space<vmem>> -> memref<64xi32, #tpu.memory_space<vmem>>
    %dma_start3A_159 = arith.constant 0 : i32
    %dma_start3A_160 = arith.constant 0 : i32
    %dma_start3A_161 = tpu.memref_slice %arg2[%dma_start3A_159, %dma_start3A_160] : memref<10240x128xf32, #tpu.memory_space<hbm>> -> memref<10240x128xf32, #tpu.memory_space<hbm>>
    tpu.enqueue_indirect_dma source(%dma_start3A_161 : memref<10240x128xf32, #tpu.memory_space<hbm>>) target(%dma_start3A_155 : memref<64x128xf32, #tpu.memory_space<vmem>>) offsets(%dma_start3A_158 : memref<64xi32, #tpu.memory_space<vmem>>) semaphore(%arg13 : memref<!tpu.dma_semaphore, #tpu.memory_space<semaphore_mem>>)
    %dma_start3A_162 = arith.constant 1 : i32
    %dma_start3A_163 = arith.constant 64 : i32
    %dma_start3A_164 = arith.constant 0 : i32
    %dma_start3A_165 = tpu.memref_slice %arg10[%dma_start3A_163, %dma_start3A_164] : memref<128x128xf32, #tpu.memory_space<vmem>> -> memref<64x128xf32, #tpu.memory_space<vmem>>
    %dma_start3A_166 = arith.constant 64 : i32
    %dma_start3A_167 = tpu.memref_slice %arg7[%dma_start3A_162, %dma_start3A_166] : memref<40x128xi32, #tpu.memory_space<vmem>> -> memref<1x64xi32, #tpu.memory_space<vmem>>
    %dma_start3A_168 = tpu.memref_squeeze %dma_start3A_167 : memref<1x64xi32, #tpu.memory_space<vmem>> -> memref<64xi32, #tpu.memory_space<vmem>>
    %dma_start3A_169 = arith.constant 0 : i32
    %dma_start3A_170 = arith.constant 0 : i32
    %dma_start3A_171 = tpu.memref_slice %arg2[%dma_start3A_169, %dma_start3A_170] : memref<10240x128xf32, #tpu.memory_space<hbm>> -> memref<10240x128xf32, #tpu.memory_space<hbm>>
    tpu.enqueue_indirect_dma source(%dma_start3A_171 : memref<10240x128xf32, #tpu.memory_space<hbm>>) target(%dma_start3A_165 : memref<64x128xf32, #tpu.memory_space<vmem>>) offsets(%dma_start3A_168 : memref<64xi32, #tpu.memory_space<vmem>>) semaphore(%arg13 : memref<!tpu.dma_semaphore, #tpu.memory_space<semaphore_mem>>)
    %scan3A_172 = arith.constant 0 : i32
    %scan3A_173 = arith.constant 0 : i32
    %scan3A_174 = arith.constant 19 : i32
    %scan3A_175 = arith.addi %scan3A_173, %scan3A_174 : i32
    %scan3A_176 = arith.constant 1 : i32
    scf.for %scan3A_251 = %scan3A_173 to %scan3A_175 step %scan3A_176  : i32 {
      %mul3A_252 = arith.constant 2 : i32
      %mul3A_253 = arith.muli %scan3A_251, %mul3A_252 : i32
      %dma_wait3A_254 = arith.constant 0 : i32
      %dma_wait3A_255 = arith.constant 0 : i32
      %dma_wait3A_256 = arith.constant 0 : i32
      %dma_wait3A_257 = tpu.memref_slice %arg9[%dma_wait3A_255, %dma_wait3A_256] : memref<128x128xf32, #tpu.memory_space<vmem>> -> memref<64x128xf32, #tpu.memory_space<vmem>>
      %dma_wait3A_258 = arith.constant 0 : i32
      %dma_wait3A_259 = tpu.memref_slice %arg7[%dma_wait3A_254, %dma_wait3A_258] : memref<40x128xi32, #tpu.memory_space<vmem>> -> memref<1x64xi32, #tpu.memory_space<vmem>>
      %dma_wait3A_260 = tpu.memref_squeeze %dma_wait3A_259 : memref<1x64xi32, #tpu.memory_space<vmem>> -> memref<64xi32, #tpu.memory_space<vmem>>
      %dma_wait3A_261 = arith.constant 0 : i32
      %dma_wait3A_262 = arith.constant 0 : i32
      %dma_wait3A_263 = tpu.memref_slice %arg2[%dma_wait3A_261, %dma_wait3A_262] : memref<10240x128xf32, #tpu.memory_space<hbm>> -> memref<10240x128xf32, #tpu.memory_space<hbm>>
      tpu.wait_indirect_dma semaphore(%arg12 : memref<!tpu.dma_semaphore, #tpu.memory_space<semaphore_mem>>) src(%dma_wait3A_263 : memref<10240x128xf32, #tpu.memory_space<hbm>>) dst(%dma_wait3A_257 : memref<64x128xf32, #tpu.memory_space<vmem>>)
      %dma_wait3A_264 = arith.constant 0 : i32
      %dma_wait3A_265 = arith.constant 0 : i32
      %dma_wait3A_266 = arith.constant 0 : i32
      %dma_wait3A_267 = tpu.memref_slice %arg9[%dma_wait3A_265, %dma_wait3A_266] : memref<128x128xf32, #tpu.memory_space<vmem>> -> memref<64x128xf32, #tpu.memory_space<vmem>>
      %dma_wait3A_268 = arith.constant 0 : i32
      %dma_wait3A_269 = tpu.memref_slice %arg7[%dma_wait3A_264, %dma_wait3A_268] : memref<40x128xi32, #tpu.memory_space<vmem>> -> memref<1x64xi32, #tpu.memory_space<vmem>>
      %dma_wait3A_270 = tpu.memref_squeeze %dma_wait3A_269 : memref<1x64xi32, #tpu.memory_space<vmem>> -> memref<64xi32, #tpu.memory_space<vmem>>
      %dma_wait3A_271 = arith.constant 0 : i32
      %dma_wait3A_272 = arith.constant 0 : i32
      %dma_wait3A_273 = tpu.memref_slice %arg2[%dma_wait3A_271, %dma_wait3A_272] : memref<10240x128xf32, #tpu.memory_space<hbm>> -> memref<10240x128xf32, #tpu.memory_space<hbm>>
      tpu.wait_indirect_dma semaphore(%arg12 : memref<!tpu.dma_semaphore, #tpu.memory_space<semaphore_mem>>) src(%dma_wait3A_273 : memref<10240x128xf32, #tpu.memory_space<hbm>>) dst(%dma_wait3A_267 : memref<64x128xf32, #tpu.memory_space<vmem>>)
      %add3A_274 = arith.constant 0 : i32
      %add3A_275 = arith.addi %mul3A_253, %add3A_274 : i32
      %dma_start3A_276 = arith.constant 0 : i32
      %dma_start3A_277 = tpu.memref_slice %arg8[%add3A_275, %dma_start3A_276] : memref<40x128xi32, #tpu.memory_space<vmem>> -> memref<1x128xi32, #tpu.memory_space<vmem>>
      %dma_start3A_278 = tpu.memref_squeeze %dma_start3A_277 : memref<1x128xi32, #tpu.memory_space<vmem>> -> memref<128xi32, #tpu.memory_space<vmem>>
      %dma_start3A_279 = arith.constant 0 : i32
      %dma_start3A_280 = arith.constant 0 : i32
      %dma_start3A_281 = tpu.memref_slice %arg11[%dma_start3A_279, %dma_start3A_280] : memref<10240x128xf32, #tpu.memory_space<vmem_shared>> -> memref<10240x128xf32, #tpu.memory_space<vmem_shared>>
      tpu.enqueue_indirect_dma source(%arg9 : memref<128x128xf32, #tpu.memory_space<vmem>>) target(%dma_start3A_281 : memref<10240x128xf32, #tpu.memory_space<vmem_shared>>) offsets(%dma_start3A_278 : memref<128xi32, #tpu.memory_space<vmem>>) semaphore(%arg14 : memref<!tpu.dma_semaphore, #tpu.memory_space<semaphore_mem>>) {add = true}
      %dma_wait3A_282 = arith.constant 0 : i32
      %dma_wait3A_283 = arith.constant 0 : i32
      %dma_wait3A_284 = arith.constant 0 : i32
      %dma_wait3A_285 = tpu.memref_slice %arg10[%dma_wait3A_283, %dma_wait3A_284] : memref<128x128xf32, #tpu.memory_space<vmem>> -> memref<64x128xf32, #tpu.memory_space<vmem>>
      %dma_wait3A_286 = arith.constant 0 : i32
      %dma_wait3A_287 = tpu.memref_slice %arg7[%dma_wait3A_282, %dma_wait3A_286] : memref<40x128xi32, #tpu.memory_space<vmem>> -> memref<1x64xi32, #tpu.memory_space<vmem>>
      %dma_wait3A_288 = tpu.memref_squeeze %dma_wait3A_287 : memref<1x64xi32, #tpu.memory_space<vmem>> -> memref<64xi32, #tpu.memory_space<vmem>>
      %dma_wait3A_289 = arith.constant 0 : i32
      %dma_wait3A_290 = arith.constant 0 : i32
      %dma_wait3A_291 = tpu.memref_slice %arg2[%dma_wait3A_289, %dma_wait3A_290] : memref<10240x128xf32, #tpu.memory_space<hbm>> -> memref<10240x128xf32, #tpu.memory_space<hbm>>
      tpu.wait_indirect_dma semaphore(%arg13 : memref<!tpu.dma_semaphore, #tpu.memory_space<semaphore_mem>>) src(%dma_wait3A_291 : memref<10240x128xf32, #tpu.memory_space<hbm>>) dst(%dma_wait3A_285 : memref<64x128xf32, #tpu.memory_space<vmem>>)
      %dma_wait3A_292 = arith.constant 0 : i32
      %dma_wait3A_293 = arith.constant 0 : i32
      %dma_wait3A_294 = arith.constant 0 : i32
      %dma_wait3A_295 = tpu.memref_slice %arg10[%dma_wait3A_293, %dma_wait3A_294] : memref<128x128xf32, #tpu.memory_space<vmem>> -> memref<64x128xf32, #tpu.memory_space<vmem>>
      %dma_wait3A_296 = arith.constant 0 : i32
      %dma_wait3A_297 = tpu.memref_slice %arg7[%dma_wait3A_292, %dma_wait3A_296] : memref<40x128xi32, #tpu.memory_space<vmem>> -> memref<1x64xi32, #tpu.memory_space<vmem>>
      %dma_wait3A_298 = tpu.memref_squeeze %dma_wait3A_297 : memref<1x64xi32, #tpu.memory_space<vmem>> -> memref<64xi32, #tpu.memory_space<vmem>>
      %dma_wait3A_299 = arith.constant 0 : i32
      %dma_wait3A_300 = arith.constant 0 : i32
      %dma_wait3A_301 = tpu.memref_slice %arg2[%dma_wait3A_299, %dma_wait3A_300] : memref<10240x128xf32, #tpu.memory_space<hbm>> -> memref<10240x128xf32, #tpu.memory_space<hbm>>
      tpu.wait_indirect_dma semaphore(%arg13 : memref<!tpu.dma_semaphore, #tpu.memory_space<semaphore_mem>>) src(%dma_wait3A_301 : memref<10240x128xf32, #tpu.memory_space<hbm>>) dst(%dma_wait3A_295 : memref<64x128xf32, #tpu.memory_space<vmem>>)
      %add3A_302 = arith.constant 1 : i32
      %add3A_303 = arith.addi %mul3A_253, %add3A_302 : i32
      %dma_start3A_304 = arith.constant 0 : i32
      %dma_start3A_305 = tpu.memref_slice %arg8[%add3A_303, %dma_start3A_304] : memref<40x128xi32, #tpu.memory_space<vmem>> -> memref<1x128xi32, #tpu.memory_space<vmem>>
      %dma_start3A_306 = tpu.memref_squeeze %dma_start3A_305 : memref<1x128xi32, #tpu.memory_space<vmem>> -> memref<128xi32, #tpu.memory_space<vmem>>
      %dma_start3A_307 = arith.constant 0 : i32
      %dma_start3A_308 = arith.constant 0 : i32
      %dma_start3A_309 = tpu.memref_slice %arg11[%dma_start3A_307, %dma_start3A_308] : memref<10240x128xf32, #tpu.memory_space<vmem_shared>> -> memref<10240x128xf32, #tpu.memory_space<vmem_shared>>
      tpu.enqueue_indirect_dma source(%arg10 : memref<128x128xf32, #tpu.memory_space<vmem>>) target(%dma_start3A_309 : memref<10240x128xf32, #tpu.memory_space<vmem_shared>>) offsets(%dma_start3A_306 : memref<128xi32, #tpu.memory_space<vmem>>) semaphore(%arg15 : memref<!tpu.dma_semaphore, #tpu.memory_space<semaphore_mem>>) {add = true}
      %dma_wait3A_310 = arith.constant 0 : i32
      %dma_wait3A_311 = arith.constant 0 : i32
      %dma_wait3A_312 = tpu.memref_slice %arg8[%dma_wait3A_310, %dma_wait3A_311] : memref<40x128xi32, #tpu.memory_space<vmem>> -> memref<1x128xi32, #tpu.memory_space<vmem>>
      %dma_wait3A_313 = tpu.memref_squeeze %dma_wait3A_312 : memref<1x128xi32, #tpu.memory_space<vmem>> -> memref<128xi32, #tpu.memory_space<vmem>>
      %dma_wait3A_314 = arith.constant 0 : i32
      %dma_wait3A_315 = arith.constant 0 : i32
      %dma_wait3A_316 = tpu.memref_slice %arg11[%dma_wait3A_314, %dma_wait3A_315] : memref<10240x128xf32, #tpu.memory_space<vmem_shared>> -> memref<10240x128xf32, #tpu.memory_space<vmem_shared>>
      tpu.wait_indirect_dma semaphore(%arg14 : memref<!tpu.dma_semaphore, #tpu.memory_space<semaphore_mem>>) src(%arg9 : memref<128x128xf32, #tpu.memory_space<vmem>>) dst(%dma_wait3A_316 : memref<10240x128xf32, #tpu.memory_space<vmem_shared>>)
      %add3A_317 = arith.constant 0 : i32
      %add3A_318 = arith.addi %mul3A_253, %add3A_317 : i32
      %add3A_319 = arith.constant 2 : i32
      %add3A_320 = arith.addi %add3A_318, %add3A_319 : i32
      %dma_start3A_321 = arith.constant 0 : i32
      %dma_start3A_322 = arith.constant 0 : i32
      %dma_start3A_323 = tpu.memref_slice %arg9[%dma_start3A_321, %dma_start3A_322] : memref<128x128xf32, #tpu.memory_space<vmem>> -> memref<64x128xf32, #tpu.memory_space<vmem>>
      %dma_start3A_324 = arith.constant 0 : i32
      %dma_start3A_325 = tpu.memref_slice %arg7[%add3A_320, %dma_start3A_324] : memref<40x128xi32, #tpu.memory_space<vmem>> -> memref<1x64xi32, #tpu.memory_space<vmem>>
      %dma_start3A_326 = tpu.memref_squeeze %dma_start3A_325 : memref<1x64xi32, #tpu.memory_space<vmem>> -> memref<64xi32, #tpu.memory_space<vmem>>
      %dma_start3A_327 = arith.constant 0 : i32
      %dma_start3A_328 = arith.constant 0 : i32
      %dma_start3A_329 = tpu.memref_slice %arg2[%dma_start3A_327, %dma_start3A_328] : memref<10240x128xf32, #tpu.memory_space<hbm>> -> memref<10240x128xf32, #tpu.memory_space<hbm>>
      tpu.enqueue_indirect_dma source(%dma_start3A_329 : memref<10240x128xf32, #tpu.memory_space<hbm>>) target(%dma_start3A_323 : memref<64x128xf32, #tpu.memory_space<vmem>>) offsets(%dma_start3A_326 : memref<64xi32, #tpu.memory_space<vmem>>) semaphore(%arg12 : memref<!tpu.dma_semaphore, #tpu.memory_space<semaphore_mem>>)
      %dma_start3A_330 = arith.constant 64 : i32
      %dma_start3A_331 = arith.constant 0 : i32
      %dma_start3A_332 = tpu.memref_slice %arg9[%dma_start3A_330, %dma_start3A_331] : memref<128x128xf32, #tpu.memory_space<vmem>> -> memref<64x128xf32, #tpu.memory_space<vmem>>
      %dma_start3A_333 = arith.constant 64 : i32
      %dma_start3A_334 = tpu.memref_slice %arg7[%add3A_320, %dma_start3A_333] : memref<40x128xi32, #tpu.memory_space<vmem>> -> memref<1x64xi32, #tpu.memory_space<vmem>>
      %dma_start3A_335 = tpu.memref_squeeze %dma_start3A_334 : memref<1x64xi32, #tpu.memory_space<vmem>> -> memref<64xi32, #tpu.memory_space<vmem>>
      %dma_start3A_336 = arith.constant 0 : i32
      %dma_start3A_337 = arith.constant 0 : i32
      %dma_start3A_338 = tpu.memref_slice %arg2[%dma_start3A_336, %dma_start3A_337] : memref<10240x128xf32, #tpu.memory_space<hbm>> -> memref<10240x128xf32, #tpu.memory_space<hbm>>
      tpu.enqueue_indirect_dma source(%dma_start3A_338 : memref<10240x128xf32, #tpu.memory_space<hbm>>) target(%dma_start3A_332 : memref<64x128xf32, #tpu.memory_space<vmem>>) offsets(%dma_start3A_335 : memref<64xi32, #tpu.memory_space<vmem>>) semaphore(%arg12 : memref<!tpu.dma_semaphore, #tpu.memory_space<semaphore_mem>>)
      %dma_wait3A_339 = arith.constant 1 : i32
      %dma_wait3A_340 = arith.constant 0 : i32
      %dma_wait3A_341 = tpu.memref_slice %arg8[%dma_wait3A_339, %dma_wait3A_340] : memref<40x128xi32, #tpu.memory_space<vmem>> -> memref<1x128xi32, #tpu.memory_space<vmem>>
      %dma_wait3A_342 = tpu.memref_squeeze %dma_wait3A_341 : memref<1x128xi32, #tpu.memory_space<vmem>> -> memref<128xi32, #tpu.memory_space<vmem>>
      %dma_wait3A_343 = arith.constant 0 : i32
      %dma_wait3A_344 = arith.constant 0 : i32
      %dma_wait3A_345 = tpu.memref_slice %arg11[%dma_wait3A_343, %dma_wait3A_344] : memref<10240x128xf32, #tpu.memory_space<vmem_shared>> -> memref<10240x128xf32, #tpu.memory_space<vmem_shared>>
      tpu.wait_indirect_dma semaphore(%arg15 : memref<!tpu.dma_semaphore, #tpu.memory_space<semaphore_mem>>) src(%arg10 : memref<128x128xf32, #tpu.memory_space<vmem>>) dst(%dma_wait3A_345 : memref<10240x128xf32, #tpu.memory_space<vmem_shared>>)
      %add3A_346 = arith.constant 1 : i32
      %add3A_347 = arith.addi %mul3A_253, %add3A_346 : i32
      %add3A_348 = arith.constant 2 : i32
      %add3A_349 = arith.addi %add3A_347, %add3A_348 : i32
      %dma_start3A_350 = arith.constant 0 : i32
      %dma_start3A_351 = arith.constant 0 : i32
      %dma_start3A_352 = tpu.memref_slice %arg10[%dma_start3A_350, %dma_start3A_351] : memref<128x128xf32, #tpu.memory_space<vmem>> -> memref<64x128xf32, #tpu.memory_space<vmem>>
      %dma_start3A_353 = arith.constant 0 : i32
      %dma_start3A_354 = tpu.memref_slice %arg7[%add3A_349, %dma_start3A_353] : memref<40x128xi32, #tpu.memory_space<vmem>> -> memref<1x64xi32, #tpu.memory_space<vmem>>
      %dma_start3A_355 = tpu.memref_squeeze %dma_start3A_354 : memref<1x64xi32, #tpu.memory_space<vmem>> -> memref<64xi32, #tpu.memory_space<vmem>>
      %dma_start3A_356 = arith.constant 0 : i32
      %dma_start3A_357 = arith.constant 0 : i32
      %dma_start3A_358 = tpu.memref_slice %arg2[%dma_start3A_356, %dma_start3A_357] : memref<10240x128xf32, #tpu.memory_space<hbm>> -> memref<10240x128xf32, #tpu.memory_space<hbm>>
      tpu.enqueue_indirect_dma source(%dma_start3A_358 : memref<10240x128xf32, #tpu.memory_space<hbm>>) target(%dma_start3A_352 : memref<64x128xf32, #tpu.memory_space<vmem>>) offsets(%dma_start3A_355 : memref<64xi32, #tpu.memory_space<vmem>>) semaphore(%arg13 : memref<!tpu.dma_semaphore, #tpu.memory_space<semaphore_mem>>)
      %dma_start3A_359 = arith.constant 64 : i32
      %dma_start3A_360 = arith.constant 0 : i32
      %dma_start3A_361 = tpu.memref_slice %arg10[%dma_start3A_359, %dma_start3A_360] : memref<128x128xf32, #tpu.memory_space<vmem>> -> memref<64x128xf32, #tpu.memory_space<vmem>>
      %dma_start3A_362 = arith.constant 64 : i32
      %dma_start3A_363 = tpu.memref_slice %arg7[%add3A_349, %dma_start3A_362] : memref<40x128xi32, #tpu.memory_space<vmem>> -> memref<1x64xi32, #tpu.memory_space<vmem>>
      %dma_start3A_364 = tpu.memref_squeeze %dma_start3A_363 : memref<1x64xi32, #tpu.memory_space<vmem>> -> memref<64xi32, #tpu.memory_space<vmem>>
      %dma_start3A_365 = arith.constant 0 : i32
      %dma_start3A_366 = arith.constant 0 : i32
      %dma_start3A_367 = tpu.memref_slice %arg2[%dma_start3A_365, %dma_start3A_366] : memref<10240x128xf32, #tpu.memory_space<hbm>> -> memref<10240x128xf32, #tpu.memory_space<hbm>>
      tpu.enqueue_indirect_dma source(%dma_start3A_367 : memref<10240x128xf32, #tpu.memory_space<hbm>>) target(%dma_start3A_361 : memref<64x128xf32, #tpu.memory_space<vmem>>) offsets(%dma_start3A_364 : memref<64xi32, #tpu.memory_space<vmem>>) semaphore(%arg13 : memref<!tpu.dma_semaphore, #tpu.memory_space<semaphore_mem>>)
    }
    %scan3A_177 = arith.constant 19 : i32
    %dma_wait3A_178 = arith.constant 0 : i32
    %dma_wait3A_179 = arith.constant 0 : i32
    %dma_wait3A_180 = arith.constant 0 : i32
    %dma_wait3A_181 = tpu.memref_slice %arg9[%dma_wait3A_179, %dma_wait3A_180] : memref<128x128xf32, #tpu.memory_space<vmem>> -> memref<64x128xf32, #tpu.memory_space<vmem>>
    %dma_wait3A_182 = arith.constant 0 : i32
    %dma_wait3A_183 = tpu.memref_slice %arg7[%dma_wait3A_178, %dma_wait3A_182] : memref<40x128xi32, #tpu.memory_space<vmem>> -> memref<1x64xi32, #tpu.memory_space<vmem>>
    %dma_wait3A_184 = tpu.memref_squeeze %dma_wait3A_183 : memref<1x64xi32, #tpu.memory_space<vmem>> -> memref<64xi32, #tpu.memory_space<vmem>>
    %dma_wait3A_185 = arith.constant 0 : i32
    %dma_wait3A_186 = arith.constant 0 : i32
    %dma_wait3A_187 = tpu.memref_slice %arg2[%dma_wait3A_185, %dma_wait3A_186] : memref<10240x128xf32, #tpu.memory_space<hbm>> -> memref<10240x128xf32, #tpu.memory_space<hbm>>
    tpu.wait_indirect_dma semaphore(%arg12 : memref<!tpu.dma_semaphore, #tpu.memory_space<semaphore_mem>>) src(%dma_wait3A_187 : memref<10240x128xf32, #tpu.memory_space<hbm>>) dst(%dma_wait3A_181 : memref<64x128xf32, #tpu.memory_space<vmem>>)
    %dma_wait3A_188 = arith.constant 0 : i32
    %dma_wait3A_189 = arith.constant 0 : i32
    %dma_wait3A_190 = arith.constant 0 : i32
    %dma_wait3A_191 = tpu.memref_slice %arg9[%dma_wait3A_189, %dma_wait3A_190] : memref<128x128xf32, #tpu.memory_space<vmem>> -> memref<64x128xf32, #tpu.memory_space<vmem>>
    %dma_wait3A_192 = arith.constant 0 : i32
    %dma_wait3A_193 = tpu.memref_slice %arg7[%dma_wait3A_188, %dma_wait3A_192] : memref<40x128xi32, #tpu.memory_space<vmem>> -> memref<1x64xi32, #tpu.memory_space<vmem>>
    %dma_wait3A_194 = tpu.memref_squeeze %dma_wait3A_193 : memref<1x64xi32, #tpu.memory_space<vmem>> -> memref<64xi32, #tpu.memory_space<vmem>>
    %dma_wait3A_195 = arith.constant 0 : i32
    %dma_wait3A_196 = arith.constant 0 : i32
    %dma_wait3A_197 = tpu.memref_slice %arg2[%dma_wait3A_195, %dma_wait3A_196] : memref<10240x128xf32, #tpu.memory_space<hbm>> -> memref<10240x128xf32, #tpu.memory_space<hbm>>
    tpu.wait_indirect_dma semaphore(%arg12 : memref<!tpu.dma_semaphore, #tpu.memory_space<semaphore_mem>>) src(%dma_wait3A_197 : memref<10240x128xf32, #tpu.memory_space<hbm>>) dst(%dma_wait3A_191 : memref<64x128xf32, #tpu.memory_space<vmem>>)
    %dma_start3A_198 = arith.constant 38 : i32
    %dma_start3A_199 = arith.constant 0 : i32
    %dma_start3A_200 = tpu.memref_slice %arg8[%dma_start3A_198, %dma_start3A_199] : memref<40x128xi32, #tpu.memory_space<vmem>> -> memref<1x128xi32, #tpu.memory_space<vmem>>
    %dma_start3A_201 = tpu.memref_squeeze %dma_start3A_200 : memref<1x128xi32, #tpu.memory_space<vmem>> -> memref<128xi32, #tpu.memory_space<vmem>>
    %dma_start3A_202 = arith.constant 0 : i32
    %dma_start3A_203 = arith.constant 0 : i32
    %dma_start3A_204 = tpu.memref_slice %arg11[%dma_start3A_202, %dma_start3A_203] : memref<10240x128xf32, #tpu.memory_space<vmem_shared>> -> memref<10240x128xf32, #tpu.memory_space<vmem_shared>>
    tpu.enqueue_indirect_dma source(%arg9 : memref<128x128xf32, #tpu.memory_space<vmem>>) target(%dma_start3A_204 : memref<10240x128xf32, #tpu.memory_space<vmem_shared>>) offsets(%dma_start3A_201 : memref<128xi32, #tpu.memory_space<vmem>>) semaphore(%arg14 : memref<!tpu.dma_semaphore, #tpu.memory_space<semaphore_mem>>) {add = true}
    %dma_wait3A_205 = arith.constant 0 : i32
    %dma_wait3A_206 = arith.constant 0 : i32
    %dma_wait3A_207 = arith.constant 0 : i32
    %dma_wait3A_208 = tpu.memref_slice %arg10[%dma_wait3A_206, %dma_wait3A_207] : memref<128x128xf32, #tpu.memory_space<vmem>> -> memref<64x128xf32, #tpu.memory_space<vmem>>
    %dma_wait3A_209 = arith.constant 0 : i32
    %dma_wait3A_210 = tpu.memref_slice %arg7[%dma_wait3A_205, %dma_wait3A_209] : memref<40x128xi32, #tpu.memory_space<vmem>> -> memref<1x64xi32, #tpu.memory_space<vmem>>
    %dma_wait3A_211 = tpu.memref_squeeze %dma_wait3A_210 : memref<1x64xi32, #tpu.memory_space<vmem>> -> memref<64xi32, #tpu.memory_space<vmem>>
    %dma_wait3A_212 = arith.constant 0 : i32
    %dma_wait3A_213 = arith.constant 0 : i32
    %dma_wait3A_214 = tpu.memref_slice %arg2[%dma_wait3A_212, %dma_wait3A_213] : memref<10240x128xf32, #tpu.memory_space<hbm>> -> memref<10240x128xf32, #tpu.memory_space<hbm>>
    tpu.wait_indirect_dma semaphore(%arg13 : memref<!tpu.dma_semaphore, #tpu.memory_space<semaphore_mem>>) src(%dma_wait3A_214 : memref<10240x128xf32, #tpu.memory_space<hbm>>) dst(%dma_wait3A_208 : memref<64x128xf32, #tpu.memory_space<vmem>>)
    %dma_wait3A_215 = arith.constant 0 : i32
    %dma_wait3A_216 = arith.constant 0 : i32
    %dma_wait3A_217 = arith.constant 0 : i32
    %dma_wait3A_218 = tpu.memref_slice %arg10[%dma_wait3A_216, %dma_wait3A_217] : memref<128x128xf32, #tpu.memory_space<vmem>> -> memref<64x128xf32, #tpu.memory_space<vmem>>
    %dma_wait3A_219 = arith.constant 0 : i32
    %dma_wait3A_220 = tpu.memref_slice %arg7[%dma_wait3A_215, %dma_wait3A_219] : memref<40x128xi32, #tpu.memory_space<vmem>> -> memref<1x64xi32, #tpu.memory_space<vmem>>
    %dma_wait3A_221 = tpu.memref_squeeze %dma_wait3A_220 : memref<1x64xi32, #tpu.memory_space<vmem>> -> memref<64xi32, #tpu.memory_space<vmem>>
    %dma_wait3A_222 = arith.constant 0 : i32
    %dma_wait3A_223 = arith.constant 0 : i32
    %dma_wait3A_224 = tpu.memref_slice %arg2[%dma_wait3A_222, %dma_wait3A_223] : memref<10240x128xf32, #tpu.memory_space<hbm>> -> memref<10240x128xf32, #tpu.memory_space<hbm>>
    tpu.wait_indirect_dma semaphore(%arg13 : memref<!tpu.dma_semaphore, #tpu.memory_space<semaphore_mem>>) src(%dma_wait3A_224 : memref<10240x128xf32, #tpu.memory_space<hbm>>) dst(%dma_wait3A_218 : memref<64x128xf32, #tpu.memory_space<vmem>>)
    %dma_start3A_225 = arith.constant 39 : i32
    %dma_start3A_226 = arith.constant 0 : i32
    %dma_start3A_227 = tpu.memref_slice %arg8[%dma_start3A_225, %dma_start3A_226] : memref<40x128xi32, #tpu.memory_space<vmem>> -> memref<1x128xi32, #tpu.memory_space<vmem>>
    %dma_start3A_228 = tpu.memref_squeeze %dma_start3A_227 : memref<1x128xi32, #tpu.memory_space<vmem>> -> memref<128xi32, #tpu.memory_space<vmem>>
    %dma_start3A_229 = arith.constant 0 : i32
    %dma_start3A_230 = arith.constant 0 : i32
    %dma_start3A_231 = tpu.memref_slice %arg11[%dma_start3A_229, %dma_start3A_230] : memref<10240x128xf32, #tpu.memory_space<vmem_shared>> -> memref<10240x128xf32, #tpu.memory_space<vmem_shared>>
    tpu.enqueue_indirect_dma source(%arg10 : memref<128x128xf32, #tpu.memory_space<vmem>>) target(%dma_start3A_231 : memref<10240x128xf32, #tpu.memory_space<vmem_shared>>) offsets(%dma_start3A_228 : memref<128xi32, #tpu.memory_space<vmem>>) semaphore(%arg15 : memref<!tpu.dma_semaphore, #tpu.memory_space<semaphore_mem>>) {add = true}
    %dma_wait3A_232 = arith.constant 0 : i32
    %dma_wait3A_233 = arith.constant 0 : i32
    %dma_wait3A_234 = tpu.memref_slice %arg8[%dma_wait3A_232, %dma_wait3A_233] : memref<40x128xi32, #tpu.memory_space<vmem>> -> memref<1x128xi32, #tpu.memory_space<vmem>>
    %dma_wait3A_235 = tpu.memref_squeeze %dma_wait3A_234 : memref<1x128xi32, #tpu.memory_space<vmem>> -> memref<128xi32, #tpu.memory_space<vmem>>
    %dma_wait3A_236 = arith.constant 0 : i32
    %dma_wait3A_237 = arith.constant 0 : i32
    %dma_wait3A_238 = tpu.memref_slice %arg11[%dma_wait3A_236, %dma_wait3A_237] : memref<10240x128xf32, #tpu.memory_space<vmem_shared>> -> memref<10240x128xf32, #tpu.memory_space<vmem_shared>>
    tpu.wait_indirect_dma semaphore(%arg14 : memref<!tpu.dma_semaphore, #tpu.memory_space<semaphore_mem>>) src(%arg9 : memref<128x128xf32, #tpu.memory_space<vmem>>) dst(%dma_wait3A_238 : memref<10240x128xf32, #tpu.memory_space<vmem_shared>>)
    %dma_wait3A_239 = arith.constant 1 : i32
    %dma_wait3A_240 = arith.constant 0 : i32
    %dma_wait3A_241 = tpu.memref_slice %arg8[%dma_wait3A_239, %dma_wait3A_240] : memref<40x128xi32, #tpu.memory_space<vmem>> -> memref<1x128xi32, #tpu.memory_space<vmem>>
    %dma_wait3A_242 = tpu.memref_squeeze %dma_wait3A_241 : memref<1x128xi32, #tpu.memory_space<vmem>> -> memref<128xi32, #tpu.memory_space<vmem>>
    %dma_wait3A_243 = arith.constant 0 : i32
    %dma_wait3A_244 = arith.constant 0 : i32
    %dma_wait3A_245 = tpu.memref_slice %arg11[%dma_wait3A_243, %dma_wait3A_244] : memref<10240x128xf32, #tpu.memory_space<vmem_shared>> -> memref<10240x128xf32, #tpu.memory_space<vmem_shared>>
    tpu.wait_indirect_dma semaphore(%arg15 : memref<!tpu.dma_semaphore, #tpu.memory_space<semaphore_mem>>) src(%arg10 : memref<128x128xf32, #tpu.memory_space<vmem>>) dst(%dma_wait3A_245 : memref<10240x128xf32, #tpu.memory_space<vmem_shared>>)
    %barrier3A_246 = arith.constant 0 : index
    tpu.barrier barrier_id(%barrier3A_246)
    %mul3A_247 = arith.constant 640 : i32
    %mul3A_248 = arith.muli %arg1, %mul3A_247 : i32
    %mul3A_249 = arith.constant 640 : i32
    %mul3A_250 = arith.muli %arg1, %mul3A_249 : i32
    "tpu.region"() ({
      %run_scoped3A = tpu.sem_alloc : memref<!tpu.dma_semaphore, #tpu.memory_space<semaphore_mem>>
      %dma_start3A_251 = arith.constant 0 : i32
      %dma_start3A_252 = tpu.memref_slice %arg6[%arg0, %mul3A_250, %dma_start3A_251] : memref<2x10240x128xf32, #tpu.memory_space<hbm>> -> memref<1x640x128xf32, #tpu.memory_space<hbm>>
      %dma_start3A_253 = tpu.memref_squeeze %dma_start3A_252 : memref<1x640x128xf32, #tpu.memory_space<hbm>> -> memref<640x128xf32, #tpu.memory_space<hbm>>
      %dma_start3A_254 = arith.constant 0 : i32
      %dma_start3A_255 = tpu.memref_slice %arg11[%mul3A_248, %dma_start3A_254] : memref<10240x128xf32, #tpu.memory_space<vmem_shared>> -> memref<640x128xf32, #tpu.memory_space<vmem_shared>>
      tpu.enqueue_dma source(%dma_start3A_255 : memref<640x128xf32, #tpu.memory_space<vmem_shared>>) target(%dma_start3A_253 : memref<640x128xf32, #tpu.memory_space<hbm>>) target_semaphore(%run_scoped3A : memref<!tpu.dma_semaphore, #tpu.memory_space<semaphore_mem>>)
      %dma_wait3A_256 = arith.constant 0 : i32
      %dma_wait3A_257 = tpu.memref_slice %arg6[%arg0, %mul3A_250, %dma_wait3A_256] : memref<2x10240x128xf32, #tpu.memory_space<hbm>> -> memref<1x640x128xf32, #tpu.memory_space<hbm>>
      %dma_wait3A_258 = tpu.memref_squeeze %dma_wait3A_257 : memref<1x640x128xf32, #tpu.memory_space<hbm>> -> memref<640x128xf32, #tpu.memory_space<hbm>>
      %dma_wait3A_259 = arith.constant 0 : i32
      %dma_wait3A_260 = tpu.memref_slice %arg11[%mul3A_248, %dma_wait3A_259] : memref<10240x128xf32, #tpu.memory_space<vmem_shared>> -> memref<640x128xf32, #tpu.memory_space<vmem_shared>>
      tpu.wait_dma2 semaphore(%run_scoped3A : memref<!tpu.dma_semaphore, #tpu.memory_space<semaphore_mem>>) src(%dma_wait3A_260 : memref<640x128xf32, #tpu.memory_space<vmem_shared>>) dst(%dma_wait3A_258 : memref<640x128xf32, #tpu.memory_space<hbm>>)
      tpu.yield
    }) : () -> ()
    return
  }
}

module attributes {stable_mosaic.version = 14 : i64} {
  func.func @_xs_body(%arg0: i32, %arg1: memref<640x128xf32, #tpu.memory_space<vmem>>, %arg2: memref<2x640x128xf32, #tpu.memory_space<vmem>>, %arg3: memref<640x128xf32, #tpu.memory_space<vmem>>, %arg4: memref<2x640x8xf32, #tpu.memory_space<vmem>>) attributes {dimension_semantics = [#tpu.dimension_semantics<arbitrary>], iteration_bounds = array<i64: 16>, scalar_prefetch = 0 : i64, scratch_operands = 0 : i64, tpu.core_type = #tpu.core_type<tc>, window_params = [{transform_indices = @transform_0, window_bounds = array<i64: 640, 128>}, {transform_indices = @transform_1, window_bounds = array<i64: 2, 640, 128>}, {transform_indices = @transform_2, window_bounds = array<i64: 640, 128>}, {transform_indices = @transform_3, window_bounds = array<i64: 2, 640, 8>}]} {
    %get3A = arith.constant 0 : index
    %get3A_0 = arith.constant 0 : index
    %get3A_1 = arith.constant 0 : index
    %get3A_2 = vector.load %arg2[%get3A, %get3A_0, %get3A_1] : memref<2x640x128xf32, #tpu.memory_space<vmem>>, vector<2x640x128xf32>
    %slice3A = vector.extract_strided_slice %get3A_2 {offsets = [0, 0, 0], sizes = [1, 640, 128], strides = [1, 1, 1]} : vector<2x640x128xf32> to vector<1x640x128xf32>
    %squeeze3A = vector.shape_cast %slice3A : vector<1x640x128xf32> to vector<640x128xf32>
    %slice3A_3 = vector.extract_strided_slice %squeeze3A {offsets = [0, 0], sizes = [640, 1], strides = [1, 1]} : vector<640x128xf32> to vector<640x1xf32>
    %gt3A = arith.constant 0.000000e+00 : f32
    %gt3A_4 = vector.broadcast %gt3A : f32 to vector<640x1xf32>
    %gt3A_5 = arith.cmpf ogt, %slice3A_3, %gt3A_4 : vector<640x1xf32>
    %max3A = arith.constant 9.99999996E-13 : f32
    %max3A_6 = vector.broadcast %max3A : f32 to vector<640x1xf32>
    %max3A_7 = arith.maximumf %slice3A_3, %max3A_6 : vector<640x1xf32>
    %rsqrt3A = math.rsqrt %max3A_7 : vector<640x1xf32>
    %jit3A = arith.constant 0.000000e+00 : f32
    %broadcast_in_dim3A = vector.broadcast %jit3A : f32 to vector<640x1xf32>
    %select_n3A = arith.select %gt3A_5, %rsqrt3A, %broadcast_in_dim3A : vector<640x1xi1>, vector<640x1xf32>
    %slice3A_8 = vector.extract_strided_slice %get3A_2 {offsets = [1, 0, 0], sizes = [1, 640, 128], strides = [1, 1, 1]} : vector<2x640x128xf32> to vector<1x640x128xf32>
    %squeeze3A_9 = vector.shape_cast %slice3A_8 : vector<1x640x128xf32> to vector<640x128xf32>
    %slice3A_10 = vector.extract_strided_slice %squeeze3A_9 {offsets = [0, 0], sizes = [640, 1], strides = [1, 1]} : vector<640x128xf32> to vector<640x1xf32>
    %gt3A_11 = arith.constant 0.000000e+00 : f32
    %gt3A_12 = vector.broadcast %gt3A_11 : f32 to vector<640x1xf32>
    %gt3A_13 = arith.cmpf ogt, %slice3A_10, %gt3A_12 : vector<640x1xf32>
    %max3A_14 = arith.constant 9.99999996E-13 : f32
    %max3A_15 = vector.broadcast %max3A_14 : f32 to vector<640x1xf32>
    %max3A_16 = arith.maximumf %slice3A_10, %max3A_15 : vector<640x1xf32>
    %rsqrt3A_17 = math.rsqrt %max3A_16 : vector<640x1xf32>
    %jit3A_18 = arith.constant 0.000000e+00 : f32
    %broadcast_in_dim3A_19 = vector.broadcast %jit3A_18 : f32 to vector<640x1xf32>
    %select_n3A_20 = arith.select %gt3A_13, %rsqrt3A_17, %broadcast_in_dim3A_19 : vector<640x1xi1>, vector<640x1xf32>
    %get3A_21 = arith.constant 0 : index
    %get3A_22 = arith.constant 0 : index
    %get3A_23 = vector.load %arg1[%get3A_21, %get3A_22] : memref<640x128xf32, #tpu.memory_space<vmem>>, vector<640x128xf32>
    %mul3A = vector.broadcast %select_n3A : vector<640x1xf32> to vector<640x128xf32>
    %mul3A_24 = arith.mulf %get3A_23, %mul3A : vector<640x128xf32>
    %swap3A = arith.constant 0 : index
    %swap3A_25 = arith.constant 0 : index
    %swap3A_26 = vector.load %arg3[%swap3A, %swap3A_25] : memref<640x128xf32, #tpu.memory_space<vmem>>, vector<640x128xf32>
    tpu.vector_store %arg3[%swap3A, %swap3A_25], %mul3A_24 {strides = array<i32>} : memref<640x128xf32, #tpu.memory_space<vmem>>, vector<640x128xf32>,
    %broadcast_in_dim3A_27 = vector.shape_cast %select_n3A : vector<640x1xf32> to vector<640x1xf32>
    %broadcast_in_dim3A_28 = vector.broadcast %broadcast_in_dim3A_27 : vector<640x1xf32> to vector<640x8xf32>
    %swap3A_29 = arith.constant 0 : index
    %swap3A_30 = arith.constant 0 : index
    %swap3A_31 = arith.constant 0 : index
    %swap3A_32 = vector.load %arg4[%swap3A_29, %swap3A_30, %swap3A_31] : memref<2x640x8xf32, #tpu.memory_space<vmem>>, vector<1x640x8xf32>
    %swap3A_33 = vector.shape_cast %swap3A_32 : vector<1x640x8xf32> to vector<640x8xf32>
    %swap3A_34 = vector.shape_cast %broadcast_in_dim3A_28 : vector<640x8xf32> to vector<1x640x8xf32>
    tpu.vector_store %arg4[%swap3A_29, %swap3A_30, %swap3A_31], %swap3A_34 {strides = array<i32>} : memref<2x640x8xf32, #tpu.memory_space<vmem>>, vector<1x640x8xf32>,
    %broadcast_in_dim3A_35 = vector.shape_cast %select_n3A_20 : vector<640x1xf32> to vector<640x1xf32>
    %broadcast_in_dim3A_36 = vector.broadcast %broadcast_in_dim3A_35 : vector<640x1xf32> to vector<640x8xf32>
    %swap3A_37 = arith.constant 1 : index
    %swap3A_38 = arith.constant 0 : index
    %swap3A_39 = arith.constant 0 : index
    %swap3A_40 = vector.load %arg4[%swap3A_37, %swap3A_38, %swap3A_39] : memref<2x640x8xf32, #tpu.memory_space<vmem>>, vector<1x640x8xf32>
    %swap3A_41 = vector.shape_cast %swap3A_40 : vector<1x640x8xf32> to vector<640x8xf32>
    %swap3A_42 = vector.shape_cast %broadcast_in_dim3A_36 : vector<640x8xf32> to vector<1x640x8xf32>
    tpu.vector_store %arg4[%swap3A_37, %swap3A_38, %swap3A_39], %swap3A_42 {strides = array<i32>} : memref<2x640x8xf32, #tpu.memory_space<vmem>>, vector<1x640x8xf32>,
    return
  }
  func.func @transform_0(%arg0: i32) -> (i32, i32) {
    %c0_i32 = arith.constant 0 : i32
    %c0_i32_0 = arith.constant 0 : i32
    return %arg0, %c0_i32 : i32, i32
  }
  func.func @transform_1(%arg0: i32) -> (i32, i32, i32) {
    %c0_i32 = arith.constant 0 : i32
    %c0_i32_0 = arith.constant 0 : i32
    %c0_i32_1 = arith.constant 0 : i32
    return %c0_i32, %arg0, %c0_i32_0 : i32, i32, i32
  }
  func.func @transform_2(%arg0: i32) -> (i32, i32) {
    %c0_i32 = arith.constant 0 : i32
    %c0_i32_0 = arith.constant 0 : i32
    return %arg0, %c0_i32 : i32, i32
  }
  func.func @transform_3(%arg0: i32) -> (i32, i32, i32) {
    %c0_i32 = arith.constant 0 : i32
    %c0_i32_0 = arith.constant 0 : i32
    %c0_i32_1 = arith.constant 0 : i32
    return %c0_i32, %arg0, %c0_i32_0 : i32, i32, i32
  }
}

module attributes {stable_mosaic.version = 14 : i64} {
  func.func @_m1_body(%arg0: i32, %arg1: memref<2x640x128xf32, #tpu.memory_space<vmem>>, %arg2: memref<2x640x8xf32, #tpu.memory_space<vmem>>, %arg3: memref<128x128xf32, #tpu.memory_space<vmem>>, %arg4: memref<1x128xf32, #tpu.memory_space<vmem>>, %arg5: memref<640x128xf32, #tpu.memory_space<vmem>>) attributes {dimension_semantics = [#tpu.dimension_semantics<arbitrary>], iteration_bounds = array<i64: 16>, scalar_prefetch = 0 : i64, scratch_operands = 0 : i64, tpu.core_type = #tpu.core_type<tc>, window_params = [{transform_indices = @transform_0, window_bounds = array<i64: 2, 640, 128>}, {transform_indices = @transform_1, window_bounds = array<i64: 2, 640, 8>}, {pipeline_mode = #tpu.pipeline_mode<synchronous>, transform_indices = @transform_2, window_bounds = array<i64: 128, 128>}, {pipeline_mode = #tpu.pipeline_mode<synchronous>, transform_indices = @transform_3, window_bounds = array<i64: 1, 128>}, {transform_indices = @transform_4, window_bounds = array<i64: 640, 128>}]} {
    %get3A = arith.constant 0 : index
    %get3A_0 = arith.constant 0 : index
    %get3A_1 = arith.constant 0 : index
    %get3A_2 = vector.load %arg1[%get3A, %get3A_0, %get3A_1] : memref<2x640x128xf32, #tpu.memory_space<vmem>>, vector<1x640x128xf32>
    %get3A_3 = vector.shape_cast %get3A_2 : vector<1x640x128xf32> to vector<640x128xf32>
    %get3A_4 = arith.constant 1 : index
    %get3A_5 = arith.constant 0 : index
    %get3A_6 = arith.constant 0 : index
    %get3A_7 = vector.load %arg1[%get3A_4, %get3A_5, %get3A_6] : memref<2x640x128xf32, #tpu.memory_space<vmem>>, vector<1x640x128xf32>
    %get3A_8 = vector.shape_cast %get3A_7 : vector<1x640x128xf32> to vector<640x128xf32>
    %add3A = arith.addf %get3A_3, %get3A_8 : vector<640x128xf32>
    %get3A_9 = arith.constant 0 : index
    %get3A_10 = arith.constant 0 : index
    %get3A_11 = arith.constant 0 : index
    %get3A_12 = vector.load %arg2[%get3A_9, %get3A_10, %get3A_11] : memref<2x640x8xf32, #tpu.memory_space<vmem>>, vector<1x640x8xf32>
    %get3A_13 = vector.shape_cast %get3A_12 : vector<1x640x8xf32> to vector<640x8xf32>
    %slice3A = vector.extract_strided_slice %get3A_13 {offsets = [0, 0], sizes = [640, 1], strides = [1, 1]} : vector<640x8xf32> to vector<640x1xf32>
    %get3A_14 = arith.constant 1 : index
    %get3A_15 = arith.constant 0 : index
    %get3A_16 = arith.constant 0 : index
    %get3A_17 = vector.load %arg2[%get3A_14, %get3A_15, %get3A_16] : memref<2x640x8xf32, #tpu.memory_space<vmem>>, vector<1x640x8xf32>
    %get3A_18 = vector.shape_cast %get3A_17 : vector<1x640x8xf32> to vector<640x8xf32>
    %slice3A_19 = vector.extract_strided_slice %get3A_18 {offsets = [0, 0], sizes = [640, 1], strides = [1, 1]} : vector<640x8xf32> to vector<640x1xf32>
    %mul3A = vector.broadcast %slice3A_19 : vector<640x1xf32> to vector<640x128xf32>
    %mul3A_20 = arith.mulf %add3A, %mul3A : vector<640x128xf32>
    %get3A_21 = arith.constant 0 : index
    %get3A_22 = arith.constant 0 : index
    %get3A_23 = vector.load %arg3[%get3A_21, %get3A_22] : memref<128x128xf32, #tpu.memory_space<vmem>>, vector<128x128xf32>
    %dot_general3A = arith.constant dense<0.000000e+00> : vector<640x128xf32>
    %dot_general3A_24 = tpu.matmul %mul3A_20, %get3A_23, %dot_general3A {dimension_numbers = #tpu.dot_dimension_numbers<[1], [0], [0], [1], [0, 0, 1, 1], [], []>, transpose_lhs_hint = false} : vector<640x128xf32>, vector<128x128xf32>, vector<640x128xf32> -> vector<640x128xf32>
    %get3A_25 = arith.constant 0 : index
    %get3A_26 = arith.constant 0 : index
    %get3A_27 = vector.load %arg4[%get3A_25, %get3A_26] : memref<1x128xf32, #tpu.memory_space<vmem>>, vector<1x128xf32>
    %add3A_28 = vector.broadcast %get3A_27 : vector<1x128xf32> to vector<640x128xf32>
    %add3A_29 = arith.addf %dot_general3A_24, %add3A_28 : vector<640x128xf32>
    %ge3A = arith.constant 0.000000e+00 : f32
    %ge3A_30 = vector.broadcast %ge3A : f32 to vector<640x128xf32>
    %ge3A_31 = arith.cmpf oge, %add3A_29, %ge3A_30 : vector<640x128xf32>
    %mul3A_32 = arith.constant 0.00999999977 : f32
    %mul3A_33 = vector.broadcast %mul3A_32 : f32 to vector<640x128xf32>
    %mul3A_34 = arith.mulf %mul3A_33, %add3A_29 : vector<640x128xf32>
    %select_n3A = arith.select %ge3A_31, %add3A_29, %mul3A_34 : vector<640x128xi1>, vector<640x128xf32>
    %mul3A_35 = vector.broadcast %slice3A : vector<640x1xf32> to vector<640x128xf32>
    %mul3A_36 = arith.mulf %select_n3A, %mul3A_35 : vector<640x128xf32>
    %swap3A = arith.constant 0 : index
    %swap3A_37 = arith.constant 0 : index
    %swap3A_38 = vector.load %arg5[%swap3A, %swap3A_37] : memref<640x128xf32, #tpu.memory_space<vmem>>, vector<640x128xf32>
    tpu.vector_store %arg5[%swap3A, %swap3A_37], %mul3A_36 {strides = array<i32>} : memref<640x128xf32, #tpu.memory_space<vmem>>, vector<640x128xf32>,
    return
  }
  func.func @transform_0(%arg0: i32) -> (i32, i32, i32) {
    %c0_i32 = arith.constant 0 : i32
    %c0_i32_0 = arith.constant 0 : i32
    %c0_i32_1 = arith.constant 0 : i32
    return %c0_i32, %arg0, %c0_i32_0 : i32, i32, i32
  }
  func.func @transform_1(%arg0: i32) -> (i32, i32, i32) {
    %c0_i32 = arith.constant 0 : i32
    %c0_i32_0 = arith.constant 0 : i32
    %c0_i32_1 = arith.constant 0 : i32
    return %c0_i32, %arg0, %c0_i32_0 : i32, i32, i32
  }
  func.func @transform_2(%arg0: i32) -> (i32, i32) {
    %c0_i32 = arith.constant 0 : i32
    %c0_i32_0 = arith.constant 0 : i32
    %c0_i32_1 = arith.constant 0 : i32
    return %c0_i32, %c0_i32_0 : i32, i32
  }
  func.func @transform_3(%arg0: i32) -> (i32, i32) {
    %c0_i32 = arith.constant 0 : i32
    %c0_i32_0 = arith.constant 0 : i32
    %c0_i32_1 = arith.constant 0 : i32
    return %c0_i32, %c0_i32_0 : i32, i32
  }
  func.func @transform_4(%arg0: i32) -> (i32, i32) {
    %c0_i32 = arith.constant 0 : i32
    %c0_i32_0 = arith.constant 0 : i32
    return %arg0, %c0_i32 : i32, i32
  }
}

module attributes {stable_mosaic.version = 14 : i64} {
  func.func @_m2_body(%arg0: i32, %arg1: memref<2x640x128xf32, #tpu.memory_space<vmem>>, %arg2: memref<2x640x8xf32, #tpu.memory_space<vmem>>, %arg3: memref<128x128xf32, #tpu.memory_space<vmem>>, %arg4: memref<1x128xf32, #tpu.memory_space<vmem>>, %arg5: memref<128x128xf32, #tpu.memory_space<vmem>>, %arg6: memref<1x128xf32, #tpu.memory_space<vmem>>, %arg7: memref<640x128xf32, #tpu.memory_space<vmem>>) attributes {dimension_semantics = [#tpu.dimension_semantics<arbitrary>], iteration_bounds = array<i64: 16>, scalar_prefetch = 0 : i64, scratch_operands = 0 : i64, tpu.core_type = #tpu.core_type<tc>, window_params = [{transform_indices = @transform_0, window_bounds = array<i64: 2, 640, 128>}, {transform_indices = @transform_1, window_bounds = array<i64: 2, 640, 8>}, {pipeline_mode = #tpu.pipeline_mode<synchronous>, transform_indices = @transform_2, window_bounds = array<i64: 128, 128>}, {pipeline_mode = #tpu.pipeline_mode<synchronous>, transform_indices = @transform_3, window_bounds = array<i64: 1, 128>}, {pipeline_mode = #tpu.pipeline_mode<synchronous>, transform_indices = @transform_4, window_bounds = array<i64: 128, 128>}, {pipeline_mode = #tpu.pipeline_mode<synchronous>, transform_indices = @transform_5, window_bounds = array<i64: 1, 128>}, {transform_indices = @transform_6, window_bounds = array<i64: 640, 128>}]} {
    %get3A = arith.constant 0 : index
    %get3A_0 = arith.constant 0 : index
    %get3A_1 = arith.constant 0 : index
    %get3A_2 = vector.load %arg1[%get3A, %get3A_0, %get3A_1] : memref<2x640x128xf32, #tpu.memory_space<vmem>>, vector<1x640x128xf32>
    %get3A_3 = vector.shape_cast %get3A_2 : vector<1x640x128xf32> to vector<640x128xf32>
    %get3A_4 = arith.constant 1 : index
    %get3A_5 = arith.constant 0 : index
    %get3A_6 = arith.constant 0 : index
    %get3A_7 = vector.load %arg1[%get3A_4, %get3A_5, %get3A_6] : memref<2x640x128xf32, #tpu.memory_space<vmem>>, vector<1x640x128xf32>
    %get3A_8 = vector.shape_cast %get3A_7 : vector<1x640x128xf32> to vector<640x128xf32>
    %add3A = arith.addf %get3A_3, %get3A_8 : vector<640x128xf32>
    %get3A_9 = arith.constant 1 : index
    %get3A_10 = arith.constant 0 : index
    %get3A_11 = arith.constant 0 : index
    %get3A_12 = vector.load %arg2[%get3A_9, %get3A_10, %get3A_11] : memref<2x640x8xf32, #tpu.memory_space<vmem>>, vector<1x640x8xf32>
    %get3A_13 = vector.shape_cast %get3A_12 : vector<1x640x8xf32> to vector<640x8xf32>
    %slice3A = vector.extract_strided_slice %get3A_13 {offsets = [0, 0], sizes = [640, 1], strides = [1, 1]} : vector<640x8xf32> to vector<640x1xf32>
    %mul3A = vector.broadcast %slice3A : vector<640x1xf32> to vector<640x128xf32>
    %mul3A_14 = arith.mulf %add3A, %mul3A : vector<640x128xf32>
    %get3A_15 = arith.constant 0 : index
    %get3A_16 = arith.constant 0 : index
    %get3A_17 = vector.load %arg3[%get3A_15, %get3A_16] : memref<128x128xf32, #tpu.memory_space<vmem>>, vector<128x128xf32>
    %dot_general3A = arith.constant dense<0.000000e+00> : vector<640x128xf32>
    %dot_general3A_18 = tpu.matmul %mul3A_14, %get3A_17, %dot_general3A {dimension_numbers = #tpu.dot_dimension_numbers<[1], [0], [0], [1], [0, 0, 1, 1], [], []>, transpose_lhs_hint = false} : vector<640x128xf32>, vector<128x128xf32>, vector<640x128xf32> -> vector<640x128xf32>
    %get3A_19 = arith.constant 0 : index
    %get3A_20 = arith.constant 0 : index
    %get3A_21 = vector.load %arg4[%get3A_19, %get3A_20] : memref<1x128xf32, #tpu.memory_space<vmem>>, vector<1x128xf32>
    %add3A_22 = vector.broadcast %get3A_21 : vector<1x128xf32> to vector<640x128xf32>
    %add3A_23 = arith.addf %dot_general3A_18, %add3A_22 : vector<640x128xf32>
    %ge3A = arith.constant 0.000000e+00 : f32
    %ge3A_24 = vector.broadcast %ge3A : f32 to vector<640x128xf32>
    %ge3A_25 = arith.cmpf oge, %add3A_23, %ge3A_24 : vector<640x128xf32>
    %mul3A_26 = arith.constant 0.00999999977 : f32
    %mul3A_27 = vector.broadcast %mul3A_26 : f32 to vector<640x128xf32>
    %mul3A_28 = arith.mulf %mul3A_27, %add3A_23 : vector<640x128xf32>
    %select_n3A = arith.select %ge3A_25, %add3A_23, %mul3A_28 : vector<640x128xi1>, vector<640x128xf32>
    %get3A_29 = arith.constant 0 : index
    %get3A_30 = arith.constant 0 : index
    %get3A_31 = vector.load %arg5[%get3A_29, %get3A_30] : memref<128x128xf32, #tpu.memory_space<vmem>>, vector<128x128xf32>
    %dot_general3A_32 = arith.constant dense<0.000000e+00> : vector<640x128xf32>
    %dot_general3A_33 = tpu.matmul %select_n3A, %get3A_31, %dot_general3A_32 {dimension_numbers = #tpu.dot_dimension_numbers<[1], [0], [0], [1], [0, 0, 1, 1], [], []>, transpose_lhs_hint = false} : vector<640x128xf32>, vector<128x128xf32>, vector<640x128xf32> -> vector<640x128xf32>
    %get3A_34 = arith.constant 0 : index
    %get3A_35 = arith.constant 0 : index
    %get3A_36 = vector.load %arg6[%get3A_34, %get3A_35] : memref<1x128xf32, #tpu.memory_space<vmem>>, vector<1x128xf32>
    %add3A_37 = vector.broadcast %get3A_36 : vector<1x128xf32> to vector<640x128xf32>
    %add3A_38 = arith.addf %dot_general3A_33, %add3A_37 : vector<640x128xf32>
    %swap3A = arith.constant 0 : index
    %swap3A_39 = arith.constant 0 : index
    %swap3A_40 = vector.load %arg7[%swap3A, %swap3A_39] : memref<640x128xf32, #tpu.memory_space<vmem>>, vector<640x128xf32>
    tpu.vector_store %arg7[%swap3A, %swap3A_39], %add3A_38 {strides = array<i32>} : memref<640x128xf32, #tpu.memory_space<vmem>>, vector<640x128xf32>,
    return
  }
  func.func @transform_0(%arg0: i32) -> (i32, i32, i32) {
    %c0_i32 = arith.constant 0 : i32
    %c0_i32_0 = arith.constant 0 : i32
    %c0_i32_1 = arith.constant 0 : i32
    return %c0_i32, %arg0, %c0_i32_0 : i32, i32, i32
  }
  func.func @transform_1(%arg0: i32) -> (i32, i32, i32) {
    %c0_i32 = arith.constant 0 : i32
    %c0_i32_0 = arith.constant 0 : i32
    %c0_i32_1 = arith.constant 0 : i32
    return %c0_i32, %arg0, %c0_i32_0 : i32, i32, i32
  }
  func.func @transform_2(%arg0: i32) -> (i32, i32) {
    %c0_i32 = arith.constant 0 : i32
    %c0_i32_0 = arith.constant 0 : i32
    %c0_i32_1 = arith.constant 0 : i32
    return %c0_i32, %c0_i32_0 : i32, i32
  }
  func.func @transform_3(%arg0: i32) -> (i32, i32) {
    %c0_i32 = arith.constant 0 : i32
    %c0_i32_0 = arith.constant 0 : i32
    %c0_i32_1 = arith.constant 0 : i32
    return %c0_i32, %c0_i32_0 : i32, i32
  }
  func.func @transform_4(%arg0: i32) -> (i32, i32) {
    %c0_i32 = arith.constant 0 : i32
    %c0_i32_0 = arith.constant 0 : i32
    %c0_i32_1 = arith.constant 0 : i32
    return %c0_i32, %c0_i32_0 : i32, i32
  }
  func.func @transform_5(%arg0: i32) -> (i32, i32) {
    %c0_i32 = arith.constant 0 : i32
    %c0_i32_0 = arith.constant 0 : i32
    %c0_i32_1 = arith.constant 0 : i32
    return %c0_i32, %c0_i32_0 : i32, i32
  }
  func.func @transform_6(%arg0: i32) -> (i32, i32) {
    %c0_i32 = arith.constant 0 : i32
    %c0_i32_0 = arith.constant 0 : i32
    return %arg0, %c0_i32 : i32, i32
  }
}

</mosaic_0001>

<sc_bundles>
// kernel: kernel.11.cloned.1.call-start
scs
__scs_entry_jumppad:
0x0: {  	(pc) =	sbr.rel $0x88, $3  }
0x1: {  	(tag) =	ssettag $0x0;
	lr =	simm.s32 $0x1  }
0x2: {  	[smem:$0x3F99] =	sst lr;
	_ =	strace $0xD0000000  }
0x3: {  	_ = 	snop  }
0x4: {  	_ = 	snop  }
0x5: {  	_ = 	snop  }
0x6: {  	_ = 	snop  }
0x7: {  	_ = 	snop  }
__scs_overlays_trampoline_lowered:
0x8: {  	[smem:$0x3FA8] =	sst s0  }
0x9: {  	[smem:$0x3FA9] =	sst s1  }
0xa: {  	[smem:$0x3FAA] =	sst s2  }
0xb: {  	[smem:$0x3FAB] =	sst s3  }
0xc: {  	[smem:$0x3FAC] =	sst s4  }
0xd: {  	[smem:$0x3FAD] =	sst s5  }
0xe: {  	[smem:$0x3FAE] =	sst s6  }
0xf: {  	[smem:$0x3FAF] =	sst s7  }
0x10: {  	[smem:$0x3FB0] =	sst s8  }
0x11: {  	[smem:$0x3FB1] =	sst s9;
	s0 =	simm.s32 @!p0 $0x0  }
0x12: {  	s1 =	sld [smem:$0x3F97];
	s0 =	simm.s32 @p0 $0x1  }
0x13: {  	[smem:$0x3FB2] =	sst s0;
	s0 =	simm.s32 @!p1 $0x0  }
0x14: {  	s2 =	sld [smem:$0x3F96];
	s0 =	simm.s32 @p1 $0x1  }
0x15: {  	[smem:$0x3FB3] =	sst s0;
	s0 =	simm.s32 @!p2 $0x0  }
0x16: {  	s3 =	sld [smem:$0x3FDB];
	s0 =	simm.s32 @p2 $0x1  }
0x17: {  	s4 =	simm.s32 $0x1BF5;
	[smem:$0x3FB5] =	sst s0  }
0x18: {  	s0 =	sld [smem:$0x3F98];
	_ =	swait.ge [sflag:s4], $0x0  }
0x19: {  	s7 =	sld [smem:$0x3F99]  }
0x1a: {  	s8 =	sadd.s32 $0xFFFFE003, lr  }
0x1b: {  	s9 =	sadd.s32 $0xFFFFFEF7, lr;
	s5 =	simm.s32 $0xFFFFFFFF;
	p2 =	slt.u32 s8, $0xFFFFF086  }
0x1c: {  	p1 =	slt.u32 s9, $0xF7A;
	s5 =	simm.s32 @!p2 $0x0  }
0x1d: {  	s5 =	simm.s32 @p1 $0x1;
	p0 =	seq.s32 s7, s2  }
0x1e: {  	s7 =	smul.u32 @!p0 $0xF7A, s2;
	p2 =	seq.s32 @!p0 s5, $0x0  }
0x1f: {  	s9 =	smul.u32 $0xF7A, s1;
	s8 =	simm.s32 @!p0 $0x1BF5;
	p2 =	por !p2, p0  }
0x20: {  	[sflag:s8] =	ssyncset.s32 @!p0 $0xFFFFF086;
	s6 =	sadd.s32 @!p0 s3, s7;
	s7 =	simm.s32 @!p0 $0x108  }
0x21: {  	s3 =	sadd.s32 s3, s9;
	s6 =	sadd.s32 @!p0 $0x88, s6;
	s7 =	simm.s32 @p2 $0x1082  }
0x22: {  	[simem:s7], [sflag:s8] =	dma.local @!p0 [hbm:s6], $0xF7A  }
0x23: {  	s9 =	sor.u32 $0xD0000000, s2;
	s6 =	simm.s32 $0x108;
	_ =	swait.ge @!p0 [sflag:s8], $0x0  }
0x24: {  	s3 =	sadd.s32 $0x88, s3;
	s6 =	simm.s32 @!p1 $0x1082;
	[sflag:s4] =	ssyncset.s32 $0xFFFFF086  }
0x25: {  	[simem:s6], [sflag:s4] =	dma.local [hbm:s3], $0xF7A  }
0x26: {  	[smem:$0x3F99] =	sst s1;
	(tag) =	ssettag s2;
	_ =	strace s9  }
0x27: {  	s1 =	sld [smem:$0x3FA9]  }
0x28: {  	s2 =	sld [smem:$0x3FAA]  }
0x29: {  	s4 =	sld [smem:$0x3FAC]  }
0x2a: {  	p0 =	seq.s32 s5, $0x0;
	s5 =	sld [smem:$0x3FAD]  }
0x2b: {  	s6 =	sld [smem:$0x3FAE]  }
0x2c: {  	s7 =	sld [smem:$0x3FAF]  }
0x2d: {  	s3 =	simm.s32 $0x108;
	s8 =	sld [smem:$0x3FB0]  }
0x2e: {  	s3 =	simm.s32 @!p0 $0x1082;
	s9 =	sld [smem:$0x3FB1]  }
0x2f: {  	lr =	sadd.s32 s0, s3;
	s0 =	sld [smem:$0x3FA8]  }
0x30: {  	s3 =	sld [smem:$0x3FAB]  }
0x31: {  	[smem:$0x3FB4] =	sst s10  }
0x32: {  	s10 =	sld [smem:$0x3FB2];
	_ =	sdelay $0x3  }
0x33: {  	p0 =	seq.s32 s10, $0x1;
	s10 =	sld [smem:$0x3FB4];
	_ =	sdelay $0x3  }
0x34: {  	[smem:$0x3FB4] =	sst s10  }
0x35: {  	s10 =	sld [smem:$0x3FB3];
	_ =	sdelay $0x3  }
0x36: {  	p1 =	seq.s32 s10, $0x1;
	s10 =	sld [smem:$0x3FB4];
	_ =	sdelay $0x3  }
0x37: {  	[smem:$0x3FB4] =	sst s10  }
0x38: {  	s10 =	sld [smem:$0x3FB5]  }
0x39: {  	_ = 	snop;
	(pc) =	sbr.ind lr, $3  }
0x3a: {  	_ = 	snop  }
0x3b: {  	_ = 	snop  }
0x3c: {  	p2 =	seq.s32 s10, $0x1;
	s10 =	sld [smem:$0x3FB4]  }
0x3d: {  	_ =	shalt  }
0x3e: {  	_ =	shalt  }
0x3f: {  	_ =	shalt  }
0x40: {  	_ =	shalt  }
0x41: {  	_ =	shalt  }
0x42: {  	_ =	shalt  }
0x43: {  	_ =	shalt  }
0x44: {  	_ =	shalt  }
0x45: {  	_ =	shalt  }
0x46: {  	_ =	shalt  }
0x47: {  	_ =	shalt  }
0x48: {  	_ =	shalt  }
0x49: {  	_ =	shalt  }
0x4a: {  	_ =	shalt  }
0x4b: {  	_ =	shalt  }
0x4c: {  	_ =	shalt  }
0x4d: {  	_ =	shalt  }
0x4e: {  	_ =	shalt  }
0x4f: {  	_ =	shalt  }
0x50: {  	_ =	shalt  }
0x51: {  	_ =	shalt  }
0x52: {  	_ =	shalt  }
0x53: {  	_ =	shalt  }
0x54: {  	_ =	shalt  }
0x55: {  	_ =	shalt  }
0x56: {  	_ =	shalt  }
0x57: {  	_ =	shalt  }
0x58: {  	_ =	shalt  }
0x59: {  	_ =	shalt  }
0x5a: {  	_ =	shalt  }
0x5b: {  	_ =	shalt  }
0x5c: {  	_ =	shalt  }
0x5d: {  	_ =	shalt  }
0x5e: {  	_ =	shalt  }
0x5f: {  	_ =	shalt  }
0x60: {  	_ =	shalt  }
0x61: {  	_ =	shalt  }
0x62: {  	_ =	shalt  }
0x63: {  	_ =	shalt  }
0x64: {  	_ =	shalt  }
0x65: {  	_ =	shalt  }
0x66: {  	_ =	shalt  }
0x67: {  	_ =	shalt  }
0x68: {  	_ =	shalt  }
0x69: {  	_ =	shalt  }
0x6a: {  	_ =	shalt  }
0x6b: {  	_ =	shalt  }
0x6c: {  	_ =	shalt  }
0x6d: {  	_ =	shalt  }
0x6e: {  	_ =	shalt  }
0x6f: {  	_ =	shalt  }
0x70: {  	_ =	shalt  }
0x71: {  	_ =	shalt  }
0x72: {  	_ =	shalt  }
0x73: {  	_ =	shalt  }
0x74: {  	_ =	shalt  }
0x75: {  	_ =	shalt  }
0x76: {  	_ =	shalt  }
0x77: {  	_ =	shalt  }
0x78: {  	_ =	shalt  }
0x79: {  	_ =	shalt  }
0x7a: {  	_ =	shalt  }
0x7b: {  	_ =	shalt  }
0x7c: {  	_ =	shalt  }
0x7d: {  	_ =	shalt  }
0x7e: {  	_ =	shalt  }
0x7f: {  	_ =	shalt  }
0x80: {  	_ =	shalt  }
0x81: {  	_ =	shalt  }
0x82: {  	_ =	shalt  }
0x83: {  	_ =	shalt  }
0x84: {  	_ =	shalt  }
0x85: {  	_ =	shalt  }
0x86: {  	_ =	shalt  }
0x87: {  	_ =	shalt  }
.Lfunc_end0:
.L_simem_size_0:
called_computation.1_lowered:
.L_overlay_start_0:
0x88: {  	s2 =	sld [smem:$0x3FD9]  }
0x89: {  	s3 =	sld [smem:$0x3FFE];
	_ =	sdelay $0x1  }
0x8a: {  	s1 =	srdreg.scid  }
0x8b: {  	s0 =	sand.u32 $0x1, s1  }
0x8c: {  	s17 =	sshll.u32 s0, $0xA;
	s2 =	sadd.s32 s3, s2  }
0x8d: {  	s2 =	sadd.s32 s2, s17  }
0x8e: {  	[smem:$0x3FC0] =	sst s2  }
0x8f: {  	_ = 	snop  }
0x90: {  	s2 =	sld [smem:$0x3FD0];
	(tm) =	ssettm $0x1  }
0x91: {  	s18 =	sld [smem:$0x3FFB];
	_ =	sdelay $0x3  }
0x92: {  	_ =	strace s18  }
0x93: {  	s3 =	sld [smem:$0x3FFC];
	_ =	sdelay $0x3  }
0x94: {  	_ =	strace s3  }
0x95: {  	s3 =	sld [smem:$0x3FFD];
	_ =	sdelay $0x3  }
0x96: {  	_ =	strace s3  }
0x97: {  	_ =	strace $0x8FFFFFFF  }
0x98: {  	s19 =	sld [smem:$0x3FDB];
	_ =	sdelay $0x1  }
0x99: {  	s4 =	simm.s32 $_scs_section_size  }
0x9a: {  	s5 =	simm.s32 $_size__tile_overlayer_lowered;
	s6 =	simm.s32 $_tile_overlayer_lowered  }
0x9b: {  	s22 =	simm.s32 $0x1BFF;
	s21 =	sshll.u32 s6, $0x1;
	s3 =	sadd.s32 s4, s19  }
0x9c: {  	s7 =	simm.s32 $0x0;
	s20 =	sshll.u32 s5, $0x1;
	s5 =	sadd.s32 s21, s3  }
0x9d: {  	[timem:s7], [sflag:s22] =	dma.local [hbm:s5], s20  }
0x9e: {  	_ =	swait.ge [sflag:s22], s20  }
0x9f: {  	s4 =	ssub.s32 $0x0, s20;
	[sflag:s22] =	ssyncset.done $0x0  }
0xa0: {  	[sflag:s22] =	ssyncadd.s32 s4;
	_ =	sdelay $0x1  }
0xa1: {  	s23 =	simm.s32 $0x1B8B  }
0xa2: {  	_ =	swait.ge [sflag:s23], $0x1  }
0xa3: {  	[sflag:s23] =	ssyncset.done $0x0  }
0xa4: {  	s25 =	simm.s32 $0x1B8E;
	s24 =	sld [smem:$0x3FFE];
	[sflag:s23] =	ssyncadd.s32 $0xFFFFFFFF  }
0xa5: {  	s26 =	simm.s32 $execute0_lowered;
	[smem:$0x3FD2] =	sst s25  }
0xa6: {  	s5 =	sshll.u32 s26, $0x1;
	_ =	strace $0x80000049;
	[dreg:$0x1] =	wrdreg $0xFFFFFFFF  }
0xa7: {  	s28 =	simm.s32 $_size_execute0_lowered;
	s3 =	sadd.s32 s3, s5;
	[dreg:$0x0] =	wrdreg $0x0  }
0xa8: {  	s5 =	sshll.u32 s28, $0x1;
	[dreg:$0x2] =	wrdreg s3  }
0xa9: {  	[dreg:$0x3] =	wrdreg s5  }
0xaa: {  	[dreg:$0x4] =	wrdreg $0xC0  }
0xab: {  	_ =	task [dreg:s7], $0x5FFFF  }
0xac: {  	[dreg:$0x1] =	wrdreg $0xFFFFFFFF  }
0xad: {  	[dreg:$0x0] =	wrdreg $0x60  }
0xae: {  	[dreg:$0x2] =	wrdreg s24  }
0xaf: {  	[dreg:$0x3] =	wrdreg s2  }
0xb0: {  	[dreg:$0x4] =	wrdreg $0xA8000  }
0xb1: {  	[dreg:$0x5] =	wrdreg $0x9  }
0xb2: {  	_ =	task.clear_ibuf [dreg:s7], $0x6FFFF;
	_ =	strace $0x90000049  }
0xb3: {  	s29 =	simm.s32 $0x9;
	_ =	strace $0x8000004B  }
0xb4: {  	_ =	swait.ge [sflag:s29], $0x1  }
0xb5: {  	[sflag:s29] =	ssyncadd.s32 $0xFFFFFFFF  }
0xb6: {  	_ =	strace $0x9000004B  }
0xb7: {  	_ =	sfence  }
0xb8: {  	s30 =	sld [smem:$0x0];
	_ =	sdelay $0x2  }
0xb9: {  	s31 =	sshll.u32 s1, $0xD;
	s1 =	sshrl.u32 s1, $0x2  }
0xba: {  	s3 =	sand.u32 $0x4000, s31;
	s1 =	sadd.s32 s1, s30  }
0xbb: {  	s0 =	sor.u32 s3, s0;
	s1 =	sshll.u32 s1, $0x11  }
0xbc: {  	s0 =	sor.u32 s1, s0  }
0xbd: {  	s0 =	sadd.s32 $0x8F2B, s0  }
0xbe: {  	[sflag:s0] =	ssyncadd.remote.s32 $0x1  }
0xbf: {  	_ =	sfence.sel $0xFFFF  }
0xc0: {  	[dreg:$0x0] =	wrdreg $0xFFFFFFFF;
	(pc) =	sbr.abs _section_cstart, $3  }
0xc1: {  	[dreg:$0x1] =	wrdreg $0xFFFFFFFF  }
0xc2: {  	_ =	task.clear_ibuf [dreg:s7], $0x2FFFF;
	_ =	strace $0x9FFFFFFF  }
0xc3: {  	(tm) =	ssettm $0x7FFFFFFF  }
tec
execute0_lowered:
.L_overlay_start_1:
0x0: {  	(tag) =	ssettag $0x1  }
0x1: {  	s0 =	rddreg [dreg:$0x0]  }
0x2: {  	s2 =	rddreg [dreg:$0x2];
	s1 =	srdreg.scid;
	s4 =	simm.s32 $0x0  }
0x3: {  	s9 =	stileid.u32;
	s17 =	simm.s32 $0x2800;
	s18 =	simm.s32 $0x5  }
0x4: {  	s19 =	simm.s32 $0x1400;
	s20 =	simm.s32 $0x40;
	s21 =	simm.s32 $0x4800  }
0x5: {  	s28 =	simm.s32 $0x2;
	s29 =	simm.s32 $0x3;
	s30 =	simm.s32 $0x4  }
0x6: {  	s31 =	simm.s32 $0x2700;
	s1 =	sand.u32 $0x1, s1;
	s6 =	smul.u32 $0x14000, s9  }
0x7: {  	[smem:$0x7FF] =	sst s4;
	s5 =	sadd.s32 $0x2C00, s0;
	s22 =	smul.u32 $0x50000, s9  }
0x8: {  	s7 =	sadd.s32 $0x71400, s0;
	s14 =	sadd.s32 $0x67400, s0;
	s3 =	smul.u32 $0x140000, s1  }
0x9: {  	_ =	strace $0x8000004A;
	s8 =	sshll.u32 s1, $0x4;
	s1 =	ssub.s32 $0x2, s1  }
0xa: {  	s8 =	sor.u32 s9, s8;
	s23 =	sshrl.u32 s1, $0x1;
	s3 =	sadd.s32 s6, s3  }
0xb: {  	s6 =	sshrl.u32 s22, $0x2;
	s10 =	smul.u32 $0x2800, s8;
	s1 =	ssub.s32 s1, s23  }
0xc: {  	s22 =	simm.s32 $0x80;
	s23 =	simm.s32 $0x6800;
	s3 =	sshrl.u32 s3, $0x3  }
0xd: {  	s6 =	sadd.s32 s6, s2;
	s16 =	smax.u32 s1, $0x1;
	s1 =	simm.s32 $0x0  }
0xe: {  	s0 =	sadd.s32 s3, s0;
	s24 =	sadd.s32 $0x4000, s6;
	s25 =	sadd.s32 $0x8000, s6  }
0xf: {  	s9 =	sadd.s32 $0xC000, s6;
	s26 =	sshrl.u32 s10, $0x3;
	[dreg:$0x4] =	wrdreg s24  }
0x10: {  	s10 =	sadd.s32 $0x10000, s6;
	[dreg:$0x5] =	wrdreg s25;
	s11 =	sadd.s32 s7, s26  }
0x11: {  	s15 =	sadd.s32 $0x280, s26;
	s12 =	sadd.s32 s14, s26;
	s24 =	simm.s32 $0xC0  }
0x12: {  	s25 =	simm.s32 $0x8800;
	s26 =	simm.s32 $0x1;
	s13 =	sadd.s32 s7, s15  }
0x13: {  	s14 =	sadd.s32 s14, s15;
	s15 =	sadd.s32 $0xCB400, s0;
	s0 =	simm.s32 $0x2780  }
.LBB2_1:
0x14: {  	s3 =	rddreg [dreg:$0x1]  }
0x15: {  	[tilespmem:s17], [sflag:$0x5] =	stream.linear.gather [hbm4b:s3+s4], $0x4000, $0x38;
	[tilespmem:$0x1E800] =	vst v63  }
0x16: {  	_ =	swait.ge [sflag:s18], $0x4000  }
0x17: {  	[sflag:s18] =	ssyncset.done $0x0  }
0x18: {  	[sflag:s18] =	ssyncadd.s32 $0xFFFFC000  }
0x19: {  	[spmem:s6] =	stream.linear.scatter [tilespmem:s17], [sflag:$0x5], $0x4000, $0x38;
	[tilespmem:$0x1E800] =	vst v63  }
0x1a: {  	_ =	swait.ge [sflag:s18], $0x4000  }
0x1b: {  	[sflag:s18] =	ssyncset.done $0x0  }
0x1c: {  	s8 =	rddreg [dreg:$0x4];
	[sflag:s18] =	ssyncadd.s32 $0xFFFFC000  }
0x1d: {  	[spmem:s8] =	stream.linear.scatter [tilespmem:s17], [sflag:$0x5], $0x4000, $0x38;
	[tilespmem:$0x1E800] =	vst v63  }
0x1e: {  	_ =	swait.ge [sflag:s18], $0x4000  }
0x1f: {  	[sflag:s18] =	ssyncset.done $0x0  }
0x20: {  	s7 =	rddreg [dreg:$0x5];
	[sflag:s18] =	ssyncadd.s32 $0xFFFFC000  }
0x21: {  	[spmem:s7] =	stream.linear.scatter [tilespmem:s17], [sflag:$0x5], $0x4000, $0x38;
	[tilespmem:$0x1E800] =	vst v63  }
0x22: {  	_ =	swait.ge [sflag:s18], $0x4000  }
0x23: {  	[sflag:s18] =	ssyncset.done $0x0  }
0x24: {  	[sflag:s18] =	ssyncadd.s32 $0xFFFFC000  }
0x25: {  	[spmem:s9] =	stream.linear.scatter [tilespmem:s17], [sflag:$0x5], $0x4000, $0x38;
	[tilespmem:$0x1E800] =	vst v63  }
0x26: {  	_ =	swait.ge [sflag:s18], $0x4000  }
0x27: {  	[sflag:s18] =	ssyncset.done $0x0  }
0x28: {  	[sflag:s18] =	ssyncadd.s32 $0xFFFFC000  }
0x29: {  	[spmem:s10] =	stream.linear.scatter [tilespmem:s17], [sflag:$0x5], $0x4000, $0x38;
	[tilespmem:$0x1E800] =	vst v63  }
0x2a: {  	_ =	swait.ge [sflag:s18], $0x4000  }
0x2b: {  	[sflag:s18] =	ssyncset.done $0x0  }
0x2c: {  	[sflag:s18] =	ssyncadd.s32 $0xFFFFC000  }
0x2d: {  	[bflag:$0x0] =	sbarrier.arrive $0xFFFF  }
0x2e: {  	[tilespmem:s4], [sflag:$0x5] =	stream.linear.gather [hbm4b:s11+s4], $0x1400, $0x38;
	[tilespmem:$0x1E800] =	vst v63  }
0x2f: {  	_ =	swait.ge [sflag:s18], $0x1400  }
0x30: {  	[sflag:s18] =	ssyncset.done $0x0  }
0x31: {  	[sflag:s18] =	ssyncadd.s32 $0xFFFFEC00  }
0x32: {  	[tilespmem:s19], [sflag:$0x5] =	stream.linear.gather [hbm4b:s12+s4], $0x1400, $0x38;
	[tilespmem:$0x1E800] =	vst v63  }
0x33: {  	_ =	swait.ge [sflag:s18], $0x1400  }
0x34: {  	[sflag:s18] =	ssyncset.done $0x0  }
0x35: {  	[sflag:s18] =	ssyncadd.s32 $0xFFFFEC00  }
0x36: {  	[tilespmem:s17], [sflag:$0x1] =	stream.indirect.gather [hbm4b:s5+s20], $0x80, s4, s20, $0xb8;
	[tilespmem:$0x1E800] =	vst v63  }
0x37: {  	_ = 	snop  }
0x38: {  	[tilespmem:s21], [sflag:$0x1] =	stream.indirect.gather [hbm4b:s5+s20], $0x80, s20, s20, $0xb8;
	[tilespmem:$0x1E800] =	vst v63  }
0x39: {  	_ = 	snop  }
0x3a: {  	[tilespmem:s23], [sflag:$0x2] =	stream.indirect.gather [hbm4b:s5+s20], $0x80, s22, s20, $0xb8;
	[tilespmem:$0x1E800] =	vst v63  }
0x3b: {  	_ = 	snop  }
0x3c: {  	[tilespmem:s25], [sflag:$0x2] =	stream.indirect.gather [hbm4b:s5+s20], $0x80, s24, s20, $0xb8;
	[tilespmem:$0x1E800] =	vst v63  }
0x3d: {  	_ =	swait.ge [sflag:s26], $0x2000  }
0x3e: {  	[sflag:s26] =	ssyncset.done $0x0  }
0x3f: {  	[sflag:s26] =	ssyncadd.s32 $0xFFFFE000  }
0x40: {  	_ =	swait.ge [sflag:s26], $0x2000  }
0x41: {  	[sflag:s26] =	ssyncset.done $0x0  }
0x42: {  	s8 =	simm.s32 $0x1400;
	[sflag:s26] =	ssyncadd.s32 $0xFFFFE000  }
0x43: {  	[spmem:s2] =	stream.indirect.scatter.add.f32 [tilespmem:s17], [sflag:$0x3], $0x80, s8, s22, $0xb8;
	[tilespmem:$0x1E800] =	vst v63  }
0x44: {  	_ =	swait.ge [sflag:s28], $0x2000  }
0x45: {  	[sflag:s28] =	ssyncset.done $0x0  }
0x46: {  	[sflag:s28] =	ssyncadd.s32 $0xFFFFE000  }
0x47: {  	_ =	swait.ge [sflag:s28], $0x2000  }
0x48: {  	[sflag:s28] =	ssyncset.done $0x0  }
0x49: {  	s7 =	simm.s32 $0x1480;
	[sflag:s28] =	ssyncadd.s32 $0xFFFFE000  }
0x4a: {  	[spmem:s2] =	stream.indirect.scatter.add.f32 [tilespmem:s23], [sflag:$0x4], $0x80, s7, s22, $0xb8;
	[tilespmem:$0x1E800] =	vst v63  }
0x4b: {  	_ =	swait.ge [sflag:s29], $0x4000  }
0x4c: {  	[sflag:s29] =	ssyncset.done $0x0  }
0x4d: {  	s8 =	simm.s32 $0x100;
	[sflag:s29] =	ssyncadd.s32 $0xFFFFC000  }
0x4e: {  	[tilespmem:s17], [sflag:$0x1] =	stream.indirect.gather [hbm4b:s5+s20], $0x80, s8, s20, $0xb8;
	[tilespmem:$0x1E800] =	vst v63  }
0x4f: {  	s7 =	simm.s32 $0x140  }
0x50: {  	[tilespmem:s21], [sflag:$0x1] =	stream.indirect.gather [hbm4b:s5+s20], $0x80, s7, s20, $0xb8;
	[tilespmem:$0x1E800] =	vst v63  }
0x51: {  	_ =	swait.ge [sflag:s30], $0x4000  }
0x52: {  	s3 =	simm.s32 $0x400;
	[sflag:s30] =	ssyncset.done $0x0  }
0x53: {  	s8 =	simm.s32 $0x180;
	s7 =	simm.s32 $0x1C0;
	[sflag:s30] =	ssyncadd.s32 $0xFFFFC000  }
0x54: {  	[tilespmem:s23], [sflag:$0x2] =	stream.indirect.gather [hbm4b:s5+s20], $0x80, s8, s20, $0xb8;
	[tilespmem:$0x1E800] =	vst v63  }
.LBB2_2:
0x55: {  	[tilespmem:s25], [sflag:$0x2] =	stream.indirect.gather [hbm4b:s5+s20], $0x80, s7, s20, $0xb8;
	[tilespmem:$0x1E800] =	vst v63  }
0x56: {  	s7 =	smov.u32 s3  }
0x57: {  	p0 =	sne.s32 s3, $0x4800;
	s3 =	sadd.s32 $0x400, s3;
	_ =	swait.ge [sflag:s26], $0x2000  }
0x58: {  	[sflag:s26] =	ssyncset.done $0x0  }
0x59: {  	[sflag:s26] =	ssyncadd.s32 $0xFFFFE000  }
0x5a: {  	_ =	swait.ge [sflag:s26], $0x2000  }
0x5b: {  	s7 =	sshra.s32 s7, $0x2;
	[sflag:s26] =	ssyncset.done $0x0  }
0x5c: {  	s8 =	sadd.s32 $0x1400, s7;
	[sflag:s26] =	ssyncadd.s32 $0xFFFFE000  }
0x5d: {  	[spmem:s2] =	stream.indirect.scatter.add.f32 [tilespmem:s17], [sflag:$0x3], $0x80, s8, s22, $0xb8;
	[tilespmem:$0x1E800] =	vst v63  }
0x5e: {  	_ =	swait.ge [sflag:s28], $0x2000  }
0x5f: {  	[sflag:s28] =	ssyncset.done $0x0  }
0x60: {  	[sflag:s28] =	ssyncadd.s32 $0xFFFFE000  }
0x61: {  	_ =	swait.ge [sflag:s28], $0x2000  }
0x62: {  	[sflag:s28] =	ssyncset.done $0x0  }
0x63: {  	s8 =	sadd.s32 $0x1480, s7;
	[sflag:s28] =	ssyncadd.s32 $0xFFFFE000  }
0x64: {  	[spmem:s2] =	stream.indirect.scatter.add.f32 [tilespmem:s23], [sflag:$0x4], $0x80, s8, s22, $0xb8;
	[tilespmem:$0x1E800] =	vst v63  }
0x65: {  	_ =	swait.ge [sflag:s29], $0x4000  }
0x66: {  	[sflag:s29] =	ssyncset.done $0x0  }
0x67: {  	s8 =	sadd.s32 $0x100, s7;
	[sflag:s29] =	ssyncadd.s32 $0xFFFFC000  }
0x68: {  	[tilespmem:s17], [sflag:$0x1] =	stream.indirect.gather [hbm4b:s5+s20], $0x80, s8, s20, $0xb8;
	[tilespmem:$0x1E800] =	vst v63  }
0x69: {  	s8 =	sadd.s32 $0x140, s7  }
0x6a: {  	[tilespmem:s21], [sflag:$0x1] =	stream.indirect.gather [hbm4b:s5+s20], $0x80, s8, s20, $0xb8;
	[tilespmem:$0x1E800] =	vst v63  }
.Ltmp0:
0x6b: {  	_ =	swait.ge [sflag:s30], $0x4000;
	(pc) =	sbr.rel @p0 .LBB2_2-.Ltmp0, $4  }
0x6c: {  	[sflag:s30] =	ssyncset.done $0x0  }
0x6d: {  	s8 =	sadd.s32 $0x180, s7;
	[sflag:s30] =	ssyncadd.s32 $0xFFFFC000  }
0x6e: {  	[tilespmem:s23], [sflag:$0x2] =	stream.indirect.gather [hbm4b:s5+s20], $0x80, s8, s20, $0xb8;
	[tilespmem:$0x1E800] =	vst v63  }
0x6f: {  	s7 =	sadd.s32 $0x1C0, s7  }
0x70: {  	[tilespmem:s25], [sflag:$0x2] =	stream.indirect.gather [hbm4b:s5+s20], $0x80, s7, s20, $0xb8;
	[tilespmem:$0x1E800] =	vst v63  }
0x71: {  	_ =	swait.ge [sflag:s26], $0x2000  }
0x72: {  	[sflag:s26] =	ssyncset.done $0x0  }
0x73: {  	[sflag:s26] =	ssyncadd.s32 $0xFFFFE000  }
0x74: {  	_ =	swait.ge [sflag:s26], $0x2000  }
0x75: {  	[sflag:s26] =	ssyncset.done $0x0  }
0x76: {  	[sflag:s26] =	ssyncadd.s32 $0xFFFFE000  }
0x77: {  	[spmem:s2] =	stream.indirect.scatter.add.f32 [tilespmem:s17], [sflag:$0x3], $0x80, s31, s22, $0xb8;
	[tilespmem:$0x1E800] =	vst v63  }
0x78: {  	_ =	swait.ge [sflag:s28], $0x2000  }
0x79: {  	[sflag:s28] =	ssyncset.done $0x0  }
0x7a: {  	[sflag:s28] =	ssyncadd.s32 $0xFFFFE000  }
0x7b: {  	_ =	swait.ge [sflag:s28], $0x2000  }
0x7c: {  	[sflag:s28] =	ssyncset.done $0x0  }
0x7d: {  	[sflag:s28] =	ssyncadd.s32 $0xFFFFE000  }
0x7e: {  	[spmem:s2] =	stream.indirect.scatter.add.f32 [tilespmem:s23], [sflag:$0x4], $0x80, s0, s22, $0xb8;
	[tilespmem:$0x1E800] =	vst v63  }
0x7f: {  	_ =	swait.ge [sflag:s29], $0x4000  }
0x80: {  	[sflag:s29] =	ssyncset.done $0x0  }
0x81: {  	[sflag:s29] =	ssyncadd.s32 $0xFFFFC000  }
0x82: {  	_ =	swait.ge [sflag:s30], $0x4000  }
0x83: {  	[sflag:s30] =	ssyncset.done $0x0  }
0x84: {  	s3 =	simm.s32 $0x0;
	[sflag:s30] =	ssyncadd.s32 $0xFFFFC000  }
0x85: {  	[tilespmem:s3], [sflag:$0x5] =	stream.linear.gather [hbm4b:s13+s3], $0x1400, $0x38;
	[tilespmem:$0x1E800] =	vst v63  }
0x86: {  	_ =	swait.ge [sflag:s18], $0x1400  }
0x87: {  	[sflag:s18] =	ssyncset.done $0x0  }
0x88: {  	[sflag:s18] =	ssyncadd.s32 $0xFFFFEC00  }
0x89: {  	[tilespmem:s19], [sflag:$0x5] =	stream.linear.gather [hbm4b:s14+s3], $0x1400, $0x38;
	[tilespmem:$0x1E800] =	vst v63  }
0x8a: {  	_ =	swait.ge [sflag:s18], $0x1400  }
0x8b: {  	[sflag:s18] =	ssyncset.done $0x0  }
0x8c: {  	[sflag:s18] =	ssyncadd.s32 $0xFFFFEC00  }
0x8d: {  	[tilespmem:s17], [sflag:$0x1] =	stream.indirect.gather [hbm4b:s5+s20], $0x80, s3, s20, $0xb8;
	[tilespmem:$0x1E800] =	vst v63  }
0x8e: {  	_ = 	snop  }
0x8f: {  	[tilespmem:s21], [sflag:$0x1] =	stream.indirect.gather [hbm4b:s5+s20], $0x80, s20, s20, $0xb8;
	[tilespmem:$0x1E800] =	vst v63  }
0x90: {  	_ = 	snop  }
0x91: {  	[tilespmem:s23], [sflag:$0x2] =	stream.indirect.gather [hbm4b:s5+s20], $0x80, s22, s20, $0xb8;
	[tilespmem:$0x1E800] =	vst v63  }
0x92: {  	_ = 	snop  }
0x93: {  	[tilespmem:s25], [sflag:$0x2] =	stream.indirect.gather [hbm4b:s5+s20], $0x80, s24, s20, $0xb8;
	[tilespmem:$0x1E800] =	vst v63  }
0x94: {  	_ =	swait.ge [sflag:s26], $0x2000  }
0x95: {  	[sflag:s26] =	ssyncset.done $0x0  }
0x96: {  	[sflag:s26] =	ssyncadd.s32 $0xFFFFE000  }
0x97: {  	_ =	swait.ge [sflag:s26], $0x2000  }
0x98: {  	[sflag:s26] =	ssyncset.done $0x0  }
0x99: {  	s8 =	simm.s32 $0x1400;
	[sflag:s26] =	ssyncadd.s32 $0xFFFFE000  }
0x9a: {  	[spmem:s2] =	stream.indirect.scatter.add.f32 [tilespmem:s17], [sflag:$0x3], $0x80, s8, s22, $0xb8;
	[tilespmem:$0x1E800] =	vst v63  }
0x9b: {  	_ =	swait.ge [sflag:s28], $0x2000  }
0x9c: {  	[sflag:s28] =	ssyncset.done $0x0  }
0x9d: {  	[sflag:s28] =	ssyncadd.s32 $0xFFFFE000  }
0x9e: {  	_ =	swait.ge [sflag:s28], $0x2000  }
0x9f: {  	[sflag:s28] =	ssyncset.done $0x0  }
0xa0: {  	s7 =	simm.s32 $0x1480;
	[sflag:s28] =	ssyncadd.s32 $0xFFFFE000  }
0xa1: {  	[spmem:s2] =	stream.indirect.scatter.add.f32 [tilespmem:s23], [sflag:$0x4], $0x80, s7, s22, $0xb8;
	[tilespmem:$0x1E800] =	vst v63  }
0xa2: {  	_ =	swait.ge [sflag:s29], $0x4000  }
0xa3: {  	[sflag:s29] =	ssyncset.done $0x0  }
0xa4: {  	s8 =	simm.s32 $0x100;
	[sflag:s29] =	ssyncadd.s32 $0xFFFFC000  }
0xa5: {  	[tilespmem:s17], [sflag:$0x1] =	stream.indirect.gather [hbm4b:s5+s20], $0x80, s8, s20, $0xb8;
	[tilespmem:$0x1E800] =	vst v63  }
0xa6: {  	s7 =	simm.s32 $0x140  }
0xa7: {  	[tilespmem:s21], [sflag:$0x1] =	stream.indirect.gather [hbm4b:s5+s20], $0x80, s7, s20, $0xb8;
	[tilespmem:$0x1E800] =	vst v63  }
0xa8: {  	_ =	swait.ge [sflag:s30], $0x4000  }
0xa9: {  	s3 =	simm.s32 $0x400;
	[sflag:s30] =	ssyncset.done $0x0  }
0xaa: {  	s8 =	simm.s32 $0x180;
	s7 =	simm.s32 $0x1C0;
	[sflag:s30] =	ssyncadd.s32 $0xFFFFC000  }
0xab: {  	[tilespmem:s23], [sflag:$0x2] =	stream.indirect.gather [hbm4b:s5+s20], $0x80, s8, s20, $0xb8;
	[tilespmem:$0x1E800] =	vst v63  }
.LBB2_4:
0xac: {  	[tilespmem:s25], [sflag:$0x2] =	stream.indirect.gather [hbm4b:s5+s20], $0x80, s7, s20, $0xb8;
	[tilespmem:$0x1E800] =	vst v63  }
0xad: {  	s7 =	smov.u32 s3  }
0xae: {  	p0 =	sne.s32 s3, $0x4800;
	s3 =	sadd.s32 $0x400, s3;
	_ =	swait.ge [sflag:s26], $0x2000  }
0xaf: {  	[sflag:s26] =	ssyncset.done $0x0  }
0xb0: {  	[sflag:s26] =	ssyncadd.s32 $0xFFFFE000  }
0xb1: {  	_ =	swait.ge [sflag:s26], $0x2000  }
0xb2: {  	s7 =	sshra.s32 s7, $0x2;
	[sflag:s26] =	ssyncset.done $0x0  }
0xb3: {  	s8 =	sadd.s32 $0x1400, s7;
	[sflag:s26] =	ssyncadd.s32 $0xFFFFE000  }
0xb4: {  	[spmem:s2] =	stream.indirect.scatter.add.f32 [tilespmem:s17], [sflag:$0x3], $0x80, s8, s22, $0xb8;
	[tilespmem:$0x1E800] =	vst v63  }
0xb5: {  	_ =	swait.ge [sflag:s28], $0x2000  }
0xb6: {  	[sflag:s28] =	ssyncset.done $0x0  }
0xb7: {  	[sflag:s28] =	ssyncadd.s32 $0xFFFFE000  }
0xb8: {  	_ =	swait.ge [sflag:s28], $0x2000  }
0xb9: {  	[sflag:s28] =	ssyncset.done $0x0  }
0xba: {  	s8 =	sadd.s32 $0x1480, s7;
	[sflag:s28] =	ssyncadd.s32 $0xFFFFE000  }
0xbb: {  	[spmem:s2] =	stream.indirect.scatter.add.f32 [tilespmem:s23], [sflag:$0x4], $0x80, s8, s22, $0xb8;
	[tilespmem:$0x1E800] =	vst v63  }
0xbc: {  	_ =	swait.ge [sflag:s29], $0x4000  }
0xbd: {  	[sflag:s29] =	ssyncset.done $0x0  }
0xbe: {  	s8 =	sadd.s32 $0x100, s7;
	[sflag:s29] =	ssyncadd.s32 $0xFFFFC000  }
0xbf: {  	[tilespmem:s17], [sflag:$0x1] =	stream.indirect.gather [hbm4b:s5+s20], $0x80, s8, s20, $0xb8;
	[tilespmem:$0x1E800] =	vst v63  }
0xc0: {  	s8 =	sadd.s32 $0x140, s7  }
0xc1: {  	[tilespmem:s21], [sflag:$0x1] =	stream.indirect.gather [hbm4b:s5+s20], $0x80, s8, s20, $0xb8;
	[tilespmem:$0x1E800] =	vst v63  }
.Ltmp1:
0xc2: {  	_ =	swait.ge [sflag:s30], $0x4000;
	(pc) =	sbr.rel @p0 .LBB2_4-.Ltmp1, $4  }
0xc3: {  	[sflag:s30] =	ssyncset.done $0x0  }
0xc4: {  	s8 =	sadd.s32 $0x180, s7;
	[sflag:s30] =	ssyncadd.s32 $0xFFFFC000  }
0xc5: {  	[tilespmem:s23], [sflag:$0x2] =	stream.indirect.gather [hbm4b:s5+s20], $0x80, s8, s20, $0xb8;
	[tilespmem:$0x1E800] =	vst v63  }
0xc6: {  	s7 =	sadd.s32 $0x1C0, s7  }
0xc7: {  	[tilespmem:s25], [sflag:$0x2] =	stream.indirect.gather [hbm4b:s5+s20], $0x80, s7, s20, $0xb8;
	[tilespmem:$0x1E800] =	vst v63  }
0xc8: {  	_ =	swait.ge [sflag:s26], $0x2000  }
0xc9: {  	[sflag:s26] =	ssyncset.done $0x0  }
0xca: {  	[sflag:s26] =	ssyncadd.s32 $0xFFFFE000  }
0xcb: {  	_ =	swait.ge [sflag:s26], $0x2000  }
0xcc: {  	[sflag:s26] =	ssyncset.done $0x0  }
0xcd: {  	[sflag:s26] =	ssyncadd.s32 $0xFFFFE000  }
0xce: {  	[spmem:s2] =	stream.indirect.scatter.add.f32 [tilespmem:s17], [sflag:$0x3], $0x80, s31, s22, $0xb8;
	[tilespmem:$0x1E800] =	vst v63  }
0xcf: {  	_ =	swait.ge [sflag:s28], $0x2000  }
0xd0: {  	[sflag:s28] =	ssyncset.done $0x0  }
0xd1: {  	[sflag:s28] =	ssyncadd.s32 $0xFFFFE000  }
0xd2: {  	_ =	swait.ge [sflag:s28], $0x2000  }
0xd3: {  	[sflag:s28] =	ssyncset.done $0x0  }
0xd4: {  	[sflag:s28] =	ssyncadd.s32 $0xFFFFE000  }
0xd5: {  	[spmem:s2] =	stream.indirect.scatter.add.f32 [tilespmem:s23], [sflag:$0x4], $0x80, s0, s22, $0xb8;
	[tilespmem:$0x1E800] =	vst v63  }
0xd6: {  	_ =	swait.ge [sflag:s29], $0x4000  }
0xd7: {  	[sflag:s29] =	ssyncset.done $0x0  }
0xd8: {  	[sflag:s29] =	ssyncadd.s32 $0xFFFFC000  }
0xd9: {  	s3 =	stileid.u32;
	_ =	swait.ge [sflag:s30], $0x4000  }
0xda: {  	s8 =	sshrl.u32 s6, $0x3;
	s1 =	sadd.s32 $0x1, s1;
	[sflag:s30] =	ssyncset.done $0x0  }
0xdb: {  	s3 =	sshll.u32 s3, $0x6;
	p0 =	sne.s32 s1, s16;
	[sflag:s30] =	ssyncadd.s32 $0xFFFFC000  }
.Ltmp2:
0xdc: {  	s3 =	sor.u32 $0x1C05, s3;
	[bflag:$0x0] =	sbarrier.arrive $0xFFFF;
	(pc) =	sbr.rel @p0 .LBB2_1-.Ltmp2, $4  }
0xdd: {  	[hbm:s15], [sflag:s3] =	dma.local [spmem:s8], $0x2800  }
0xde: {  	_ =	swait.ge [sflag:s18], $0x2800  }
0xdf: {  	[sflag:s18] =	ssyncset.done $0x0  }
0xe0: {  	[sflag:s18] =	ssyncadd.s32 $0xFFFFD800  }
0xe1: {  	_ =	sfence.sel $0x180000  }
0xe2: {  	[bflag:$0x0] =	sbarrier.arrive $0xFFFF  }
0xe3: {  	_ =	strace $0x9000004A  }
0xe4: {  	s0 =	stileid.u32;
	[bflag:$0x2] =	sbarrier.arrive $0xFFFF  }
0xe5: {  	p0 =	sne.s32 s0, $0x0;
	s0 =	rddreg [dreg:$0x3]  }
0xe6: {  	s0 =	sadd.s32 @!p0 $0x100000, s0  }
0xe7: {  	[sflag:s0] =	ssyncadd.tile.s32 @!p0 $0x1;
	_ =	shalt  }
.Lfunc_end2:
_tile_overlayer_lowered:
.L_overlay_start_2:
0xe8: {  	(tag) =	ssettag $0x2  }
0xe9: {  	s0 =	rddreg [dreg:$0x0];
	s2 =	stileid.u32  }
0xea: {  	s1 =	rddreg [dreg:$0x1];
	p0 =	sne.s32 s2, $0x0  }
0xeb: {  	s3 =	rddreg [dreg:$0x2];
	[bflag:$0x3] =	sbarrier.arrive $0xFFFF;
	s2 =	simm.s32 @!p0 $0x1C05  }
0xec: {  	[timem:s3], [sflag:s2] =	dma.local @!p0 [hbm:s0], s1  }
0xed: {  	s0 =	simm.s32 @!p0 $0x5  }
0xee: {  	_ =	swait.ge @!p0 [sflag:s0], s1  }
0xef: {  	s1 =	ssub.s32 @!p0 $0x0, s1;
	[sflag:s0] =	ssyncset.done @!p0 $0x0  }
0xf0: {  	[sflag:s0] =	ssyncadd.s32 @!p0 s1  }
0xf1: {  	[bflag:$0x3] =	sbarrier.arrive $0xFFFF  }
0xf2: {  	_ =	shalt  }

// kernel: kernel.14.cloned.1.call-start
scs
__scs_entry_jumppad:
0x0: {  	(pc) =	sbr.rel $0x88, $3  }
0x1: {  	(tag) =	ssettag $0x0;
	lr =	simm.s32 $0x1  }
0x2: {  	[smem:$0x3F99] =	sst lr;
	_ =	strace $0xD0000000  }
0x3: {  	_ = 	snop  }
0x4: {  	_ = 	snop  }
0x5: {  	_ = 	snop  }
0x6: {  	_ = 	snop  }
0x7: {  	_ = 	snop  }
__scs_overlays_trampoline_lowered:
0x8: {  	[smem:$0x3FA8] =	sst s0  }
0x9: {  	[smem:$0x3FA9] =	sst s1  }
0xa: {  	[smem:$0x3FAA] =	sst s2  }
0xb: {  	[smem:$0x3FAB] =	sst s3  }
0xc: {  	[smem:$0x3FAC] =	sst s4  }
0xd: {  	[smem:$0x3FAD] =	sst s5  }
0xe: {  	[smem:$0x3FAE] =	sst s6  }
0xf: {  	[smem:$0x3FAF] =	sst s7  }
0x10: {  	[smem:$0x3FB0] =	sst s8  }
0x11: {  	[smem:$0x3FB1] =	sst s9;
	s0 =	simm.s32 @!p0 $0x0  }
0x12: {  	s1 =	sld [smem:$0x3F97];
	s0 =	simm.s32 @p0 $0x1  }
0x13: {  	[smem:$0x3FB2] =	sst s0;
	s0 =	simm.s32 @!p1 $0x0  }
0x14: {  	s2 =	sld [smem:$0x3F96];
	s0 =	simm.s32 @p1 $0x1  }
0x15: {  	[smem:$0x3FB3] =	sst s0;
	s0 =	simm.s32 @!p2 $0x0  }
0x16: {  	s3 =	sld [smem:$0x3FDB];
	s0 =	simm.s32 @p2 $0x1  }
0x17: {  	s4 =	simm.s32 $0x1BF5;
	[smem:$0x3FB5] =	sst s0  }
0x18: {  	s0 =	sld [smem:$0x3F98];
	_ =	swait.ge [sflag:s4], $0x0  }
0x19: {  	s7 =	sld [smem:$0x3F99]  }
0x1a: {  	s8 =	sadd.s32 $0xFFFFE003, lr  }
0x1b: {  	s9 =	sadd.s32 $0xFFFFFEF7, lr;
	s5 =	simm.s32 $0xFFFFFFFF;
	p2 =	slt.u32 s8, $0xFFFFF086  }
0x1c: {  	p1 =	slt.u32 s9, $0xF7A;
	s5 =	simm.s32 @!p2 $0x0  }
0x1d: {  	s5 =	simm.s32 @p1 $0x1;
	p0 =	seq.s32 s7, s2  }
0x1e: {  	s7 =	smul.u32 @!p0 $0xF7A, s2;
	p2 =	seq.s32 @!p0 s5, $0x0  }
0x1f: {  	s9 =	smul.u32 $0xF7A, s1;
	s8 =	simm.s32 @!p0 $0x1BF5;
	p2 =	por !p2, p0  }
0x20: {  	[sflag:s8] =	ssyncset.s32 @!p0 $0xFFFFF086;
	s6 =	sadd.s32 @!p0 s3, s7;
	s7 =	simm.s32 @!p0 $0x108  }
0x21: {  	s3 =	sadd.s32 s3, s9;
	s6 =	sadd.s32 @!p0 $0x88, s6;
	s7 =	simm.s32 @p2 $0x1082  }
0x22: {  	[simem:s7], [sflag:s8] =	dma.local @!p0 [hbm:s6], $0xF7A  }
0x23: {  	s9 =	sor.u32 $0xD0000000, s2;
	s6 =	simm.s32 $0x108;
	_ =	swait.ge @!p0 [sflag:s8], $0x0  }
0x24: {  	s3 =	sadd.s32 $0x88, s3;
	s6 =	simm.s32 @!p1 $0x1082;
	[sflag:s4] =	ssyncset.s32 $0xFFFFF086  }
0x25: {  	[simem:s6], [sflag:s4] =	dma.local [hbm:s3], $0xF7A  }
0x26: {  	[smem:$0x3F99] =	sst s1;
	(tag) =	ssettag s2;
	_ =	strace s9  }
0x27: {  	s1 =	sld [smem:$0x3FA9]  }
0x28: {  	s2 =	sld [smem:$0x3FAA]  }
0x29: {  	s4 =	sld [smem:$0x3FAC]  }
0x2a: {  	p0 =	seq.s32 s5, $0x0;
	s5 =	sld [smem:$0x3FAD]  }
0x2b: {  	s6 =	sld [smem:$0x3FAE]  }
0x2c: {  	s7 =	sld [smem:$0x3FAF]  }
0x2d: {  	s3 =	simm.s32 $0x108;
	s8 =	sld [smem:$0x3FB0]  }
0x2e: {  	s3 =	simm.s32 @!p0 $0x1082;
	s9 =	sld [smem:$0x3FB1]  }
0x2f: {  	lr =	sadd.s32 s0, s3;
	s0 =	sld [smem:$0x3FA8]  }
0x30: {  	s3 =	sld [smem:$0x3FAB]  }
0x31: {  	[smem:$0x3FB4] =	sst s10  }
0x32: {  	s10 =	sld [smem:$0x3FB2];
	_ =	sdelay $0x3  }
0x33: {  	p0 =	seq.s32 s10, $0x1;
	s10 =	sld [smem:$0x3FB4];
	_ =	sdelay $0x3  }
0x34: {  	[smem:$0x3FB4] =	sst s10  }
0x35: {  	s10 =	sld [smem:$0x3FB3];
	_ =	sdelay $0x3  }
0x36: {  	p1 =	seq.s32 s10, $0x1;
	s10 =	sld [smem:$0x3FB4];
	_ =	sdelay $0x3  }
0x37: {  	[smem:$0x3FB4] =	sst s10  }
0x38: {  	s10 =	sld [smem:$0x3FB5]  }
0x39: {  	_ = 	snop;
	(pc) =	sbr.ind lr, $3  }
0x3a: {  	_ = 	snop  }
0x3b: {  	_ = 	snop  }
0x3c: {  	p2 =	seq.s32 s10, $0x1;
	s10 =	sld [smem:$0x3FB4]  }
0x3d: {  	_ =	shalt  }
0x3e: {  	_ =	shalt  }
0x3f: {  	_ =	shalt  }
0x40: {  	_ =	shalt  }
0x41: {  	_ =	shalt  }
0x42: {  	_ =	shalt  }
0x43: {  	_ =	shalt  }
0x44: {  	_ =	shalt  }
0x45: {  	_ =	shalt  }
0x46: {  	_ =	shalt  }
0x47: {  	_ =	shalt  }
0x48: {  	_ =	shalt  }
0x49: {  	_ =	shalt  }
0x4a: {  	_ =	shalt  }
0x4b: {  	_ =	shalt  }
0x4c: {  	_ =	shalt  }
0x4d: {  	_ =	shalt  }
0x4e: {  	_ =	shalt  }
0x4f: {  	_ =	shalt  }
0x50: {  	_ =	shalt  }
0x51: {  	_ =	shalt  }
0x52: {  	_ =	shalt  }
0x53: {  	_ =	shalt  }
0x54: {  	_ =	shalt  }
0x55: {  	_ =	shalt  }
0x56: {  	_ =	shalt  }
0x57: {  	_ =	shalt  }
0x58: {  	_ =	shalt  }
0x59: {  	_ =	shalt  }
0x5a: {  	_ =	shalt  }
0x5b: {  	_ =	shalt  }
0x5c: {  	_ =	shalt  }
0x5d: {  	_ =	shalt  }
0x5e: {  	_ =	shalt  }
0x5f: {  	_ =	shalt  }
0x60: {  	_ =	shalt  }
0x61: {  	_ =	shalt  }
0x62: {  	_ =	shalt  }
0x63: {  	_ =	shalt  }
0x64: {  	_ =	shalt  }
0x65: {  	_ =	shalt  }
0x66: {  	_ =	shalt  }
0x67: {  	_ =	shalt  }
0x68: {  	_ =	shalt  }
0x69: {  	_ =	shalt  }
0x6a: {  	_ =	shalt  }
0x6b: {  	_ =	shalt  }
0x6c: {  	_ =	shalt  }
0x6d: {  	_ =	shalt  }
0x6e: {  	_ =	shalt  }
0x6f: {  	_ =	shalt  }
0x70: {  	_ =	shalt  }
0x71: {  	_ =	shalt  }
0x72: {  	_ =	shalt  }
0x73: {  	_ =	shalt  }
0x74: {  	_ =	shalt  }
0x75: {  	_ =	shalt  }
0x76: {  	_ =	shalt  }
0x77: {  	_ =	shalt  }
0x78: {  	_ =	shalt  }
0x79: {  	_ =	shalt  }
0x7a: {  	_ =	shalt  }
0x7b: {  	_ =	shalt  }
0x7c: {  	_ =	shalt  }
0x7d: {  	_ =	shalt  }
0x7e: {  	_ =	shalt  }
0x7f: {  	_ =	shalt  }
0x80: {  	_ =	shalt  }
0x81: {  	_ =	shalt  }
0x82: {  	_ =	shalt  }
0x83: {  	_ =	shalt  }
0x84: {  	_ =	shalt  }
0x85: {  	_ =	shalt  }
0x86: {  	_ =	shalt  }
0x87: {  	_ =	shalt  }
.Lfunc_end0:
.L_simem_size_0:
called_computation.2_lowered:
.L_overlay_start_0:
0x88: {  	s2 =	sld [smem:$0x3FD9]  }
0x89: {  	s3 =	sld [smem:$0x3FFE];
	_ =	sdelay $0x1  }
0x8a: {  	s1 =	srdreg.scid  }
0x8b: {  	s0 =	sand.u32 $0x1, s1  }
0x8c: {  	s17 =	sshll.u32 s0, $0xA;
	s2 =	sadd.s32 s3, s2  }
0x8d: {  	s2 =	sadd.s32 s2, s17  }
0x8e: {  	[smem:$0x3FC0] =	sst s2  }
0x8f: {  	_ = 	snop  }
0x90: {  	s2 =	sld [smem:$0x3FD0];
	(tm) =	ssettm $0x1  }
0x91: {  	s18 =	sld [smem:$0x3FFB];
	_ =	sdelay $0x3  }
0x92: {  	_ =	strace s18  }
0x93: {  	s3 =	sld [smem:$0x3FFC];
	_ =	sdelay $0x3  }
0x94: {  	_ =	strace s3  }
0x95: {  	s3 =	sld [smem:$0x3FFD];
	_ =	sdelay $0x3  }
0x96: {  	_ =	strace s3  }
0x97: {  	_ =	strace $0x8FFFFFFF  }
0x98: {  	s19 =	sld [smem:$0x3FDB];
	_ =	sdelay $0x1  }
0x99: {  	s4 =	simm.s32 $_scs_section_size  }
0x9a: {  	s5 =	simm.s32 $_size__tile_overlayer_lowered;
	s6 =	simm.s32 $_tile_overlayer_lowered  }
0x9b: {  	s22 =	simm.s32 $0x1BFF;
	s21 =	sshll.u32 s6, $0x1;
	s3 =	sadd.s32 s4, s19  }
0x9c: {  	s7 =	simm.s32 $0x0;
	s20 =	sshll.u32 s5, $0x1;
	s5 =	sadd.s32 s21, s3  }
0x9d: {  	[timem:s7], [sflag:s22] =	dma.local [hbm:s5], s20  }
0x9e: {  	_ =	swait.ge [sflag:s22], s20  }
0x9f: {  	s4 =	ssub.s32 $0x0, s20;
	[sflag:s22] =	ssyncset.done $0x0  }
0xa0: {  	[sflag:s22] =	ssyncadd.s32 s4;
	_ =	sdelay $0x1  }
0xa1: {  	s23 =	simm.s32 $0x1B8B  }
0xa2: {  	_ =	swait.ge [sflag:s23], $0x1  }
0xa3: {  	[sflag:s23] =	ssyncset.done $0x0  }
0xa4: {  	s25 =	simm.s32 $0x1B8E;
	s24 =	sld [smem:$0x3FFE];
	[sflag:s23] =	ssyncadd.s32 $0xFFFFFFFF  }
0xa5: {  	s26 =	simm.s32 $execute0_lowered;
	[smem:$0x3FD2] =	sst s25  }
0xa6: {  	s5 =	sshll.u32 s26, $0x1;
	_ =	strace $0x8000004C;
	[dreg:$0x1] =	wrdreg $0xFFFFFFFF  }
0xa7: {  	s28 =	simm.s32 $_size_execute0_lowered;
	s3 =	sadd.s32 s3, s5;
	[dreg:$0x0] =	wrdreg $0x0  }
0xa8: {  	s5 =	sshll.u32 s28, $0x1;
	[dreg:$0x2] =	wrdreg s3  }
0xa9: {  	[dreg:$0x3] =	wrdreg s5  }
0xaa: {  	[dreg:$0x4] =	wrdreg $0xC0  }
0xab: {  	_ =	task [dreg:s7], $0x5FFFF  }
0xac: {  	[dreg:$0x1] =	wrdreg $0xFFFFFFFF  }
0xad: {  	[dreg:$0x0] =	wrdreg $0x60  }
0xae: {  	[dreg:$0x2] =	wrdreg s24  }
0xaf: {  	[dreg:$0x3] =	wrdreg s2  }
0xb0: {  	[dreg:$0x4] =	wrdreg $0xA8000  }
0xb1: {  	[dreg:$0x5] =	wrdreg $0x9  }
0xb2: {  	_ =	task.clear_ibuf [dreg:s7], $0x6FFFF;
	_ =	strace $0x9000004C  }
0xb3: {  	s29 =	simm.s32 $0x9;
	_ =	strace $0x8000004E  }
0xb4: {  	_ =	swait.ge [sflag:s29], $0x1  }
0xb5: {  	[sflag:s29] =	ssyncadd.s32 $0xFFFFFFFF  }
0xb6: {  	_ =	strace $0x9000004E  }
0xb7: {  	_ =	sfence  }
0xb8: {  	s30 =	sld [smem:$0x0];
	_ =	sdelay $0x2  }
0xb9: {  	s31 =	sshll.u32 s1, $0xD;
	s1 =	sshrl.u32 s1, $0x2  }
0xba: {  	s3 =	sand.u32 $0x4000, s31;
	s1 =	sadd.s32 s1, s30  }
0xbb: {  	s0 =	sor.u32 s3, s0;
	s1 =	sshll.u32 s1, $0x11  }
0xbc: {  	s0 =	sor.u32 s1, s0  }
0xbd: {  	s0 =	sadd.s32 $0x8F2B, s0  }
0xbe: {  	[sflag:s0] =	ssyncadd.remote.s32 $0x1  }
0xbf: {  	_ =	sfence.sel $0xFFFF  }
0xc0: {  	[dreg:$0x0] =	wrdreg $0xFFFFFFFF;
	(pc) =	sbr.abs _section_cstart, $3  }
0xc1: {  	[dreg:$0x1] =	wrdreg $0xFFFFFFFF  }
0xc2: {  	_ =	task.clear_ibuf [dreg:s7], $0x2FFFF;
	_ =	strace $0x9FFFFFFF  }
0xc3: {  	(tm) =	ssettm $0x7FFFFFFF  }
tec
execute0_lowered:
.L_overlay_start_1:
0x0: {  	(tag) =	ssettag $0x1  }
0x1: {  	s0 =	rddreg [dreg:$0x0]  }
0x2: {  	s2 =	rddreg [dreg:$0x2];
	s1 =	srdreg.scid;
	s4 =	simm.s32 $0x0  }
0x3: {  	s9 =	stileid.u32;
	s17 =	simm.s32 $0x2800;
	s18 =	simm.s32 $0x5  }
0x4: {  	s19 =	simm.s32 $0x1400;
	s20 =	simm.s32 $0x40;
	s21 =	simm.s32 $0x4800  }
0x5: {  	s28 =	simm.s32 $0x2;
	s29 =	simm.s32 $0x3;
	s30 =	simm.s32 $0x4  }
0x6: {  	s31 =	simm.s32 $0x2700;
	s1 =	sand.u32 $0x1, s1;
	s6 =	smul.u32 $0x14000, s9  }
0x7: {  	[smem:$0x7FF] =	sst s4;
	s5 =	sadd.s32 $0x2C00, s0;
	s22 =	smul.u32 $0x50000, s9  }
0x8: {  	s7 =	sadd.s32 $0x71400, s0;
	s14 =	sadd.s32 $0x67400, s0;
	s3 =	smul.u32 $0x140000, s1  }
0x9: {  	_ =	strace $0x8000004D;
	s8 =	sshll.u32 s1, $0x4;
	s1 =	ssub.s32 $0x2, s1  }
0xa: {  	s8 =	sor.u32 s9, s8;
	s23 =	sshrl.u32 s1, $0x1;
	s3 =	sadd.s32 s6, s3  }
0xb: {  	s6 =	sshrl.u32 s22, $0x2;
	s10 =	smul.u32 $0x2800, s8;
	s1 =	ssub.s32 s1, s23  }
0xc: {  	s22 =	simm.s32 $0x80;
	s23 =	simm.s32 $0x6800;
	s3 =	sshrl.u32 s3, $0x3  }
0xd: {  	s6 =	sadd.s32 s6, s2;
	s16 =	smax.u32 s1, $0x1;
	s1 =	simm.s32 $0x0  }
0xe: {  	s0 =	sadd.s32 s3, s0;
	s24 =	sadd.s32 $0x4000, s6;
	s25 =	sadd.s32 $0x8000, s6  }
0xf: {  	s9 =	sadd.s32 $0xC000, s6;
	s26 =	sshrl.u32 s10, $0x3;
	[dreg:$0x4] =	wrdreg s24  }
0x10: {  	s10 =	sadd.s32 $0x10000, s6;
	[dreg:$0x5] =	wrdreg s25;
	s11 =	sadd.s32 s7, s26  }
0x11: {  	s15 =	sadd.s32 $0x280, s26;
	s12 =	sadd.s32 s14, s26;
	s24 =	simm.s32 $0xC0  }
0x12: {  	s25 =	simm.s32 $0x8800;
	s26 =	simm.s32 $0x1;
	s13 =	sadd.s32 s7, s15  }
0x13: {  	s14 =	sadd.s32 s14, s15;
	s15 =	sadd.s32 $0xCB400, s0;
	s0 =	simm.s32 $0x2780  }
.LBB2_1:
0x14: {  	s3 =	rddreg [dreg:$0x1]  }
0x15: {  	[tilespmem:s17], [sflag:$0x5] =	stream.linear.gather [hbm4b:s3+s4], $0x4000, $0x38;
	[tilespmem:$0x1E800] =	vst v63  }
0x16: {  	_ =	swait.ge [sflag:s18], $0x4000  }
0x17: {  	[sflag:s18] =	ssyncset.done $0x0  }
0x18: {  	[sflag:s18] =	ssyncadd.s32 $0xFFFFC000  }
0x19: {  	[spmem:s6] =	stream.linear.scatter [tilespmem:s17], [sflag:$0x5], $0x4000, $0x38;
	[tilespmem:$0x1E800] =	vst v63  }
0x1a: {  	_ =	swait.ge [sflag:s18], $0x4000  }
0x1b: {  	[sflag:s18] =	ssyncset.done $0x0  }
0x1c: {  	s8 =	rddreg [dreg:$0x4];
	[sflag:s18] =	ssyncadd.s32 $0xFFFFC000  }
0x1d: {  	[spmem:s8] =	stream.linear.scatter [tilespmem:s17], [sflag:$0x5], $0x4000, $0x38;
	[tilespmem:$0x1E800] =	vst v63  }
0x1e: {  	_ =	swait.ge [sflag:s18], $0x4000  }
0x1f: {  	[sflag:s18] =	ssyncset.done $0x0  }
0x20: {  	s7 =	rddreg [dreg:$0x5];
	[sflag:s18] =	ssyncadd.s32 $0xFFFFC000  }
0x21: {  	[spmem:s7] =	stream.linear.scatter [tilespmem:s17], [sflag:$0x5], $0x4000, $0x38;
	[tilespmem:$0x1E800] =	vst v63  }
0x22: {  	_ =	swait.ge [sflag:s18], $0x4000  }
0x23: {  	[sflag:s18] =	ssyncset.done $0x0  }
0x24: {  	[sflag:s18] =	ssyncadd.s32 $0xFFFFC000  }
0x25: {  	[spmem:s9] =	stream.linear.scatter [tilespmem:s17], [sflag:$0x5], $0x4000, $0x38;
	[tilespmem:$0x1E800] =	vst v63  }
0x26: {  	_ =	swait.ge [sflag:s18], $0x4000  }
0x27: {  	[sflag:s18] =	ssyncset.done $0x0  }
0x28: {  	[sflag:s18] =	ssyncadd.s32 $0xFFFFC000  }
0x29: {  	[spmem:s10] =	stream.linear.scatter [tilespmem:s17], [sflag:$0x5], $0x4000, $0x38;
	[tilespmem:$0x1E800] =	vst v63  }
0x2a: {  	_ =	swait.ge [sflag:s18], $0x4000  }
0x2b: {  	[sflag:s18] =	ssyncset.done $0x0  }
0x2c: {  	[sflag:s18] =	ssyncadd.s32 $0xFFFFC000  }
0x2d: {  	[bflag:$0x0] =	sbarrier.arrive $0xFFFF  }
0x2e: {  	[tilespmem:s4], [sflag:$0x5] =	stream.linear.gather [hbm4b:s11+s4], $0x1400, $0x38;
	[tilespmem:$0x1E800] =	vst v63  }
0x2f: {  	_ =	swait.ge [sflag:s18], $0x1400  }
0x30: {  	[sflag:s18] =	ssyncset.done $0x0  }
0x31: {  	[sflag:s18] =	ssyncadd.s32 $0xFFFFEC00  }
0x32: {  	[tilespmem:s19], [sflag:$0x5] =	stream.linear.gather [hbm4b:s12+s4], $0x1400, $0x38;
	[tilespmem:$0x1E800] =	vst v63  }
0x33: {  	_ =	swait.ge [sflag:s18], $0x1400  }
0x34: {  	[sflag:s18] =	ssyncset.done $0x0  }
0x35: {  	[sflag:s18] =	ssyncadd.s32 $0xFFFFEC00  }
0x36: {  	[tilespmem:s17], [sflag:$0x1] =	stream.indirect.gather [hbm4b:s5+s20], $0x80, s4, s20, $0xb8;
	[tilespmem:$0x1E800] =	vst v63  }
0x37: {  	_ = 	snop  }
0x38: {  	[tilespmem:s21], [sflag:$0x1] =	stream.indirect.gather [hbm4b:s5+s20], $0x80, s20, s20, $0xb8;
	[tilespmem:$0x1E800] =	vst v63  }
0x39: {  	_ = 	snop  }
0x3a: {  	[tilespmem:s23], [sflag:$0x2] =	stream.indirect.gather [hbm4b:s5+s20], $0x80, s22, s20, $0xb8;
	[tilespmem:$0x1E800] =	vst v63  }
0x3b: {  	_ = 	snop  }
0x3c: {  	[tilespmem:s25], [sflag:$0x2] =	stream.indirect.gather [hbm4b:s5+s20], $0x80, s24, s20, $0xb8;
	[tilespmem:$0x1E800] =	vst v63  }
0x3d: {  	_ =	swait.ge [sflag:s26], $0x2000  }
0x3e: {  	[sflag:s26] =	ssyncset.done $0x0  }
0x3f: {  	[sflag:s26] =	ssyncadd.s32 $0xFFFFE000  }
0x40: {  	_ =	swait.ge [sflag:s26], $0x2000  }
0x41: {  	[sflag:s26] =	ssyncset.done $0x0  }
0x42: {  	s8 =	simm.s32 $0x1400;
	[sflag:s26] =	ssyncadd.s32 $0xFFFFE000  }
0x43: {  	[spmem:s2] =	stream.indirect.scatter.add.f32 [tilespmem:s17], [sflag:$0x3], $0x80, s8, s22, $0xb8;
	[tilespmem:$0x1E800] =	vst v63  }
0x44: {  	_ =	swait.ge [sflag:s28], $0x2000  }
0x45: {  	[sflag:s28] =	ssyncset.done $0x0  }
0x46: {  	[sflag:s28] =	ssyncadd.s32 $0xFFFFE000  }
0x47: {  	_ =	swait.ge [sflag:s28], $0x2000  }
0x48: {  	[sflag:s28] =	ssyncset.done $0x0  }
0x49: {  	s7 =	simm.s32 $0x1480;
	[sflag:s28] =	ssyncadd.s32 $0xFFFFE000  }
0x4a: {  	[spmem:s2] =	stream.indirect.scatter.add.f32 [tilespmem:s23], [sflag:$0x4], $0x80, s7, s22, $0xb8;
	[tilespmem:$0x1E800] =	vst v63  }
0x4b: {  	_ =	swait.ge [sflag:s29], $0x4000  }
0x4c: {  	[sflag:s29] =	ssyncset.done $0x0  }
0x4d: {  	s8 =	simm.s32 $0x100;
	[sflag:s29] =	ssyncadd.s32 $0xFFFFC000  }
0x4e: {  	[tilespmem:s17], [sflag:$0x1] =	stream.indirect.gather [hbm4b:s5+s20], $0x80, s8, s20, $0xb8;
	[tilespmem:$0x1E800] =	vst v63  }
0x4f: {  	s7 =	simm.s32 $0x140  }
0x50: {  	[tilespmem:s21], [sflag:$0x1] =	stream.indirect.gather [hbm4b:s5+s20], $0x80, s7, s20, $0xb8;
	[tilespmem:$0x1E800] =	vst v63  }
0x51: {  	_ =	swait.ge [sflag:s30], $0x4000  }
0x52: {  	s3 =	simm.s32 $0x400;
	[sflag:s30] =	ssyncset.done $0x0  }
0x53: {  	s8 =	simm.s32 $0x180;
	s7 =	simm.s32 $0x1C0;
	[sflag:s30] =	ssyncadd.s32 $0xFFFFC000  }
0x54: {  	[tilespmem:s23], [sflag:$0x2] =	stream.indirect.gather [hbm4b:s5+s20], $0x80, s8, s20, $0xb8;
	[tilespmem:$0x1E800] =	vst v63  }
.LBB2_2:
0x55: {  	[tilespmem:s25], [sflag:$0x2] =	stream.indirect.gather [hbm4b:s5+s20], $0x80, s7, s20, $0xb8;
	[tilespmem:$0x1E800] =	vst v63  }
0x56: {  	s7 =	smov.u32 s3  }
0x57: {  	p0 =	sne.s32 s3, $0x4800;
	s3 =	sadd.s32 $0x400, s3;
	_ =	swait.ge [sflag:s26], $0x2000  }
0x58: {  	[sflag:s26] =	ssyncset.done $0x0  }
0x59: {  	[sflag:s26] =	ssyncadd.s32 $0xFFFFE000  }
0x5a: {  	_ =	swait.ge [sflag:s26], $0x2000  }
0x5b: {  	s7 =	sshra.s32 s7, $0x2;
	[sflag:s26] =	ssyncset.done $0x0  }
0x5c: {  	s8 =	sadd.s32 $0x1400, s7;
	[sflag:s26] =	ssyncadd.s32 $0xFFFFE000  }
0x5d: {  	[spmem:s2] =	stream.indirect.scatter.add.f32 [tilespmem:s17], [sflag:$0x3], $0x80, s8, s22, $0xb8;
	[tilespmem:$0x1E800] =	vst v63  }
0x5e: {  	_ =	swait.ge [sflag:s28], $0x2000  }
0x5f: {  	[sflag:s28] =	ssyncset.done $0x0  }
0x60: {  	[sflag:s28] =	ssyncadd.s32 $0xFFFFE000  }
0x61: {  	_ =	swait.ge [sflag:s28], $0x2000  }
0x62: {  	[sflag:s28] =	ssyncset.done $0x0  }
0x63: {  	s8 =	sadd.s32 $0x1480, s7;
	[sflag:s28] =	ssyncadd.s32 $0xFFFFE000  }
0x64: {  	[spmem:s2] =	stream.indirect.scatter.add.f32 [tilespmem:s23], [sflag:$0x4], $0x80, s8, s22, $0xb8;
	[tilespmem:$0x1E800] =	vst v63  }
0x65: {  	_ =	swait.ge [sflag:s29], $0x4000  }
0x66: {  	[sflag:s29] =	ssyncset.done $0x0  }
0x67: {  	s8 =	sadd.s32 $0x100, s7;
	[sflag:s29] =	ssyncadd.s32 $0xFFFFC000  }
0x68: {  	[tilespmem:s17], [sflag:$0x1] =	stream.indirect.gather [hbm4b:s5+s20], $0x80, s8, s20, $0xb8;
	[tilespmem:$0x1E800] =	vst v63  }
0x69: {  	s8 =	sadd.s32 $0x140, s7  }
0x6a: {  	[tilespmem:s21], [sflag:$0x1] =	stream.indirect.gather [hbm4b:s5+s20], $0x80, s8, s20, $0xb8;
	[tilespmem:$0x1E800] =	vst v63  }
.Ltmp0:
0x6b: {  	_ =	swait.ge [sflag:s30], $0x4000;
	(pc) =	sbr.rel @p0 .LBB2_2-.Ltmp0, $4  }
0x6c: {  	[sflag:s30] =	ssyncset.done $0x0  }
0x6d: {  	s8 =	sadd.s32 $0x180, s7;
	[sflag:s30] =	ssyncadd.s32 $0xFFFFC000  }
0x6e: {  	[tilespmem:s23], [sflag:$0x2] =	stream.indirect.gather [hbm4b:s5+s20], $0x80, s8, s20, $0xb8;
	[tilespmem:$0x1E800] =	vst v63  }
0x6f: {  	s7 =	sadd.s32 $0x1C0, s7  }
0x70: {  	[tilespmem:s25], [sflag:$0x2] =	stream.indirect.gather [hbm4b:s5+s20], $0x80, s7, s20, $0xb8;
	[tilespmem:$0x1E800] =	vst v63  }
0x71: {  	_ =	swait.ge [sflag:s26], $0x2000  }
0x72: {  	[sflag:s26] =	ssyncset.done $0x0  }
0x73: {  	[sflag:s26] =	ssyncadd.s32 $0xFFFFE000  }
0x74: {  	_ =	swait.ge [sflag:s26], $0x2000  }
0x75: {  	[sflag:s26] =	ssyncset.done $0x0  }
0x76: {  	[sflag:s26] =	ssyncadd.s32 $0xFFFFE000  }
0x77: {  	[spmem:s2] =	stream.indirect.scatter.add.f32 [tilespmem:s17], [sflag:$0x3], $0x80, s31, s22, $0xb8;
	[tilespmem:$0x1E800] =	vst v63  }
0x78: {  	_ =	swait.ge [sflag:s28], $0x2000  }
0x79: {  	[sflag:s28] =	ssyncset.done $0x0  }
0x7a: {  	[sflag:s28] =	ssyncadd.s32 $0xFFFFE000  }
0x7b: {  	_ =	swait.ge [sflag:s28], $0x2000  }
0x7c: {  	[sflag:s28] =	ssyncset.done $0x0  }
0x7d: {  	[sflag:s28] =	ssyncadd.s32 $0xFFFFE000  }
0x7e: {  	[spmem:s2] =	stream.indirect.scatter.add.f32 [tilespmem:s23], [sflag:$0x4], $0x80, s0, s22, $0xb8;
	[tilespmem:$0x1E800] =	vst v63  }
0x7f: {  	_ =	swait.ge [sflag:s29], $0x4000  }
0x80: {  	[sflag:s29] =	ssyncset.done $0x0  }
0x81: {  	[sflag:s29] =	ssyncadd.s32 $0xFFFFC000  }
0x82: {  	_ =	swait.ge [sflag:s30], $0x4000  }
0x83: {  	[sflag:s30] =	ssyncset.done $0x0  }
0x84: {  	s3 =	simm.s32 $0x0;
	[sflag:s30] =	ssyncadd.s32 $0xFFFFC000  }
0x85: {  	[tilespmem:s3], [sflag:$0x5] =	stream.linear.gather [hbm4b:s13+s3], $0x1400, $0x38;
	[tilespmem:$0x1E800] =	vst v63  }
0x86: {  	_ =	swait.ge [sflag:s18], $0x1400  }
0x87: {  	[sflag:s18] =	ssyncset.done $0x0  }
0x88: {  	[sflag:s18] =	ssyncadd.s32 $0xFFFFEC00  }
0x89: {  	[tilespmem:s19], [sflag:$0x5] =	stream.linear.gather [hbm4b:s14+s3], $0x1400, $0x38;
	[tilespmem:$0x1E800] =	vst v63  }
0x8a: {  	_ =	swait.ge [sflag:s18], $0x1400  }
0x8b: {  	[sflag:s18] =	ssyncset.done $0x0  }
0x8c: {  	[sflag:s18] =	ssyncadd.s32 $0xFFFFEC00  }
0x8d: {  	[tilespmem:s17], [sflag:$0x1] =	stream.indirect.gather [hbm4b:s5+s20], $0x80, s3, s20, $0xb8;
	[tilespmem:$0x1E800] =	vst v63  }
0x8e: {  	_ = 	snop  }
0x8f: {  	[tilespmem:s21], [sflag:$0x1] =	stream.indirect.gather [hbm4b:s5+s20], $0x80, s20, s20, $0xb8;
	[tilespmem:$0x1E800] =	vst v63  }
0x90: {  	_ = 	snop  }
0x91: {  	[tilespmem:s23], [sflag:$0x2] =	stream.indirect.gather [hbm4b:s5+s20], $0x80, s22, s20, $0xb8;
	[tilespmem:$0x1E800] =	vst v63  }
0x92: {  	_ = 	snop  }
0x93: {  	[tilespmem:s25], [sflag:$0x2] =	stream.indirect.gather [hbm4b:s5+s20], $0x80, s24, s20, $0xb8;
	[tilespmem:$0x1E800] =	vst v63  }
0x94: {  	_ =	swait.ge [sflag:s26], $0x2000  }
0x95: {  	[sflag:s26] =	ssyncset.done $0x0  }
0x96: {  	[sflag:s26] =	ssyncadd.s32 $0xFFFFE000  }
0x97: {  	_ =	swait.ge [sflag:s26], $0x2000  }
0x98: {  	[sflag:s26] =	ssyncset.done $0x0  }
0x99: {  	s8 =	simm.s32 $0x1400;
	[sflag:s26] =	ssyncadd.s32 $0xFFFFE000  }
0x9a: {  	[spmem:s2] =	stream.indirect.scatter.add.f32 [tilespmem:s17], [sflag:$0x3], $0x80, s8, s22, $0xb8;
	[tilespmem:$0x1E800] =	vst v63  }
0x9b: {  	_ =	swait.ge [sflag:s28], $0x2000  }
0x9c: {  	[sflag:s28] =	ssyncset.done $0x0  }
0x9d: {  	[sflag:s28] =	ssyncadd.s32 $0xFFFFE000  }
0x9e: {  	_ =	swait.ge [sflag:s28], $0x2000  }
0x9f: {  	[sflag:s28] =	ssyncset.done $0x0  }
0xa0: {  	s7 =	simm.s32 $0x1480;
	[sflag:s28] =	ssyncadd.s32 $0xFFFFE000  }
0xa1: {  	[spmem:s2] =	stream.indirect.scatter.add.f32 [tilespmem:s23], [sflag:$0x4], $0x80, s7, s22, $0xb8;
	[tilespmem:$0x1E800] =	vst v63  }
0xa2: {  	_ =	swait.ge [sflag:s29], $0x4000  }
0xa3: {  	[sflag:s29] =	ssyncset.done $0x0  }
0xa4: {  	s8 =	simm.s32 $0x100;
	[sflag:s29] =	ssyncadd.s32 $0xFFFFC000  }
0xa5: {  	[tilespmem:s17], [sflag:$0x1] =	stream.indirect.gather [hbm4b:s5+s20], $0x80, s8, s20, $0xb8;
	[tilespmem:$0x1E800] =	vst v63  }
0xa6: {  	s7 =	simm.s32 $0x140  }
0xa7: {  	[tilespmem:s21], [sflag:$0x1] =	stream.indirect.gather [hbm4b:s5+s20], $0x80, s7, s20, $0xb8;
	[tilespmem:$0x1E800] =	vst v63  }
0xa8: {  	_ =	swait.ge [sflag:s30], $0x4000  }
0xa9: {  	s3 =	simm.s32 $0x400;
	[sflag:s30] =	ssyncset.done $0x0  }
0xaa: {  	s8 =	simm.s32 $0x180;
	s7 =	simm.s32 $0x1C0;
	[sflag:s30] =	ssyncadd.s32 $0xFFFFC000  }
0xab: {  	[tilespmem:s23], [sflag:$0x2] =	stream.indirect.gather [hbm4b:s5+s20], $0x80, s8, s20, $0xb8;
	[tilespmem:$0x1E800] =	vst v63  }
.LBB2_4:
0xac: {  	[tilespmem:s25], [sflag:$0x2] =	stream.indirect.gather [hbm4b:s5+s20], $0x80, s7, s20, $0xb8;
	[tilespmem:$0x1E800] =	vst v63  }
0xad: {  	s7 =	smov.u32 s3  }
0xae: {  	p0 =	sne.s32 s3, $0x4800;
	s3 =	sadd.s32 $0x400, s3;
	_ =	swait.ge [sflag:s26], $0x2000  }
0xaf: {  	[sflag:s26] =	ssyncset.done $0x0  }
0xb0: {  	[sflag:s26] =	ssyncadd.s32 $0xFFFFE000  }
0xb1: {  	_ =	swait.ge [sflag:s26], $0x2000  }
0xb2: {  	s7 =	sshra.s32 s7, $0x2;
	[sflag:s26] =	ssyncset.done $0x0  }
0xb3: {  	s8 =	sadd.s32 $0x1400, s7;
	[sflag:s26] =	ssyncadd.s32 $0xFFFFE000  }
0xb4: {  	[spmem:s2] =	stream.indirect.scatter.add.f32 [tilespmem:s17], [sflag:$0x3], $0x80, s8, s22, $0xb8;
	[tilespmem:$0x1E800] =	vst v63  }
0xb5: {  	_ =	swait.ge [sflag:s28], $0x2000  }
0xb6: {  	[sflag:s28] =	ssyncset.done $0x0  }
0xb7: {  	[sflag:s28] =	ssyncadd.s32 $0xFFFFE000  }
0xb8: {  	_ =	swait.ge [sflag:s28], $0x2000  }
0xb9: {  	[sflag:s28] =	ssyncset.done $0x0  }
0xba: {  	s8 =	sadd.s32 $0x1480, s7;
	[sflag:s28] =	ssyncadd.s32 $0xFFFFE000  }
0xbb: {  	[spmem:s2] =	stream.indirect.scatter.add.f32 [tilespmem:s23], [sflag:$0x4], $0x80, s8, s22, $0xb8;
	[tilespmem:$0x1E800] =	vst v63  }
0xbc: {  	_ =	swait.ge [sflag:s29], $0x4000  }
0xbd: {  	[sflag:s29] =	ssyncset.done $0x0  }
0xbe: {  	s8 =	sadd.s32 $0x100, s7;
	[sflag:s29] =	ssyncadd.s32 $0xFFFFC000  }
0xbf: {  	[tilespmem:s17], [sflag:$0x1] =	stream.indirect.gather [hbm4b:s5+s20], $0x80, s8, s20, $0xb8;
	[tilespmem:$0x1E800] =	vst v63  }
0xc0: {  	s8 =	sadd.s32 $0x140, s7  }
0xc1: {  	[tilespmem:s21], [sflag:$0x1] =	stream.indirect.gather [hbm4b:s5+s20], $0x80, s8, s20, $0xb8;
	[tilespmem:$0x1E800] =	vst v63  }
.Ltmp1:
0xc2: {  	_ =	swait.ge [sflag:s30], $0x4000;
	(pc) =	sbr.rel @p0 .LBB2_4-.Ltmp1, $4  }
0xc3: {  	[sflag:s30] =	ssyncset.done $0x0  }
0xc4: {  	s8 =	sadd.s32 $0x180, s7;
	[sflag:s30] =	ssyncadd.s32 $0xFFFFC000  }
0xc5: {  	[tilespmem:s23], [sflag:$0x2] =	stream.indirect.gather [hbm4b:s5+s20], $0x80, s8, s20, $0xb8;
	[tilespmem:$0x1E800] =	vst v63  }
0xc6: {  	s7 =	sadd.s32 $0x1C0, s7  }
0xc7: {  	[tilespmem:s25], [sflag:$0x2] =	stream.indirect.gather [hbm4b:s5+s20], $0x80, s7, s20, $0xb8;
	[tilespmem:$0x1E800] =	vst v63  }
0xc8: {  	_ =	swait.ge [sflag:s26], $0x2000  }
0xc9: {  	[sflag:s26] =	ssyncset.done $0x0  }
0xca: {  	[sflag:s26] =	ssyncadd.s32 $0xFFFFE000  }
0xcb: {  	_ =	swait.ge [sflag:s26], $0x2000  }
0xcc: {  	[sflag:s26] =	ssyncset.done $0x0  }
0xcd: {  	[sflag:s26] =	ssyncadd.s32 $0xFFFFE000  }
0xce: {  	[spmem:s2] =	stream.indirect.scatter.add.f32 [tilespmem:s17], [sflag:$0x3], $0x80, s31, s22, $0xb8;
	[tilespmem:$0x1E800] =	vst v63  }
0xcf: {  	_ =	swait.ge [sflag:s28], $0x2000  }
0xd0: {  	[sflag:s28] =	ssyncset.done $0x0  }
0xd1: {  	[sflag:s28] =	ssyncadd.s32 $0xFFFFE000  }
0xd2: {  	_ =	swait.ge [sflag:s28], $0x2000  }
0xd3: {  	[sflag:s28] =	ssyncset.done $0x0  }
0xd4: {  	[sflag:s28] =	ssyncadd.s32 $0xFFFFE000  }
0xd5: {  	[spmem:s2] =	stream.indirect.scatter.add.f32 [tilespmem:s23], [sflag:$0x4], $0x80, s0, s22, $0xb8;
	[tilespmem:$0x1E800] =	vst v63  }
0xd6: {  	_ =	swait.ge [sflag:s29], $0x4000  }
0xd7: {  	[sflag:s29] =	ssyncset.done $0x0  }
0xd8: {  	[sflag:s29] =	ssyncadd.s32 $0xFFFFC000  }
0xd9: {  	s3 =	stileid.u32;
	_ =	swait.ge [sflag:s30], $0x4000  }
0xda: {  	s8 =	sshrl.u32 s6, $0x3;
	s1 =	sadd.s32 $0x1, s1;
	[sflag:s30] =	ssyncset.done $0x0  }
0xdb: {  	s3 =	sshll.u32 s3, $0x6;
	p0 =	sne.s32 s1, s16;
	[sflag:s30] =	ssyncadd.s32 $0xFFFFC000  }
.Ltmp2:
0xdc: {  	s3 =	sor.u32 $0x1C05, s3;
	[bflag:$0x0] =	sbarrier.arrive $0xFFFF;
	(pc) =	sbr.rel @p0 .LBB2_1-.Ltmp2, $4  }
0xdd: {  	[hbm:s15], [sflag:s3] =	dma.local [spmem:s8], $0x2800  }
0xde: {  	_ =	swait.ge [sflag:s18], $0x2800  }
0xdf: {  	[sflag:s18] =	ssyncset.done $0x0  }
0xe0: {  	[sflag:s18] =	ssyncadd.s32 $0xFFFFD800  }
0xe1: {  	_ =	sfence.sel $0x180000  }
0xe2: {  	[bflag:$0x0] =	sbarrier.arrive $0xFFFF  }
0xe3: {  	_ =	strace $0x9000004D  }
0xe4: {  	s0 =	stileid.u32;
	[bflag:$0x2] =	sbarrier.arrive $0xFFFF  }
0xe5: {  	p0 =	sne.s32 s0, $0x0;
	s0 =	rddreg [dreg:$0x3]  }
0xe6: {  	s0 =	sadd.s32 @!p0 $0x100000, s0  }
0xe7: {  	[sflag:s0] =	ssyncadd.tile.s32 @!p0 $0x1;
	_ =	shalt  }
.Lfunc_end2:
_tile_overlayer_lowered:
.L_overlay_start_2:
0xe8: {  	(tag) =	ssettag $0x2  }
0xe9: {  	s0 =	rddreg [dreg:$0x0];
	s2 =	stileid.u32  }
0xea: {  	s1 =	rddreg [dreg:$0x1];
	p0 =	sne.s32 s2, $0x0  }
0xeb: {  	s3 =	rddreg [dreg:$0x2];
	[bflag:$0x3] =	sbarrier.arrive $0xFFFF;
	s2 =	simm.s32 @!p0 $0x1C05  }
0xec: {  	[timem:s3], [sflag:s2] =	dma.local @!p0 [hbm:s0], s1  }
0xed: {  	s0 =	simm.s32 @!p0 $0x5  }
0xee: {  	_ =	swait.ge @!p0 [sflag:s0], s1  }
0xef: {  	s1 =	ssub.s32 @!p0 $0x0, s1;
	[sflag:s0] =	ssyncset.done @!p0 $0x0  }
0xf0: {  	[sflag:s0] =	ssyncadd.s32 @!p0 s1  }
0xf1: {  	[bflag:$0x3] =	sbarrier.arrive $0xFFFF  }
0xf2: {  	_ =	shalt  }

// kernel: kernel.8.cloned.1.call-start
scs
__scs_entry_jumppad:
0x0: {  	(pc) =	sbr.rel $0x88, $3  }
0x1: {  	(tag) =	ssettag $0x0;
	lr =	simm.s32 $0x1  }
0x2: {  	[smem:$0x3F99] =	sst lr;
	_ =	strace $0xD0000000  }
0x3: {  	_ = 	snop  }
0x4: {  	_ = 	snop  }
0x5: {  	_ = 	snop  }
0x6: {  	_ = 	snop  }
0x7: {  	_ = 	snop  }
__scs_overlays_trampoline_lowered:
0x8: {  	[smem:$0x3FA8] =	sst s0  }
0x9: {  	[smem:$0x3FA9] =	sst s1  }
0xa: {  	[smem:$0x3FAA] =	sst s2  }
0xb: {  	[smem:$0x3FAB] =	sst s3  }
0xc: {  	[smem:$0x3FAC] =	sst s4  }
0xd: {  	[smem:$0x3FAD] =	sst s5  }
0xe: {  	[smem:$0x3FAE] =	sst s6  }
0xf: {  	[smem:$0x3FAF] =	sst s7  }
0x10: {  	[smem:$0x3FB0] =	sst s8  }
0x11: {  	[smem:$0x3FB1] =	sst s9;
	s0 =	simm.s32 @!p0 $0x0  }
0x12: {  	s1 =	sld [smem:$0x3F97];
	s0 =	simm.s32 @p0 $0x1  }
0x13: {  	[smem:$0x3FB2] =	sst s0;
	s0 =	simm.s32 @!p1 $0x0  }
0x14: {  	s2 =	sld [smem:$0x3F96];
	s0 =	simm.s32 @p1 $0x1  }
0x15: {  	[smem:$0x3FB3] =	sst s0;
	s0 =	simm.s32 @!p2 $0x0  }
0x16: {  	s3 =	sld [smem:$0x3FDB];
	s0 =	simm.s32 @p2 $0x1  }
0x17: {  	s4 =	simm.s32 $0x1BF5;
	[smem:$0x3FB5] =	sst s0  }
0x18: {  	s0 =	sld [smem:$0x3F98];
	_ =	swait.ge [sflag:s4], $0x0  }
0x19: {  	s7 =	sld [smem:$0x3F99]  }
0x1a: {  	s8 =	sadd.s32 $0xFFFFE003, lr  }
0x1b: {  	s9 =	sadd.s32 $0xFFFFFEF7, lr;
	s5 =	simm.s32 $0xFFFFFFFF;
	p2 =	slt.u32 s8, $0xFFFFF086  }
0x1c: {  	p1 =	slt.u32 s9, $0xF7A;
	s5 =	simm.s32 @!p2 $0x0  }
0x1d: {  	s5 =	simm.s32 @p1 $0x1;
	p0 =	seq.s32 s7, s2  }
0x1e: {  	s7 =	smul.u32 @!p0 $0xF7A, s2;
	p2 =	seq.s32 @!p0 s5, $0x0  }
0x1f: {  	s9 =	smul.u32 $0xF7A, s1;
	s8 =	simm.s32 @!p0 $0x1BF5;
	p2 =	por !p2, p0  }
0x20: {  	[sflag:s8] =	ssyncset.s32 @!p0 $0xFFFFF086;
	s6 =	sadd.s32 @!p0 s3, s7;
	s7 =	simm.s32 @!p0 $0x108  }
0x21: {  	s3 =	sadd.s32 s3, s9;
	s6 =	sadd.s32 @!p0 $0x88, s6;
	s7 =	simm.s32 @p2 $0x1082  }
0x22: {  	[simem:s7], [sflag:s8] =	dma.local @!p0 [hbm:s6], $0xF7A  }
0x23: {  	s9 =	sor.u32 $0xD0000000, s2;
	s6 =	simm.s32 $0x108;
	_ =	swait.ge @!p0 [sflag:s8], $0x0  }
0x24: {  	s3 =	sadd.s32 $0x88, s3;
	s6 =	simm.s32 @!p1 $0x1082;
	[sflag:s4] =	ssyncset.s32 $0xFFFFF086  }
0x25: {  	[simem:s6], [sflag:s4] =	dma.local [hbm:s3], $0xF7A  }
0x26: {  	[smem:$0x3F99] =	sst s1;
	(tag) =	ssettag s2;
	_ =	strace s9  }
0x27: {  	s1 =	sld [smem:$0x3FA9]  }
0x28: {  	s2 =	sld [smem:$0x3FAA]  }
0x29: {  	s4 =	sld [smem:$0x3FAC]  }
0x2a: {  	p0 =	seq.s32 s5, $0x0;
	s5 =	sld [smem:$0x3FAD]  }
0x2b: {  	s6 =	sld [smem:$0x3FAE]  }
0x2c: {  	s7 =	sld [smem:$0x3FAF]  }
0x2d: {  	s3 =	simm.s32 $0x108;
	s8 =	sld [smem:$0x3FB0]  }
0x2e: {  	s3 =	simm.s32 @!p0 $0x1082;
	s9 =	sld [smem:$0x3FB1]  }
0x2f: {  	lr =	sadd.s32 s0, s3;
	s0 =	sld [smem:$0x3FA8]  }
0x30: {  	s3 =	sld [smem:$0x3FAB]  }
0x31: {  	[smem:$0x3FB4] =	sst s10  }
0x32: {  	s10 =	sld [smem:$0x3FB2];
	_ =	sdelay $0x3  }
0x33: {  	p0 =	seq.s32 s10, $0x1;
	s10 =	sld [smem:$0x3FB4];
	_ =	sdelay $0x3  }
0x34: {  	[smem:$0x3FB4] =	sst s10  }
0x35: {  	s10 =	sld [smem:$0x3FB3];
	_ =	sdelay $0x3  }
0x36: {  	p1 =	seq.s32 s10, $0x1;
	s10 =	sld [smem:$0x3FB4];
	_ =	sdelay $0x3  }
0x37: {  	[smem:$0x3FB4] =	sst s10  }
0x38: {  	s10 =	sld [smem:$0x3FB5]  }
0x39: {  	_ = 	snop;
	(pc) =	sbr.ind lr, $3  }
0x3a: {  	_ = 	snop  }
0x3b: {  	_ = 	snop  }
0x3c: {  	p2 =	seq.s32 s10, $0x1;
	s10 =	sld [smem:$0x3FB4]  }
0x3d: {  	_ =	shalt  }
0x3e: {  	_ =	shalt  }
0x3f: {  	_ =	shalt  }
0x40: {  	_ =	shalt  }
0x41: {  	_ =	shalt  }
0x42: {  	_ =	shalt  }
0x43: {  	_ =	shalt  }
0x44: {  	_ =	shalt  }
0x45: {  	_ =	shalt  }
0x46: {  	_ =	shalt  }
0x47: {  	_ =	shalt  }
0x48: {  	_ =	shalt  }
0x49: {  	_ =	shalt  }
0x4a: {  	_ =	shalt  }
0x4b: {  	_ =	shalt  }
0x4c: {  	_ =	shalt  }
0x4d: {  	_ =	shalt  }
0x4e: {  	_ =	shalt  }
0x4f: {  	_ =	shalt  }
0x50: {  	_ =	shalt  }
0x51: {  	_ =	shalt  }
0x52: {  	_ =	shalt  }
0x53: {  	_ =	shalt  }
0x54: {  	_ =	shalt  }
0x55: {  	_ =	shalt  }
0x56: {  	_ =	shalt  }
0x57: {  	_ =	shalt  }
0x58: {  	_ =	shalt  }
0x59: {  	_ =	shalt  }
0x5a: {  	_ =	shalt  }
0x5b: {  	_ =	shalt  }
0x5c: {  	_ =	shalt  }
0x5d: {  	_ =	shalt  }
0x5e: {  	_ =	shalt  }
0x5f: {  	_ =	shalt  }
0x60: {  	_ =	shalt  }
0x61: {  	_ =	shalt  }
0x62: {  	_ =	shalt  }
0x63: {  	_ =	shalt  }
0x64: {  	_ =	shalt  }
0x65: {  	_ =	shalt  }
0x66: {  	_ =	shalt  }
0x67: {  	_ =	shalt  }
0x68: {  	_ =	shalt  }
0x69: {  	_ =	shalt  }
0x6a: {  	_ =	shalt  }
0x6b: {  	_ =	shalt  }
0x6c: {  	_ =	shalt  }
0x6d: {  	_ =	shalt  }
0x6e: {  	_ =	shalt  }
0x6f: {  	_ =	shalt  }
0x70: {  	_ =	shalt  }
0x71: {  	_ =	shalt  }
0x72: {  	_ =	shalt  }
0x73: {  	_ =	shalt  }
0x74: {  	_ =	shalt  }
0x75: {  	_ =	shalt  }
0x76: {  	_ =	shalt  }
0x77: {  	_ =	shalt  }
0x78: {  	_ =	shalt  }
0x79: {  	_ =	shalt  }
0x7a: {  	_ =	shalt  }
0x7b: {  	_ =	shalt  }
0x7c: {  	_ =	shalt  }
0x7d: {  	_ =	shalt  }
0x7e: {  	_ =	shalt  }
0x7f: {  	_ =	shalt  }
0x80: {  	_ =	shalt  }
0x81: {  	_ =	shalt  }
0x82: {  	_ =	shalt  }
0x83: {  	_ =	shalt  }
0x84: {  	_ =	shalt  }
0x85: {  	_ =	shalt  }
0x86: {  	_ =	shalt  }
0x87: {  	_ =	shalt  }
.Lfunc_end0:
.L_simem_size_0:
called_computation_lowered:
.L_overlay_start_0:
0x88: {  	s2 =	sld [smem:$0x3FD9]  }
0x89: {  	s3 =	sld [smem:$0x3FFE];
	_ =	sdelay $0x1  }
0x8a: {  	s1 =	srdreg.scid  }
0x8b: {  	s0 =	sand.u32 $0x1, s1  }
0x8c: {  	s17 =	sshll.u32 s0, $0xA;
	s2 =	sadd.s32 s3, s2  }
0x8d: {  	s2 =	sadd.s32 s2, s17  }
0x8e: {  	[smem:$0x3FC0] =	sst s2  }
0x8f: {  	_ = 	snop  }
0x90: {  	s2 =	sld [smem:$0x3FD0];
	(tm) =	ssettm $0x1  }
0x91: {  	s18 =	sld [smem:$0x3FFB];
	_ =	sdelay $0x3  }
0x92: {  	_ =	strace s18  }
0x93: {  	s3 =	sld [smem:$0x3FFC];
	_ =	sdelay $0x3  }
0x94: {  	_ =	strace s3  }
0x95: {  	s3 =	sld [smem:$0x3FFD];
	_ =	sdelay $0x3  }
0x96: {  	_ =	strace s3  }
0x97: {  	_ =	strace $0x8FFFFFFF  }
0x98: {  	s19 =	sld [smem:$0x3FDB];
	_ =	sdelay $0x1  }
0x99: {  	s4 =	simm.s32 $_scs_section_size  }
0x9a: {  	s5 =	simm.s32 $_size__tile_overlayer_lowered;
	s6 =	simm.s32 $_tile_overlayer_lowered  }
0x9b: {  	s22 =	simm.s32 $0x1BFF;
	s21 =	sshll.u32 s6, $0x1;
	s3 =	sadd.s32 s4, s19  }
0x9c: {  	s7 =	simm.s32 $0x0;
	s20 =	sshll.u32 s5, $0x1;
	s5 =	sadd.s32 s21, s3  }
0x9d: {  	[timem:s7], [sflag:s22] =	dma.local [hbm:s5], s20  }
0x9e: {  	_ =	swait.ge [sflag:s22], s20  }
0x9f: {  	s4 =	ssub.s32 $0x0, s20;
	[sflag:s22] =	ssyncset.done $0x0  }
0xa0: {  	[sflag:s22] =	ssyncadd.s32 s4;
	_ =	sdelay $0x1  }
0xa1: {  	s23 =	simm.s32 $0x1B8B  }
0xa2: {  	_ =	swait.ge [sflag:s23], $0x1  }
0xa3: {  	[sflag:s23] =	ssyncset.done $0x0  }
0xa4: {  	s25 =	simm.s32 $0x1B8E;
	s24 =	sld [smem:$0x3FFE];
	[sflag:s23] =	ssyncadd.s32 $0xFFFFFFFF  }
0xa5: {  	s26 =	simm.s32 $execute0_lowered;
	[smem:$0x3FD2] =	sst s25  }
0xa6: {  	s5 =	sshll.u32 s26, $0x1;
	_ =	strace $0x80000046;
	[dreg:$0x1] =	wrdreg $0xFFFFFFFF  }
0xa7: {  	s28 =	simm.s32 $_size_execute0_lowered;
	s3 =	sadd.s32 s3, s5;
	[dreg:$0x0] =	wrdreg $0x0  }
0xa8: {  	s5 =	sshll.u32 s28, $0x1;
	[dreg:$0x2] =	wrdreg s3  }
0xa9: {  	[dreg:$0x3] =	wrdreg s5  }
0xaa: {  	[dreg:$0x4] =	wrdreg $0xC0  }
0xab: {  	_ =	task [dreg:s7], $0x5FFFF  }
0xac: {  	[dreg:$0x1] =	wrdreg $0xFFFFFFFF  }
0xad: {  	[dreg:$0x0] =	wrdreg $0x60  }
0xae: {  	[dreg:$0x2] =	wrdreg s24  }
0xaf: {  	[dreg:$0x3] =	wrdreg s2  }
0xb0: {  	[dreg:$0x4] =	wrdreg $0x90000  }
0xb1: {  	[dreg:$0x5] =	wrdreg $0x9  }
0xb2: {  	_ =	task.clear_ibuf [dreg:s7], $0x6FFFF;
	_ =	strace $0x90000046  }
0xb3: {  	s29 =	simm.s32 $0x9;
	_ =	strace $0x80000048  }
0xb4: {  	_ =	swait.ge [sflag:s29], $0x1  }
0xb5: {  	[sflag:s29] =	ssyncadd.s32 $0xFFFFFFFF  }
0xb6: {  	_ =	strace $0x90000048  }
0xb7: {  	_ =	sfence  }
0xb8: {  	s30 =	sld [smem:$0x0];
	_ =	sdelay $0x2  }
0xb9: {  	s31 =	sshll.u32 s1, $0xD;
	s1 =	sshrl.u32 s1, $0x2  }
0xba: {  	s3 =	sand.u32 $0x4000, s31;
	s1 =	sadd.s32 s1, s30  }
0xbb: {  	s0 =	sor.u32 s3, s0;
	s1 =	sshll.u32 s1, $0x11  }
0xbc: {  	s0 =	sor.u32 s1, s0  }
0xbd: {  	s0 =	sadd.s32 $0x8F2B, s0  }
0xbe: {  	[sflag:s0] =	ssyncadd.remote.s32 $0x1  }
0xbf: {  	_ =	sfence.sel $0xFFFF  }
0xc0: {  	[dreg:$0x0] =	wrdreg $0xFFFFFFFF;
	(pc) =	sbr.abs _section_cstart, $3  }
0xc1: {  	[dreg:$0x1] =	wrdreg $0xFFFFFFFF  }
0xc2: {  	_ =	task.clear_ibuf [dreg:s7], $0x2FFFF;
	_ =	strace $0x9FFFFFFF  }
0xc3: {  	(tm) =	ssettm $0x7FFFFFFF  }
tec
execute0_lowered:
.L_overlay_start_1:
0x0: {  	(tag) =	ssettag $0x1  }
0x1: {  	s6 =	rddreg [dreg:$0x0]  }
0x2: {  	s2 =	rddreg [dreg:$0x1]  }
0x3: {  	s3 =	rddreg [dreg:$0x2]  }
0x4: {  	s0 =	srdreg.scid;
	s1 =	rddreg [dreg:$0x3]  }
0x5: {  	s4 =	simm.s32 $0x0;
	s14 =	simm.s32 $0x5000;
	s7 =	sand.u32 $0x1, s0  }
0x6: {  	s15 =	simm.s32 $0x2;
	s0 =	stileid.u32;
	s5 =	smul.u32 $0x50000, s7  }
0x7: {  	s16 =	simm.s32 $0x80;
	s17 =	simm.s32 $0x100;
	s8 =	smul.u32 $0x5000, s0  }
0x8: {  	s18 =	simm.s32 $0x180;
	s19 =	simm.s32 $0x1;
	s9 =	smul.u32 $0x140000, s7  }
0x9: {  	s22 =	simm.s32 $0x0;
	[smem:$0x7FF] =	sst s4;
	s29 =	smul.u32 $0x14000, s0  }
0xa: {  	_ =	strace $0x80000047;
	s10 =	smul.u32 $0x50000, s0;
	s7 =	ssub.s32 $0x2, s7  }
0xb: {  	s20 =	sshll.u32 s0, $0x6;
	s31 =	sshrl.u32 s7, $0x1;
	s5 =	sadd.s32 s8, s5  }
0xc: {  	s8 =	sadd.s32 s29, s9;
	s30 =	sshrl.u32 s10, $0x2;
	s5 =	sshrl.u32 s5, $0x3  }
0xd: {  	s13 =	ssub.s32 s7, s31;
	s8 =	sshrl.u32 s8, $0x3;
	s11 =	sadd.s32 s5, s6  }
0xe: {  	s5 =	sadd.s32 $0x16C00, s6;
	s12 =	sadd.s32 s8, s6;
	s6 =	sadd.s32 s30, s3  }
0xf: {  	s20 =	sor.u32 $0x1C02, s20;
	s13 =	smax.u32 s13, $0x1;
	s7 =	sadd.s32 $0x4000, s6  }
0x10: {  	s8 =	sadd.s32 $0x8000, s6;
	s9 =	sadd.s32 $0xC000, s6;
	s10 =	sadd.s32 $0x10000, s6  }
0x11: {  	s11 =	sadd.s32 $0x2C00, s11;
	s12 =	sadd.s32 $0x17400, s12;
	s21 =	sshrl.u32 s6, $0x3  }
.LBB2_1:
0x12: {  	[tilespmem:s14], [sflag:$0x2] =	stream.linear.gather [hbm4b:s2+s4], $0x4000, $0x38;
	[tilespmem:$0x1D000] =	vst v63  }
0x13: {  	_ =	swait.ge [sflag:s15], $0x4000  }
0x14: {  	[sflag:s15] =	ssyncset.done $0x0  }
0x15: {  	[sflag:s15] =	ssyncadd.s32 $0xFFFFC000  }
0x16: {  	[spmem:s6] =	stream.linear.scatter [tilespmem:s14], [sflag:$0x2], $0x4000, $0x38;
	[tilespmem:$0x1D000] =	vst v63  }
0x17: {  	_ =	swait.ge [sflag:s15], $0x4000  }
0x18: {  	[sflag:s15] =	ssyncset.done $0x0  }
0x19: {  	[sflag:s15] =	ssyncadd.s32 $0xFFFFC000  }
0x1a: {  	[spmem:s7] =	stream.linear.scatter [tilespmem:s14], [sflag:$0x2], $0x4000, $0x38;
	[tilespmem:$0x1D000] =	vst v63  }
0x1b: {  	_ =	swait.ge [sflag:s15], $0x4000  }
0x1c: {  	[sflag:s15] =	ssyncset.done $0x0  }
0x1d: {  	[sflag:s15] =	ssyncadd.s32 $0xFFFFC000  }
0x1e: {  	[spmem:s8] =	stream.linear.scatter [tilespmem:s14], [sflag:$0x2], $0x4000, $0x38;
	[tilespmem:$0x1D000] =	vst v63  }
0x1f: {  	_ =	swait.ge [sflag:s15], $0x4000  }
0x20: {  	[sflag:s15] =	ssyncset.done $0x0  }
0x21: {  	[sflag:s15] =	ssyncadd.s32 $0xFFFFC000  }
0x22: {  	[spmem:s9] =	stream.linear.scatter [tilespmem:s14], [sflag:$0x2], $0x4000, $0x38;
	[tilespmem:$0x1D000] =	vst v63  }
0x23: {  	_ =	swait.ge [sflag:s15], $0x4000  }
0x24: {  	[sflag:s15] =	ssyncset.done $0x0  }
0x25: {  	[sflag:s15] =	ssyncadd.s32 $0xFFFFC000  }
0x26: {  	[spmem:s10] =	stream.linear.scatter [tilespmem:s14], [sflag:$0x2], $0x4000, $0x38;
	[tilespmem:$0x1D000] =	vst v63  }
0x27: {  	_ =	swait.ge [sflag:s15], $0x4000  }
0x28: {  	[sflag:s15] =	ssyncset.done $0x0  }
0x29: {  	[sflag:s15] =	ssyncadd.s32 $0xFFFFC000  }
0x2a: {  	[tilespmem:s4], [sflag:$0x2] =	stream.linear.gather [hbm4b:s11+s4], $0x5000, $0x38;
	[tilespmem:$0x1D000] =	vst v63  }
0x2b: {  	_ =	swait.ge [sflag:s15], $0x5000  }
0x2c: {  	[sflag:s15] =	ssyncset.done $0x0  }
0x2d: {  	[sflag:s15] =	ssyncadd.s32 $0xFFFFB000  }
0x2e: {  	[tilespmem:s14], [sflag:$0x2] =	stream.linear.gather [hbm4b:s5+s4], $0x4000, $0x38;
	[tilespmem:$0x1D000] =	vst v63  }
0x2f: {  	_ =	swait.ge [sflag:s15], $0x4000  }
0x30: {  	[sflag:s15] =	ssyncset.done $0x0  }
0x31: {  	[sflag:s15] =	ssyncadd.s32 $0xFFFFC000  }
0x32: {  	[bflag:$0x0] =	sbarrier.arrive $0xFFFF  }
0x33: {  	[spmem:s3] =	stream.indirect.scatter.add.f32 [tilespmem:s14], [sflag:$0x1], $0x80, s4, s16, $0xb8;
	[tilespmem:$0x1D000] =	vst v63  }
0x34: {  	_ = 	snop  }
0x35: {  	[spmem:s3] =	stream.indirect.scatter.add.f32 [tilespmem:s14], [sflag:$0x1], $0x80, s16, s16, $0xb8;
	[tilespmem:$0x1D000] =	vst v63  }
0x36: {  	_ = 	snop  }
0x37: {  	[spmem:s3] =	stream.indirect.scatter.add.f32 [tilespmem:s14], [sflag:$0x1], $0x80, s17, s16, $0xb8;
	[tilespmem:$0x1D000] =	vst v63  }
0x38: {  	_ = 	snop  }
0x39: {  	[spmem:s3] =	stream.indirect.scatter.add.f32 [tilespmem:s14], [sflag:$0x1], $0x80, s18, s16, $0xb8;
	[tilespmem:$0x1D000] =	vst v63  }
0x3a: {  	_ =	swait.ge [sflag:s19], $0x4000  }
0x3b: {  	[sflag:s19] =	ssyncset.done $0x0  }
0x3c: {  	s23 =	simm.s32 $0xA00;
	s24 =	simm.s32 $0x200;
	[sflag:s19] =	ssyncadd.s32 $0xFFFFC000  }
.LBB2_2:
0x3d: {  	[spmem:s3] =	stream.indirect.scatter.add.f32 [tilespmem:s14], [sflag:$0x1], $0x80, s24, s16, $0xb8;
	[tilespmem:$0x1D000] =	vst v63  }
0x3e: {  	s24 =	smov.u32 s23;
	p0 =	sne.s32 s23, $0x13E00  }
.Ltmp0:
0x3f: {  	s23 =	sadd.s32 $0x200, s23;
	(pc) =	sbr.rel @p0 .LBB2_2-.Ltmp0, $4  }
0x40: {  	_ = 	snop  }
0x41: {  	_ =	swait.ge [sflag:s19], $0x4000  }
0x42: {  	[sflag:s19] =	ssyncset.done $0x0  }
0x43: {  	s24 =	sshra.s32 s24, $0x2;
	[sflag:s19] =	ssyncadd.s32 $0xFFFFC000  }
0x44: {  	[spmem:s3] =	stream.indirect.scatter.add.f32 [tilespmem:s14], [sflag:$0x1], $0x80, s24, s16, $0xb8;
	[tilespmem:$0x1D000] =	vst v63  }
0x45: {  	_ =	swait.ge [sflag:s19], $0x4000  }
0x46: {  	[sflag:s19] =	ssyncset.done $0x0  }
0x47: {  	[sflag:s19] =	ssyncadd.s32 $0xFFFFC000  }
0x48: {  	_ =	swait.ge [sflag:s19], $0x4000  }
0x49: {  	[sflag:s19] =	ssyncset.done $0x0  }
0x4a: {  	[sflag:s19] =	ssyncadd.s32 $0xFFFFC000  }
0x4b: {  	_ =	swait.ge [sflag:s19], $0x4000  }
0x4c: {  	[sflag:s19] =	ssyncset.done $0x0  }
0x4d: {  	[sflag:s19] =	ssyncadd.s32 $0xFFFFC000  }
0x4e: {  	_ =	swait.ge [sflag:s19], $0x4000  }
0x4f: {  	s22 =	sadd.s32 $0x1, s22;
	[sflag:s19] =	ssyncset.done $0x0  }
0x50: {  	p0 =	sne.s32 s22, s13;
	[sflag:s19] =	ssyncadd.s32 $0xFFFFC000  }
.Ltmp1:
0x51: {  	[bflag:$0x0] =	sbarrier.arrive $0xFFFF;
	(pc) =	sbr.rel @p0 .LBB2_1-.Ltmp1, $4  }
0x52: {  	[hbm:s12], [sflag:s20] =	dma.local [spmem:s21], $0x2800  }
0x53: {  	_ =	swait.ge [sflag:s15], $0x2800  }
0x54: {  	[sflag:s15] =	ssyncset.done $0x0  }
0x55: {  	[sflag:s15] =	ssyncadd.s32 $0xFFFFD800  }
0x56: {  	_ =	sfence.sel $0x180000  }
0x57: {  	[bflag:$0x0] =	sbarrier.arrive $0xFFFF  }
0x58: {  	p0 =	sne.s32 s0, $0x0;
	_ =	strace $0x90000047  }
0x59: {  	s0 =	sadd.s32 @!p0 $0x100000, s1;
	[bflag:$0x2] =	sbarrier.arrive $0xFFFF  }
0x5a: {  	[sflag:s0] =	ssyncadd.tile.s32 @!p0 $0x1;
	_ =	shalt  }
.Lfunc_end2:
_tile_overlayer_lowered:
.L_overlay_start_2:
0x5b: {  	(tag) =	ssettag $0x2  }
0x5c: {  	s0 =	rddreg [dreg:$0x0];
	s2 =	stileid.u32  }
0x5d: {  	s1 =	rddreg [dreg:$0x1];
	p0 =	sne.s32 s2, $0x0  }
0x5e: {  	s3 =	rddreg [dreg:$0x2];
	[bflag:$0x3] =	sbarrier.arrive $0xFFFF;
	s2 =	simm.s32 @!p0 $0x1C02  }
0x5f: {  	[timem:s3], [sflag:s2] =	dma.local @!p0 [hbm:s0], s1  }
0x60: {  	s0 =	simm.s32 @!p0 $0x2  }
0x61: {  	_ =	swait.ge @!p0 [sflag:s0], s1  }
0x62: {  	s1 =	ssub.s32 @!p0 $0x0, s1;
	[sflag:s0] =	ssyncset.done @!p0 $0x0  }
0x63: {  	[sflag:s0] =	ssyncadd.s32 @!p0 s1  }
0x64: {  	[bflag:$0x3] =	sbarrier.arrive $0xFFFF  }
0x65: {  	_ =	shalt  }

</sc_bundles>
